<compile_context>
chip_gen: v7x
topology: tpu7x:2x2x1
jax: 0.10.2.dev20260603
libtpu: 0.0.44.dev20260713+nightly
codegen_flags: <defaults>
</compile_context>

<pallas_src>
import functools

import jax
import jax.numpy as jnp
from jax import lax
from jax.experimental import pallas as pl
from jax.experimental.pallas import tpu as pltpu
from jax.experimental.pallas import tpu_sc as plsc

B, C, H, W = 32, 3, 512, 512
SEG = H * W
NPIX = float(SEG)
NC, NS, L = 2, 16, 16
NBINS = 256
NBINS1 = NBINS + 1
HROWS = 264
CH = 32768
NCHUNK = SEG // CH
UNROLL = 16


def _sc_body(x_hbm, hist_out, buf0, buf1, h0, h1, h2, sem0, sem1):
    cid = lax.axis_index("c")
    sid = lax.axis_index("s")
    wid = sid * NC + cid
    lanes = lax.iota(jnp.int32, L)
    ones = jnp.ones((L,), jnp.float32)
    zvec = jnp.zeros((L,), jnp.float32)
    hists = (h0, h1, h2)
    bufs = (buf0, buf1)
    sems = (sem0, sem1)

    def zero_body(i, carry):
        h0[pl.ds(i * L, L)] = zvec
        h1[pl.ds(i * L, L)] = zvec
        h2[pl.ds(i * L, L)] = zvec
        return carry

    lax.fori_loop(0, HROWS, zero_body, 0)

    def proc_chunk(buf, hist_v):
        def vbody(j, carry):
            base = j * (UNROLL * L)
            vs = [buf[pl.ds(base + u * L, L)] for u in range(UNROLL)]
            bis, vms = [], []
            for u in range(UNROLL):
                v = vs[u]
                bi = (v * 128.0 + 128.0).astype(jnp.int32)
                valid = (v >= -1.0) & (v <= 1.0)
                bis.append(bi * L + lanes)
                vms.append(valid)
            for u in range(UNROLL):
                plsc.addupdate_scatter(hist_v, [bis[u]], ones, mask=vms[u])
            return carry

        lax.fori_loop(0, CH // L // UNROLL, vbody, 0)

    def start_dma(k, b):
        off = wid * C * SEG + k * CH
        pltpu.async_copy(x_hbm.at[pl.ds(off, CH)], bufs[b], sems[b])

    def wait_dma(b):
        pltpu.make_async_copy(x_hbm.at[pl.ds(0, CH)], bufs[b], sems[b]).wait()

    start_dma(0, 0)
    start_dma(1, 1)
    for ch in range(C):
        hist_v = hists[ch]

        def pair_body(i2, carry, ch=ch, hist_v=hist_v):
            k = ch * NCHUNK + 2 * i2
            for b in range(2):
                wait_dma(b)
                proc_chunk(bufs[b], hist_v)
                nxt = k + b + 2

                @pl.when(nxt < C * NCHUNK)
                def _():
                    start_dma(nxt, b)

            return carry

        lax.fori_loop(0, NCHUNK // 2, pair_body, 0)

    for ch in range(C):
        pltpu.sync_copy(hists[ch],
                        hist_out.at[wid, pl.ds(ch * HROWS * L, HROWS * L)])


@functools.partial(jax.jit, static_argnums=())
def _sc_hist(xf):
    mesh = plsc.VectorSubcoreMesh(core_axis_name="c", subcore_axis_name="s")
    f = pl.kernel(
        _sc_body,
        out_type=jax.ShapeDtypeStruct((B, C * HROWS * L), jnp.float32),
        mesh=mesh,
        compiler_params=pltpu.CompilerParams(needs_layout_passes=False),
        scratch_types=[
            pltpu.VMEM((CH,), jnp.float32),
            pltpu.VMEM((CH,), jnp.float32),
            pltpu.VMEM((HROWS * L,), jnp.float32),
            pltpu.VMEM((HROWS * L,), jnp.float32),
            pltpu.VMEM((HROWS * L,), jnp.float32),
            pltpu.SemaphoreType.DMA,
            pltpu.SemaphoreType.DMA,
        ],
    )
    return f(xf)


def _tc_moments_body(x_ref, out_ref):
    xb = x_ref[...]
    x2 = xb * xb
    s1 = jnp.sum(xb, axis=(2, 3))
    s2 = jnp.sum(x2, axis=(2, 3))
    s3 = jnp.sum(x2 * xb, axis=(2, 3))
    s4 = jnp.sum(x2 * x2, axis=(2, 3))
    out_ref[...] = jnp.stack((s1, s2, s3, s4), axis=-1)


def _tc_moments(x):
    return pl.pallas_call(
        _tc_moments_body,
        grid=(B,),
        in_specs=[pl.BlockSpec((1, C, H, W), lambda b: (b, 0, 0, 0))],
        out_specs=pl.BlockSpec((1, C, 4), lambda b: (b, 0, 0)),
        out_shape=jax.ShapeDtypeStruct((B, C, 4), jnp.float32),
    )(x)


def _tc_body(hl_ref, ms_ref, cons_ref, mean_ref, var_ref, skew_ref,
             kurt_ref, ent_ref):
    counts = jnp.sum(hl_ref[...], axis=2)
    means, vars_, skews, kurts, ents = [], [], [], [], []
    for ch in range(C):
        ccx = counts[:, ch * HROWS:ch * HROWS + NBINS1]
        cc = jnp.concatenate(
            [ccx[:, :NBINS - 1], ccx[:, NBINS - 1:NBINS] + ccx[:, NBINS:]],
            axis=1)
        tot = jnp.sum(cc, axis=1, keepdims=True)
        p = cc / tot
        nz = cc > 0.0
        logp = jnp.log(jnp.where(nz, p, 1.0))
        ent = -jnp.sum(jnp.where(nz, p * logp, 0.0), axis=1, keepdims=True)

        s1 = ms_ref[:, ch, 0:1]
        s2 = ms_ref[:, ch, 1:2]
        s3 = ms_ref[:, ch, 2:3]
        s4 = ms_ref[:, ch, 3:4]
        m = s1 / NPIX
        ex2 = s2 / NPIX
        ex3 = s3 / NPIX
        ex4 = s4 / NPIX
        var_b = ex2 - m * m
        var_u = var_b * (NPIX / (NPIX - 1.0))
        std2 = var_u + 1e-8
        std = jnp.sqrt(std2)
        m3 = ex3 - 3.0 * m * ex2 + 2.0 * m * m * m
        m4 = ex4 - 4.0 * m * ex3 + 6.0 * m * m * ex2 - 3.0 * m * m * m * m
        means.append(m)
        vars_.append(var_u)
        skews.append(m3 / (std2 * std))
        kurts.append(m4 / (std2 * std2))
        ents.append(ent)

    mean2 = jnp.concatenate(means, axis=1)
    var2 = jnp.concatenate(vars_, axis=1)
    skew2 = jnp.concatenate(skews, axis=1)
    kurt2 = jnp.concatenate(kurts, axis=1)
    ent2 = jnp.concatenate(ents, axis=1)

    cons = (jnp.mean(jnp.abs(mean2), axis=1)
            + jnp.mean(jnp.abs(var2 - 0.2), axis=1)
            + jnp.mean(jnp.abs(skew2), axis=1)
            + jnp.mean(jnp.abs(kurt2 - 3.0), axis=1)) * 0.25

    cons_ref[...] = cons
    mean_ref[...] = mean2
    var_ref[...] = var2
    skew_ref[...] = skew2
    kurt_ref[...] = kurt2
    ent_ref[...] = ent2


def _tc_finalize(hist_l, ms):
    out_shape = (
        jax.ShapeDtypeStruct((B,), jnp.float32),
        jax.ShapeDtypeStruct((B, C), jnp.float32),
        jax.ShapeDtypeStruct((B, C), jnp.float32),
        jax.ShapeDtypeStruct((B, C), jnp.float32),
        jax.ShapeDtypeStruct((B, C), jnp.float32),
        jax.ShapeDtypeStruct((B, C), jnp.float32),
    )
    return pl.pallas_call(_tc_body, out_shape=out_shape)(hist_l, ms)


def kernel(x):
    xf = x.reshape(-1)
    hist_l = _sc_hist(xf)
    ms = _tc_moments(x)
    return _tc_finalize(hist_l.reshape(B, C * HROWS, L), ms)

# --- scband reference (transcript-rebuilt; emitter-appended) ---
"""Pipeline reference for scband-statistical-consistency-37323265802853 (READ-ONLY COPY).

The authoritative reference and input builder live on the scoring server;
editing this copy changes nothing except your own understanding.
"""

import jax, jax.numpy as jnp
import numpy as np


def setup_inputs(seed: int = 0) -> dict:
    key = jax.random.key(seed)
    x = jax.random.normal(key, (32, 3, 512, 512), dtype=jnp.float32)
    return {"x": x}


def _entropy_one(v):
    hist, _ = jnp.histogram(v, bins=256, range=(-1.0, 1.0))
    hist = hist.astype(jnp.float32)
    hist = hist / hist.sum()
    safe = jnp.where(hist > 0, hist, 1.0)
    return -jnp.sum(jnp.where(hist > 0, hist * jnp.log(safe), 0.0))


def _compute_moments(x):
    B, C, H, W = x.shape
    x_flat = x.reshape(B, C, H * W)
    mean = x_flat.mean(axis=2)
    var = jnp.var(x_flat, axis=2, ddof=1)  # torch .var() is unbiased
    std = jnp.sqrt(var + 1e-08)
    centered = (x_flat - mean[:, :, None]) / std[:, :, None]
    skewness = jnp.mean(centered ** 3, axis=2)
    kurtosis = jnp.mean(centered ** 4, axis=2)
    entropy = jax.vmap(_entropy_one)(x_flat.reshape(B * C, H * W)).reshape(B, C)
    return mean, var, skewness, kurtosis, entropy


def reference(x):
    mean, var, skewness, kurtosis, entropy = _compute_moments(x)
    # reference_stats is None -> default deviation path
    mean_dev = jnp.abs(mean).mean(axis=1)
    var_dev = jnp.abs(var - 0.2).mean(axis=1)
    skew_dev = jnp.abs(skewness).mean(axis=1)
    kurt_dev = jnp.abs(kurtosis - 3.0).mean(axis=1)
    consistency = jnp.stack([mean_dev, var_dev, skew_dev, kurt_dev], axis=1).mean(axis=1)
    return (consistency, mean, var, skewness, kurtosis, entropy)

if __name__ == "__main__":
    import jax
    _d = setup_inputs()
    print(jax.jit(kernel)(*tuple(_d.values())))

</pallas_src>

<mosaic_0001>
#map = affine_map<(d0, d1) -> (0)>
#map1 = affine_map<(d0, d1) -> (0, 0)>
module attributes {stable_mosaic.version = 14 : i64} {
  func.func @_sc_body(%arg0: i32, %arg1: i32, %arg2: memref<25165824xf32, #tpu.memory_space<hbm>>, %arg3: memref<32x12672xf32, #tpu.memory_space<hbm>>, %arg4: memref<32768xf32, #tpu.memory_space<vmem>>, %arg5: memref<32768xf32, #tpu.memory_space<vmem>>, %arg6: memref<4224xf32, #tpu.memory_space<vmem>>, %arg7: memref<4224xf32, #tpu.memory_space<vmem>>, %arg8: memref<4224xf32, #tpu.memory_space<vmem>>, %arg9: memref<!tpu.dma_semaphore, #tpu.memory_space<semaphore_mem>>, %arg10: memref<!tpu.dma_semaphore, #tpu.memory_space<semaphore_mem>>) attributes {dimension_semantics = [#tpu.dimension_semantics<core_parallel>, #tpu.dimension_semantics<subcore_parallel>], iteration_bounds = array<i64: 2, 16>, scalar_prefetch = 0 : i64, scratch_operands = 7 : i64, tpu.core_type = #tpu.core_type<sc_vector_subcore>, window_params = [{transform_indices = #map}, {transform_indices = #map1}]} {
    %mul3A = arith.constant 2 : i32
    %mul3A_0 = arith.muli %arg1, %mul3A : i32
    %add3A = arith.addi %mul3A_0, %arg0 : i32
    %iota3A = tpu.iota {dimensions = array<i32: 0>} : vector<16xi32>
    %broadcast_in_dim3A = arith.constant 1.000000e+00 : f32
    %broadcast_in_dim3A_1 = vector.broadcast %broadcast_in_dim3A : f32 to vector<16xf32>
    %broadcast_in_dim3A_2 = arith.constant 0.000000e+00 : f32
    %broadcast_in_dim3A_3 = vector.broadcast %broadcast_in_dim3A_2 : f32 to vector<16xf32>
    %scan3A = arith.constant 0 : i32
    %scan3A_4 = arith.constant 0 : i32
    %scan3A_5 = arith.constant 264 : i32
    %scan3A_6 = arith.addi %scan3A_4, %scan3A_5 : i32
    %scan3A_7 = arith.constant 1 : i32
    scf.for %scan3A_42 = %scan3A_4 to %scan3A_6 step %scan3A_7  : i32 {
      %mul3A_43 = arith.constant 16 : i32
      %mul3A_44 = arith.muli %scan3A_42, %mul3A_43 : i32
      %swap3A = arith.index_cast %mul3A_44 : i32 to index
      %swap3A_45 = tpu.vector_load %arg6[%swap3A] {strides = array<i32>} : memref<4224xf32, #tpu.memory_space<vmem>>, vector<16xf32>,
      tpu.vector_store %arg6[%swap3A], %broadcast_in_dim3A_3 {strides = array<i32>} : memref<4224xf32, #tpu.memory_space<vmem>>, vector<16xf32>,
      %mul3A_46 = arith.constant 16 : i32
      %mul3A_47 = arith.muli %scan3A_42, %mul3A_46 : i32
      %swap3A_48 = arith.index_cast %mul3A_47 : i32 to index
      %swap3A_49 = tpu.vector_load %arg7[%swap3A_48] {strides = array<i32>} : memref<4224xf32, #tpu.memory_space<vmem>>, vector<16xf32>,
      tpu.vector_store %arg7[%swap3A_48], %broadcast_in_dim3A_3 {strides = array<i32>} : memref<4224xf32, #tpu.memory_space<vmem>>, vector<16xf32>,
      %mul3A_50 = arith.constant 16 : i32
      %mul3A_51 = arith.muli %scan3A_42, %mul3A_50 : i32
      %swap3A_52 = arith.index_cast %mul3A_51 : i32 to index
      %swap3A_53 = tpu.vector_load %arg8[%swap3A_52] {strides = array<i32>} : memref<4224xf32, #tpu.memory_space<vmem>>, vector<16xf32>,
      tpu.vector_store %arg8[%swap3A_52], %broadcast_in_dim3A_3 {strides = array<i32>} : memref<4224xf32, #tpu.memory_space<vmem>>, vector<16xf32>,
    }
    %scan3A_8 = arith.constant 264 : i32
    %mul3A_9 = arith.constant 3 : i32
    %mul3A_10 = arith.muli %add3A, %mul3A_9 : i32
    %mul3A_11 = arith.constant 262144 : i32
    %mul3A_12 = arith.muli %mul3A_10, %mul3A_11 : i32
    %add3A_13 = arith.constant 0 : i32
    %add3A_14 = arith.addi %mul3A_12, %add3A_13 : i32
    %dma_start3A = tpu.memref_slice %arg2[%add3A_14] : memref<25165824xf32, #tpu.memory_space<hbm>> -> memref<32768xf32, #tpu.memory_space<hbm>>
    %dma_start3A_15 = tpu.memref_slice %arg2[%add3A_14] : memref<25165824xf32, #tpu.memory_space<hbm>> -> memref<32768xf32, #tpu.memory_space<hbm>>
    tpu.enqueue_dma source(%dma_start3A_15 : memref<32768xf32, #tpu.memory_space<hbm>>) target(%arg4 : memref<32768xf32, #tpu.memory_space<vmem>>) target_semaphore(%arg9 : memref<!tpu.dma_semaphore, #tpu.memory_space<semaphore_mem>>)
    %mul3A_16 = arith.constant 3 : i32
    %mul3A_17 = arith.muli %add3A, %mul3A_16 : i32
    %mul3A_18 = arith.constant 262144 : i32
    %mul3A_19 = arith.muli %mul3A_17, %mul3A_18 : i32
    %add3A_20 = arith.constant 32768 : i32
    %add3A_21 = arith.addi %mul3A_19, %add3A_20 : i32
    %dma_start3A_22 = tpu.memref_slice %arg2[%add3A_21] : memref<25165824xf32, #tpu.memory_space<hbm>> -> memref<32768xf32, #tpu.memory_space<hbm>>
    %dma_start3A_23 = tpu.memref_slice %arg2[%add3A_21] : memref<25165824xf32, #tpu.memory_space<hbm>> -> memref<32768xf32, #tpu.memory_space<hbm>>
    tpu.enqueue_dma source(%dma_start3A_23 : memref<32768xf32, #tpu.memory_space<hbm>>) target(%arg5 : memref<32768xf32, #tpu.memory_space<vmem>>) target_semaphore(%arg10 : memref<!tpu.dma_semaphore, #tpu.memory_space<semaphore_mem>>)
    %scan3A_24 = arith.constant 0 : i32
    %scan3A_25 = arith.constant 0 : i32
    %scan3A_26 = arith.constant 4 : i32
    %scan3A_27 = arith.addi %scan3A_25, %scan3A_26 : i32
    %scan3A_28 = arith.constant 1 : i32
    scf.for %scan3A_42 = %scan3A_25 to %scan3A_27 step %scan3A_28  : i32 {
      %mul3A_43 = arith.constant 2 : i32
      %mul3A_44 = arith.muli %mul3A_43, %scan3A_42 : i32
      %add3A_45 = arith.constant 0 : i32
      %add3A_46 = arith.addi %add3A_45, %mul3A_44 : i32
      %dma_wait3A = arith.constant 0 : i32
      %dma_wait3A_47 = tpu.memref_slice %arg2[%dma_wait3A] : memref<25165824xf32, #tpu.memory_space<hbm>> -> memref<32768xf32, #tpu.memory_space<hbm>>
      %dma_wait3A_48 = arith.constant 0 : i32
      %dma_wait3A_49 = tpu.memref_slice %arg2[%dma_wait3A_48] : memref<25165824xf32, #tpu.memory_space<hbm>> -> memref<32768xf32, #tpu.memory_space<hbm>>
      tpu.wait_dma2 semaphore(%arg9 : memref<!tpu.dma_semaphore, #tpu.memory_space<semaphore_mem>>) src(%dma_wait3A_49 : memref<32768xf32, #tpu.memory_space<hbm>>) dst(%arg4 : memref<32768xf32, #tpu.memory_space<vmem>>)
      %scan3A_50 = arith.constant 0 : i32
      %scan3A_51 = arith.constant 0 : i32
      %scan3A_52 = arith.constant 128 : i32
      %scan3A_53 = arith.addi %scan3A_51, %scan3A_52 : i32
      %scan3A_54 = arith.constant 1 : i32
      scf.for %scan3A_81 = %scan3A_51 to %scan3A_53 step %scan3A_54  : i32 {
        %mul3A_82 = arith.constant 256 : i32
        %mul3A_83 = arith.muli %scan3A_81, %mul3A_82 : i32
        %add3A_84 = arith.constant 0 : i32
        %add3A_85 = arith.addi %mul3A_83, %add3A_84 : i32
        %get3A = arith.index_cast %add3A_85 : i32 to index
        %get3A_86 = tpu.vector_load %arg4[%get3A] {strides = array<i32>} : memref<32768xf32, #tpu.memory_space<vmem>>, vector<16xf32>,
        %add3A_87 = arith.constant 16 : i32
        %add3A_88 = arith.addi %mul3A_83, %add3A_87 : i32
        %get3A_89 = arith.index_cast %add3A_88 : i32 to index
        %get3A_90 = tpu.vector_load %arg4[%get3A_89] {strides = array<i32>} : memref<32768xf32, #tpu.memory_space<vmem>>, vector<16xf32>,
        %add3A_91 = arith.constant 32 : i32
        %add3A_92 = arith.addi %mul3A_83, %add3A_91 : i32
        %get3A_93 = arith.index_cast %add3A_92 : i32 to index
        %get3A_94 = tpu.vector_load %arg4[%get3A_93] {strides = array<i32>} : memref<32768xf32, #tpu.memory_space<vmem>>, vector<16xf32>,
        %add3A_95 = arith.constant 48 : i32
        %add3A_96 = arith.addi %mul3A_83, %add3A_95 : i32
        %get3A_97 = arith.index_cast %add3A_96 : i32 to index
        %get3A_98 = tpu.vector_load %arg4[%get3A_97] {strides = array<i32>} : memref<32768xf32, #tpu.memory_space<vmem>>, vector<16xf32>,
        %add3A_99 = arith.constant 64 : i32
        %add3A_100 = arith.addi %mul3A_83, %add3A_99 : i32
        %get3A_101 = arith.index_cast %add3A_100 : i32 to index
        %get3A_102 = tpu.vector_load %arg4[%get3A_101] {strides = array<i32>} : memref<32768xf32, #tpu.memory_space<vmem>>, vector<16xf32>,
        %add3A_103 = arith.constant 80 : i32
        %add3A_104 = arith.addi %mul3A_83, %add3A_103 : i32
        %get3A_105 = arith.index_cast %add3A_104 : i32 to index
        %get3A_106 = tpu.vector_load %arg4[%get3A_105] {strides = array<i32>} : memref<32768xf32, #tpu.memory_space<vmem>>, vector<16xf32>,
        %add3A_107 = arith.constant 96 : i32
        %add3A_108 = arith.addi %mul3A_83, %add3A_107 : i32
        %get3A_109 = arith.index_cast %add3A_108 : i32 to index
        %get3A_110 = tpu.vector_load %arg4[%get3A_109] {strides = array<i32>} : memref<32768xf32, #tpu.memory_space<vmem>>, vector<16xf32>,
        %add3A_111 = arith.constant 112 : i32
        %add3A_112 = arith.addi %mul3A_83, %add3A_111 : i32
        %get3A_113 = arith.index_cast %add3A_112 : i32 to index
        %get3A_114 = tpu.vector_load %arg4[%get3A_113] {strides = array<i32>} : memref<32768xf32, #tpu.memory_space<vmem>>, vector<16xf32>,
        %add3A_115 = arith.constant 128 : i32
        %add3A_116 = arith.addi %mul3A_83, %add3A_115 : i32
        %get3A_117 = arith.index_cast %add3A_116 : i32 to index
        %get3A_118 = tpu.vector_load %arg4[%get3A_117] {strides = array<i32>} : memref<32768xf32, #tpu.memory_space<vmem>>, vector<16xf32>,
        %add3A_119 = arith.constant 144 : i32
        %add3A_120 = arith.addi %mul3A_83, %add3A_119 : i32
        %get3A_121 = arith.index_cast %add3A_120 : i32 to index
        %get3A_122 = tpu.vector_load %arg4[%get3A_121] {strides = array<i32>} : memref<32768xf32, #tpu.memory_space<vmem>>, vector<16xf32>,
        %add3A_123 = arith.constant 160 : i32
        %add3A_124 = arith.addi %mul3A_83, %add3A_123 : i32
        %get3A_125 = arith.index_cast %add3A_124 : i32 to index
        %get3A_126 = tpu.vector_load %arg4[%get3A_125] {strides = array<i32>} : memref<32768xf32, #tpu.memory_space<vmem>>, vector<16xf32>,
        %add3A_127 = arith.constant 176 : i32
        %add3A_128 = arith.addi %mul3A_83, %add3A_127 : i32
        %get3A_129 = arith.index_cast %add3A_128 : i32 to index
        %get3A_130 = tpu.vector_load %arg4[%get3A_129] {strides = array<i32>} : memref<32768xf32, #tpu.memory_space<vmem>>, vector<16xf32>,
        %add3A_131 = arith.constant 192 : i32
        %add3A_132 = arith.addi %mul3A_83, %add3A_131 : i32
        %get3A_133 = arith.index_cast %add3A_132 : i32 to index
        %get3A_134 = tpu.vector_load %arg4[%get3A_133] {strides = array<i32>} : memref<32768xf32, #tpu.memory_space<vmem>>, vector<16xf32>,
        %add3A_135 = arith.constant 208 : i32
        %add3A_136 = arith.addi %mul3A_83, %add3A_135 : i32
        %get3A_137 = arith.index_cast %add3A_136 : i32 to index
        %get3A_138 = tpu.vector_load %arg4[%get3A_137] {strides = array<i32>} : memref<32768xf32, #tpu.memory_space<vmem>>, vector<16xf32>,
        %add3A_139 = arith.constant 224 : i32
        %add3A_140 = arith.addi %mul3A_83, %add3A_139 : i32
        %get3A_141 = arith.index_cast %add3A_140 : i32 to index
        %get3A_142 = tpu.vector_load %arg4[%get3A_141] {strides = array<i32>} : memref<32768xf32, #tpu.memory_space<vmem>>, vector<16xf32>,
        %add3A_143 = arith.constant 240 : i32
        %add3A_144 = arith.addi %mul3A_83, %add3A_143 : i32
        %get3A_145 = arith.index_cast %add3A_144 : i32 to index
        %get3A_146 = tpu.vector_load %arg4[%get3A_145] {strides = array<i32>} : memref<32768xf32, #tpu.memory_space<vmem>>, vector<16xf32>,
        %mul3A_147 = arith.constant 1.280000e+02 : f32
        %mul3A_148 = vector.broadcast %mul3A_147 : f32 to vector<16xf32>
        %mul3A_149 = arith.mulf %get3A_86, %mul3A_148 : vector<16xf32>
        %add3A_150 = arith.constant 1.280000e+02 : f32
        %add3A_151 = vector.broadcast %add3A_150 : f32 to vector<16xf32>
        %add3A_152 = arith.addf %mul3A_149, %add3A_151 : vector<16xf32>
        %convert_element_type3A_153 = arith.fptosi %add3A_152 : vector<16xf32> to vector<16xi32>
        %ge3A = arith.constant -1.000000e+00 : f32
        %ge3A_154 = vector.broadcast %ge3A : f32 to vector<16xf32>
        %ge3A_155 = arith.cmpf oge, %get3A_86, %ge3A_154 : vector<16xf32>
        %le3A = arith.constant 1.000000e+00 : f32
        %le3A_156 = vector.broadcast %le3A : f32 to vector<16xf32>
        %le3A_157 = arith.cmpf ole, %get3A_86, %le3A_156 : vector<16xf32>
        %and3A = arith.andi %ge3A_155, %le3A_157 : vector<16xi1>
        %mul3A_158 = arith.constant 16 : i32
        %mul3A_159 = vector.broadcast %mul3A_158 : i32 to vector<16xi32>
        %mul3A_160 = arith.muli %convert_element_type3A_153, %mul3A_159 : vector<16xi32>
        %add3A_161 = arith.addi %mul3A_160, %iota3A : vector<16xi32>
        %mul3A_162 = arith.constant 1.280000e+02 : f32
        %mul3A_163 = vector.broadcast %mul3A_162 : f32 to vector<16xf32>
        %mul3A_164 = arith.mulf %get3A_90, %mul3A_163 : vector<16xf32>
        %add3A_165 = arith.constant 1.280000e+02 : f32
        %add3A_166 = vector.broadcast %add3A_165 : f32 to vector<16xf32>
        %add3A_167 = arith.addf %mul3A_164, %add3A_166 : vector<16xf32>
        %convert_element_type3A_168 = arith.fptosi %add3A_167 : vector<16xf32> to vector<16xi32>
        %ge3A_169 = arith.constant -1.000000e+00 : f32
        %ge3A_170 = vector.broadcast %ge3A_169 : f32 to vector<16xf32>
        %ge3A_171 = arith.cmpf oge, %get3A_90, %ge3A_170 : vector<16xf32>
        %le3A_172 = arith.constant 1.000000e+00 : f32
        %le3A_173 = vector.broadcast %le3A_172 : f32 to vector<16xf32>
        %le3A_174 = arith.cmpf ole, %get3A_90, %le3A_173 : vector<16xf32>
        %and3A_175 = arith.andi %ge3A_171, %le3A_174 : vector<16xi1>
        %mul3A_176 = arith.constant 16 : i32
        %mul3A_177 = vector.broadcast %mul3A_176 : i32 to vector<16xi32>
        %mul3A_178 = arith.muli %convert_element_type3A_168, %mul3A_177 : vector<16xi32>
        %add3A_179 = arith.addi %mul3A_178, %iota3A : vector<16xi32>
        %mul3A_180 = arith.constant 1.280000e+02 : f32
        %mul3A_181 = vector.broadcast %mul3A_180 : f32 to vector<16xf32>
        %mul3A_182 = arith.mulf %get3A_94, %mul3A_181 : vector<16xf32>
        %add3A_183 = arith.constant 1.280000e+02 : f32
        %add3A_184 = vector.broadcast %add3A_183 : f32 to vector<16xf32>
        %add3A_185 = arith.addf %mul3A_182, %add3A_184 : vector<16xf32>
        %convert_element_type3A_186 = arith.fptosi %add3A_185 : vector<16xf32> to vector<16xi32>
        %ge3A_187 = arith.constant -1.000000e+00 : f32
        %ge3A_188 = vector.broadcast %ge3A_187 : f32 to vector<16xf32>
        %ge3A_189 = arith.cmpf oge, %get3A_94, %ge3A_188 : vector<16xf32>
        %le3A_190 = arith.constant 1.000000e+00 : f32
        %le3A_191 = vector.broadcast %le3A_190 : f32 to vector<16xf32>
        %le3A_192 = arith.cmpf ole, %get3A_94, %le3A_191 : vector<16xf32>
        %and3A_193 = arith.andi %ge3A_189, %le3A_192 : vector<16xi1>
        %mul3A_194 = arith.constant 16 : i32
        %mul3A_195 = vector.broadcast %mul3A_194 : i32 to vector<16xi32>
        %mul3A_196 = arith.muli %convert_element_type3A_186, %mul3A_195 : vector<16xi32>
        %add3A_197 = arith.addi %mul3A_196, %iota3A : vector<16xi32>
        %mul3A_198 = arith.constant 1.280000e+02 : f32
        %mul3A_199 = vector.broadcast %mul3A_198 : f32 to vector<16xf32>
        %mul3A_200 = arith.mulf %get3A_98, %mul3A_199 : vector<16xf32>
        %add3A_201 = arith.constant 1.280000e+02 : f32
        %add3A_202 = vector.broadcast %add3A_201 : f32 to vector<16xf32>
        %add3A_203 = arith.addf %mul3A_200, %add3A_202 : vector<16xf32>
        %convert_element_type3A_204 = arith.fptosi %add3A_203 : vector<16xf32> to vector<16xi32>
        %ge3A_205 = arith.constant -1.000000e+00 : f32
        %ge3A_206 = vector.broadcast %ge3A_205 : f32 to vector<16xf32>
        %ge3A_207 = arith.cmpf oge, %get3A_98, %ge3A_206 : vector<16xf32>
        %le3A_208 = arith.constant 1.000000e+00 : f32
        %le3A_209 = vector.broadcast %le3A_208 : f32 to vector<16xf32>
        %le3A_210 = arith.cmpf ole, %get3A_98, %le3A_209 : vector<16xf32>
        %and3A_211 = arith.andi %ge3A_207, %le3A_210 : vector<16xi1>
        %mul3A_212 = arith.constant 16 : i32
        %mul3A_213 = vector.broadcast %mul3A_212 : i32 to vector<16xi32>
        %mul3A_214 = arith.muli %convert_element_type3A_204, %mul3A_213 : vector<16xi32>
        %add3A_215 = arith.addi %mul3A_214, %iota3A : vector<16xi32>
        %mul3A_216 = arith.constant 1.280000e+02 : f32
        %mul3A_217 = vector.broadcast %mul3A_216 : f32 to vector<16xf32>
        %mul3A_218 = arith.mulf %get3A_102, %mul3A_217 : vector<16xf32>
        %add3A_219 = arith.constant 1.280000e+02 : f32
        %add3A_220 = vector.broadcast %add3A_219 : f32 to vector<16xf32>
        %add3A_221 = arith.addf %mul3A_218, %add3A_220 : vector<16xf32>
        %convert_element_type3A_222 = arith.fptosi %add3A_221 : vector<16xf32> to vector<16xi32>
        %ge3A_223 = arith.constant -1.000000e+00 : f32
        %ge3A_224 = vector.broadcast %ge3A_223 : f32 to vector<16xf32>
        %ge3A_225 = arith.cmpf oge, %get3A_102, %ge3A_224 : vector<16xf32>
        %le3A_226 = arith.constant 1.000000e+00 : f32
        %le3A_227 = vector.broadcast %le3A_226 : f32 to vector<16xf32>
        %le3A_228 = arith.cmpf ole, %get3A_102, %le3A_227 : vector<16xf32>
        %and3A_229 = arith.andi %ge3A_225, %le3A_228 : vector<16xi1>
        %mul3A_230 = arith.constant 16 : i32
        %mul3A_231 = vector.broadcast %mul3A_230 : i32 to vector<16xi32>
        %mul3A_232 = arith.muli %convert_element_type3A_222, %mul3A_231 : vector<16xi32>
        %add3A_233 = arith.addi %mul3A_232, %iota3A : vector<16xi32>
        %mul3A_234 = arith.constant 1.280000e+02 : f32
        %mul3A_235 = vector.broadcast %mul3A_234 : f32 to vector<16xf32>
        %mul3A_236 = arith.mulf %get3A_106, %mul3A_235 : vector<16xf32>
        %add3A_237 = arith.constant 1.280000e+02 : f32
        %add3A_238 = vector.broadcast %add3A_237 : f32 to vector<16xf32>
        %add3A_239 = arith.addf %mul3A_236, %add3A_238 : vector<16xf32>
        %convert_element_type3A_240 = arith.fptosi %add3A_239 : vector<16xf32> to vector<16xi32>
        %ge3A_241 = arith.constant -1.000000e+00 : f32
        %ge3A_242 = vector.broadcast %ge3A_241 : f32 to vector<16xf32>
        %ge3A_243 = arith.cmpf oge, %get3A_106, %ge3A_242 : vector<16xf32>
        %le3A_244 = arith.constant 1.000000e+00 : f32
        %le3A_245 = vector.broadcast %le3A_244 : f32 to vector<16xf32>
        %le3A_246 = arith.cmpf ole, %get3A_106, %le3A_245 : vector<16xf32>
        %and3A_247 = arith.andi %ge3A_243, %le3A_246 : vector<16xi1>
        %mul3A_248 = arith.constant 16 : i32
        %mul3A_249 = vector.broadcast %mul3A_248 : i32 to vector<16xi32>
        %mul3A_250 = arith.muli %convert_element_type3A_240, %mul3A_249 : vector<16xi32>
        %add3A_251 = arith.addi %mul3A_250, %iota3A : vector<16xi32>
        %mul3A_252 = arith.constant 1.280000e+02 : f32
        %mul3A_253 = vector.broadcast %mul3A_252 : f32 to vector<16xf32>
        %mul3A_254 = arith.mulf %get3A_110, %mul3A_253 : vector<16xf32>
        %add3A_255 = arith.constant 1.280000e+02 : f32
        %add3A_256 = vector.broadcast %add3A_255 : f32 to vector<16xf32>
        %add3A_257 = arith.addf %mul3A_254, %add3A_256 : vector<16xf32>
        %convert_element_type3A_258 = arith.fptosi %add3A_257 : vector<16xf32> to vector<16xi32>
        %ge3A_259 = arith.constant -1.000000e+00 : f32
        %ge3A_260 = vector.broadcast %ge3A_259 : f32 to vector<16xf32>
        %ge3A_261 = arith.cmpf oge, %get3A_110, %ge3A_260 : vector<16xf32>
        %le3A_262 = arith.constant 1.000000e+00 : f32
        %le3A_263 = vector.broadcast %le3A_262 : f32 to vector<16xf32>
        %le3A_264 = arith.cmpf ole, %get3A_110, %le3A_263 : vector<16xf32>
        %and3A_265 = arith.andi %ge3A_261, %le3A_264 : vector<16xi1>
        %mul3A_266 = arith.constant 16 : i32
        %mul3A_267 = vector.broadcast %mul3A_266 : i32 to vector<16xi32>
        %mul3A_268 = arith.muli %convert_element_type3A_258, %mul3A_267 : vector<16xi32>
        %add3A_269 = arith.addi %mul3A_268, %iota3A : vector<16xi32>
        %mul3A_270 = arith.constant 1.280000e+02 : f32
        %mul3A_271 = vector.broadcast %mul3A_270 : f32 to vector<16xf32>
        %mul3A_272 = arith.mulf %get3A_114, %mul3A_271 : vector<16xf32>
        %add3A_273 = arith.constant 1.280000e+02 : f32
        %add3A_274 = vector.broadcast %add3A_273 : f32 to vector<16xf32>
        %add3A_275 = arith.addf %mul3A_272, %add3A_274 : vector<16xf32>
        %convert_element_type3A_276 = arith.fptosi %add3A_275 : vector<16xf32> to vector<16xi32>
        %ge3A_277 = arith.constant -1.000000e+00 : f32
        %ge3A_278 = vector.broadcast %ge3A_277 : f32 to vector<16xf32>
        %ge3A_279 = arith.cmpf oge, %get3A_114, %ge3A_278 : vector<16xf32>
        %le3A_280 = arith.constant 1.000000e+00 : f32
        %le3A_281 = vector.broadcast %le3A_280 : f32 to vector<16xf32>
        %le3A_282 = arith.cmpf ole, %get3A_114, %le3A_281 : vector<16xf32>
        %and3A_283 = arith.andi %ge3A_279, %le3A_282 : vector<16xi1>
        %mul3A_284 = arith.constant 16 : i32
        %mul3A_285 = vector.broadcast %mul3A_284 : i32 to vector<16xi32>
        %mul3A_286 = arith.muli %convert_element_type3A_276, %mul3A_285 : vector<16xi32>
        %add3A_287 = arith.addi %mul3A_286, %iota3A : vector<16xi32>
        %mul3A_288 = arith.constant 1.280000e+02 : f32
        %mul3A_289 = vector.broadcast %mul3A_288 : f32 to vector<16xf32>
        %mul3A_290 = arith.mulf %get3A_118, %mul3A_289 : vector<16xf32>
        %add3A_291 = arith.constant 1.280000e+02 : f32
        %add3A_292 = vector.broadcast %add3A_291 : f32 to vector<16xf32>
        %add3A_293 = arith.addf %mul3A_290, %add3A_292 : vector<16xf32>
        %convert_element_type3A_294 = arith.fptosi %add3A_293 : vector<16xf32> to vector<16xi32>
        %ge3A_295 = arith.constant -1.000000e+00 : f32
        %ge3A_296 = vector.broadcast %ge3A_295 : f32 to vector<16xf32>
        %ge3A_297 = arith.cmpf oge, %get3A_118, %ge3A_296 : vector<16xf32>
        %le3A_298 = arith.constant 1.000000e+00 : f32
        %le3A_299 = vector.broadcast %le3A_298 : f32 to vector<16xf32>
        %le3A_300 = arith.cmpf ole, %get3A_118, %le3A_299 : vector<16xf32>
        %and3A_301 = arith.andi %ge3A_297, %le3A_300 : vector<16xi1>
        %mul3A_302 = arith.constant 16 : i32
        %mul3A_303 = vector.broadcast %mul3A_302 : i32 to vector<16xi32>
        %mul3A_304 = arith.muli %convert_element_type3A_294, %mul3A_303 : vector<16xi32>
        %add3A_305 = arith.addi %mul3A_304, %iota3A : vector<16xi32>
        %mul3A_306 = arith.constant 1.280000e+02 : f32
        %mul3A_307 = vector.broadcast %mul3A_306 : f32 to vector<16xf32>
        %mul3A_308 = arith.mulf %get3A_122, %mul3A_307 : vector<16xf32>
        %add3A_309 = arith.constant 1.280000e+02 : f32
        %add3A_310 = vector.broadcast %add3A_309 : f32 to vector<16xf32>
        %add3A_311 = arith.addf %mul3A_308, %add3A_310 : vector<16xf32>
        %convert_element_type3A_312 = arith.fptosi %add3A_311 : vector<16xf32> to vector<16xi32>
        %ge3A_313 = arith.constant -1.000000e+00 : f32
        %ge3A_314 = vector.broadcast %ge3A_313 : f32 to vector<16xf32>
        %ge3A_315 = arith.cmpf oge, %get3A_122, %ge3A_314 : vector<16xf32>
        %le3A_316 = arith.constant 1.000000e+00 : f32
        %le3A_317 = vector.broadcast %le3A_316 : f32 to vector<16xf32>
        %le3A_318 = arith.cmpf ole, %get3A_122, %le3A_317 : vector<16xf32>
        %and3A_319 = arith.andi %ge3A_315, %le3A_318 : vector<16xi1>
        %mul3A_320 = arith.constant 16 : i32
        %mul3A_321 = vector.broadcast %mul3A_320 : i32 to vector<16xi32>
        %mul3A_322 = arith.muli %convert_element_type3A_312, %mul3A_321 : vector<16xi32>
        %add3A_323 = arith.addi %mul3A_322, %iota3A : vector<16xi32>
        %mul3A_324 = arith.constant 1.280000e+02 : f32
        %mul3A_325 = vector.broadcast %mul3A_324 : f32 to vector<16xf32>
        %mul3A_326 = arith.mulf %get3A_126, %mul3A_325 : vector<16xf32>
        %add3A_327 = arith.constant 1.280000e+02 : f32
        %add3A_328 = vector.broadcast %add3A_327 : f32 to vector<16xf32>
        %add3A_329 = arith.addf %mul3A_326, %add3A_328 : vector<16xf32>
        %convert_element_type3A_330 = arith.fptosi %add3A_329 : vector<16xf32> to vector<16xi32>
        %ge3A_331 = arith.constant -1.000000e+00 : f32
        %ge3A_332 = vector.broadcast %ge3A_331 : f32 to vector<16xf32>
        %ge3A_333 = arith.cmpf oge, %get3A_126, %ge3A_332 : vector<16xf32>
        %le3A_334 = arith.constant 1.000000e+00 : f32
        %le3A_335 = vector.broadcast %le3A_334 : f32 to vector<16xf32>
        %le3A_336 = arith.cmpf ole, %get3A_126, %le3A_335 : vector<16xf32>
        %and3A_337 = arith.andi %ge3A_333, %le3A_336 : vector<16xi1>
        %mul3A_338 = arith.constant 16 : i32
        %mul3A_339 = vector.broadcast %mul3A_338 : i32 to vector<16xi32>
        %mul3A_340 = arith.muli %convert_element_type3A_330, %mul3A_339 : vector<16xi32>
        %add3A_341 = arith.addi %mul3A_340, %iota3A : vector<16xi32>
        %mul3A_342 = arith.constant 1.280000e+02 : f32
        %mul3A_343 = vector.broadcast %mul3A_342 : f32 to vector<16xf32>
        %mul3A_344 = arith.mulf %get3A_130, %mul3A_343 : vector<16xf32>
        %add3A_345 = arith.constant 1.280000e+02 : f32
        %add3A_346 = vector.broadcast %add3A_345 : f32 to vector<16xf32>
        %add3A_347 = arith.addf %mul3A_344, %add3A_346 : vector<16xf32>
        %convert_element_type3A_348 = arith.fptosi %add3A_347 : vector<16xf32> to vector<16xi32>
        %ge3A_349 = arith.constant -1.000000e+00 : f32
        %ge3A_350 = vector.broadcast %ge3A_349 : f32 to vector<16xf32>
        %ge3A_351 = arith.cmpf oge, %get3A_130, %ge3A_350 : vector<16xf32>
        %le3A_352 = arith.constant 1.000000e+00 : f32
        %le3A_353 = vector.broadcast %le3A_352 : f32 to vector<16xf32>
        %le3A_354 = arith.cmpf ole, %get3A_130, %le3A_353 : vector<16xf32>
        %and3A_355 = arith.andi %ge3A_351, %le3A_354 : vector<16xi1>
        %mul3A_356 = arith.constant 16 : i32
        %mul3A_357 = vector.broadcast %mul3A_356 : i32 to vector<16xi32>
        %mul3A_358 = arith.muli %convert_element_type3A_348, %mul3A_357 : vector<16xi32>
        %add3A_359 = arith.addi %mul3A_358, %iota3A : vector<16xi32>
        %mul3A_360 = arith.constant 1.280000e+02 : f32
        %mul3A_361 = vector.broadcast %mul3A_360 : f32 to vector<16xf32>
        %mul3A_362 = arith.mulf %get3A_134, %mul3A_361 : vector<16xf32>
        %add3A_363 = arith.constant 1.280000e+02 : f32
        %add3A_364 = vector.broadcast %add3A_363 : f32 to vector<16xf32>
        %add3A_365 = arith.addf %mul3A_362, %add3A_364 : vector<16xf32>
        %convert_element_type3A_366 = arith.fptosi %add3A_365 : vector<16xf32> to vector<16xi32>
        %ge3A_367 = arith.constant -1.000000e+00 : f32
        %ge3A_368 = vector.broadcast %ge3A_367 : f32 to vector<16xf32>
        %ge3A_369 = arith.cmpf oge, %get3A_134, %ge3A_368 : vector<16xf32>
        %le3A_370 = arith.constant 1.000000e+00 : f32
        %le3A_371 = vector.broadcast %le3A_370 : f32 to vector<16xf32>
        %le3A_372 = arith.cmpf ole, %get3A_134, %le3A_371 : vector<16xf32>
        %and3A_373 = arith.andi %ge3A_369, %le3A_372 : vector<16xi1>
        %mul3A_374 = arith.constant 16 : i32
        %mul3A_375 = vector.broadcast %mul3A_374 : i32 to vector<16xi32>
        %mul3A_376 = arith.muli %convert_element_type3A_366, %mul3A_375 : vector<16xi32>
        %add3A_377 = arith.addi %mul3A_376, %iota3A : vector<16xi32>
        %mul3A_378 = arith.constant 1.280000e+02 : f32
        %mul3A_379 = vector.broadcast %mul3A_378 : f32 to vector<16xf32>
        %mul3A_380 = arith.mulf %get3A_138, %mul3A_379 : vector<16xf32>
        %add3A_381 = arith.constant 1.280000e+02 : f32
        %add3A_382 = vector.broadcast %add3A_381 : f32 to vector<16xf32>
        %add3A_383 = arith.addf %mul3A_380, %add3A_382 : vector<16xf32>
        %convert_element_type3A_384 = arith.fptosi %add3A_383 : vector<16xf32> to vector<16xi32>
        %ge3A_385 = arith.constant -1.000000e+00 : f32
        %ge3A_386 = vector.broadcast %ge3A_385 : f32 to vector<16xf32>
        %ge3A_387 = arith.cmpf oge, %get3A_138, %ge3A_386 : vector<16xf32>
        %le3A_388 = arith.constant 1.000000e+00 : f32
        %le3A_389 = vector.broadcast %le3A_388 : f32 to vector<16xf32>
        %le3A_390 = arith.cmpf ole, %get3A_138, %le3A_389 : vector<16xf32>
        %and3A_391 = arith.andi %ge3A_387, %le3A_390 : vector<16xi1>
        %mul3A_392 = arith.constant 16 : i32
        %mul3A_393 = vector.broadcast %mul3A_392 : i32 to vector<16xi32>
        %mul3A_394 = arith.muli %convert_element_type3A_384, %mul3A_393 : vector<16xi32>
        %add3A_395 = arith.addi %mul3A_394, %iota3A : vector<16xi32>
        %mul3A_396 = arith.constant 1.280000e+02 : f32
        %mul3A_397 = vector.broadcast %mul3A_396 : f32 to vector<16xf32>
        %mul3A_398 = arith.mulf %get3A_142, %mul3A_397 : vector<16xf32>
        %add3A_399 = arith.constant 1.280000e+02 : f32
        %add3A_400 = vector.broadcast %add3A_399 : f32 to vector<16xf32>
        %add3A_401 = arith.addf %mul3A_398, %add3A_400 : vector<16xf32>
        %convert_element_type3A_402 = arith.fptosi %add3A_401 : vector<16xf32> to vector<16xi32>
        %ge3A_403 = arith.constant -1.000000e+00 : f32
        %ge3A_404 = vector.broadcast %ge3A_403 : f32 to vector<16xf32>
        %ge3A_405 = arith.cmpf oge, %get3A_142, %ge3A_404 : vector<16xf32>
        %le3A_406 = arith.constant 1.000000e+00 : f32
        %le3A_407 = vector.broadcast %le3A_406 : f32 to vector<16xf32>
        %le3A_408 = arith.cmpf ole, %get3A_142, %le3A_407 : vector<16xf32>
        %and3A_409 = arith.andi %ge3A_405, %le3A_408 : vector<16xi1>
        %mul3A_410 = arith.constant 16 : i32
        %mul3A_411 = vector.broadcast %mul3A_410 : i32 to vector<16xi32>
        %mul3A_412 = arith.muli %convert_element_type3A_402, %mul3A_411 : vector<16xi32>
        %add3A_413 = arith.addi %mul3A_412, %iota3A : vector<16xi32>
        %mul3A_414 = arith.constant 1.280000e+02 : f32
        %mul3A_415 = vector.broadcast %mul3A_414 : f32 to vector<16xf32>
        %mul3A_416 = arith.mulf %get3A_146, %mul3A_415 : vector<16xf32>
        %add3A_417 = arith.constant 1.280000e+02 : f32
        %add3A_418 = vector.broadcast %add3A_417 : f32 to vector<16xf32>
        %add3A_419 = arith.addf %mul3A_416, %add3A_418 : vector<16xf32>
        %convert_element_type3A_420 = arith.fptosi %add3A_419 : vector<16xf32> to vector<16xi32>
        %ge3A_421 = arith.constant -1.000000e+00 : f32
        %ge3A_422 = vector.broadcast %ge3A_421 : f32 to vector<16xf32>
        %ge3A_423 = arith.cmpf oge, %get3A_146, %ge3A_422 : vector<16xf32>
        %le3A_424 = arith.constant 1.000000e+00 : f32
        %le3A_425 = vector.broadcast %le3A_424 : f32 to vector<16xf32>
        %le3A_426 = arith.cmpf ole, %get3A_146, %le3A_425 : vector<16xf32>
        %and3A_427 = arith.andi %ge3A_423, %le3A_426 : vector<16xi1>
        %mul3A_428 = arith.constant 16 : i32
        %mul3A_429 = vector.broadcast %mul3A_428 : i32 to vector<16xi32>
        %mul3A_430 = arith.muli %convert_element_type3A_420, %mul3A_429 : vector<16xi32>
        %add3A_431 = arith.addi %mul3A_430, %iota3A : vector<16xi32>
        tpu.vector_store_idx %arg6[%add3A_161], %broadcast_in_dim3A_1 masked %and3A {add = true} : memref<4224xf32, #tpu.memory_space<vmem>>[vector<16xi32>], vector<16xf32>, vector<16xi1>
        tpu.vector_store_idx %arg6[%add3A_179], %broadcast_in_dim3A_1 masked %and3A_175 {add = true} : memref<4224xf32, #tpu.memory_space<vmem>>[vector<16xi32>], vector<16xf32>, vector<16xi1>
        tpu.vector_store_idx %arg6[%add3A_197], %broadcast_in_dim3A_1 masked %and3A_193 {add = true} : memref<4224xf32, #tpu.memory_space<vmem>>[vector<16xi32>], vector<16xf32>, vector<16xi1>
        tpu.vector_store_idx %arg6[%add3A_215], %broadcast_in_dim3A_1 masked %and3A_211 {add = true} : memref<4224xf32, #tpu.memory_space<vmem>>[vector<16xi32>], vector<16xf32>, vector<16xi1>
        tpu.vector_store_idx %arg6[%add3A_233], %broadcast_in_dim3A_1 masked %and3A_229 {add = true} : memref<4224xf32, #tpu.memory_space<vmem>>[vector<16xi32>], vector<16xf32>, vector<16xi1>
        tpu.vector_store_idx %arg6[%add3A_251], %broadcast_in_dim3A_1 masked %and3A_247 {add = true} : memref<4224xf32, #tpu.memory_space<vmem>>[vector<16xi32>], vector<16xf32>, vector<16xi1>
        tpu.vector_store_idx %arg6[%add3A_269], %broadcast_in_dim3A_1 masked %and3A_265 {add = true} : memref<4224xf32, #tpu.memory_space<vmem>>[vector<16xi32>], vector<16xf32>, vector<16xi1>
        tpu.vector_store_idx %arg6[%add3A_287], %broadcast_in_dim3A_1 masked %and3A_283 {add = true} : memref<4224xf32, #tpu.memory_space<vmem>>[vector<16xi32>], vector<16xf32>, vector<16xi1>
        tpu.vector_store_idx %arg6[%add3A_305], %broadcast_in_dim3A_1 masked %and3A_301 {add = true} : memref<4224xf32, #tpu.memory_space<vmem>>[vector<16xi32>], vector<16xf32>, vector<16xi1>
        tpu.vector_store_idx %arg6[%add3A_323], %broadcast_in_dim3A_1 masked %and3A_319 {add = true} : memref<4224xf32, #tpu.memory_space<vmem>>[vector<16xi32>], vector<16xf32>, vector<16xi1>
        tpu.vector_store_idx %arg6[%add3A_341], %broadcast_in_dim3A_1 masked %and3A_337 {add = true} : memref<4224xf32, #tpu.memory_space<vmem>>[vector<16xi32>], vector<16xf32>, vector<16xi1>
        tpu.vector_store_idx %arg6[%add3A_359], %broadcast_in_dim3A_1 masked %and3A_355 {add = true} : memref<4224xf32, #tpu.memory_space<vmem>>[vector<16xi32>], vector<16xf32>, vector<16xi1>
        tpu.vector_store_idx %arg6[%add3A_377], %broadcast_in_dim3A_1 masked %and3A_373 {add = true} : memref<4224xf32, #tpu.memory_space<vmem>>[vector<16xi32>], vector<16xf32>, vector<16xi1>
        tpu.vector_store_idx %arg6[%add3A_395], %broadcast_in_dim3A_1 masked %and3A_391 {add = true} : memref<4224xf32, #tpu.memory_space<vmem>>[vector<16xi32>], vector<16xf32>, vector<16xi1>
        tpu.vector_store_idx %arg6[%add3A_413], %broadcast_in_dim3A_1 masked %and3A_409 {add = true} : memref<4224xf32, #tpu.memory_space<vmem>>[vector<16xi32>], vector<16xf32>, vector<16xi1>
        tpu.vector_store_idx %arg6[%add3A_431], %broadcast_in_dim3A_1 masked %and3A_427 {add = true} : memref<4224xf32, #tpu.memory_space<vmem>>[vector<16xi32>], vector<16xf32>, vector<16xi1>
      }
      %scan3A_55 = arith.constant 128 : i32
      %add3A_56 = arith.constant 0 : i32
      %add3A_57 = arith.addi %add3A_46, %add3A_56 : i32
      %add3A_58 = arith.constant 2 : i32
      %add3A_59 = arith.addi %add3A_57, %add3A_58 : i32
      %lt3A = arith.constant 24 : i32
      %lt3A_60 = arith.cmpi slt, %add3A_59, %lt3A : i32
      %convert_element_type3A = arith.extui %lt3A_60 : i1 to i32
      %cond3A = arith.constant 0 : i32
      %cond3A_61 = arith.cmpi ne, %convert_element_type3A, %cond3A : i32
      scf.if %cond3A_61 {
        %mul3A_81 = arith.constant 3 : i32
        %mul3A_82 = arith.muli %add3A, %mul3A_81 : i32
        %mul3A_83 = arith.constant 262144 : i32
        %mul3A_84 = arith.muli %mul3A_82, %mul3A_83 : i32
        %mul3A_85 = arith.constant 32768 : i32
        %mul3A_86 = arith.muli %add3A_59, %mul3A_85 : i32
        %add3A_87 = arith.addi %mul3A_84, %mul3A_86 : i32
        %dma_start3A_88 = tpu.memref_slice %arg2[%add3A_87] : memref<25165824xf32, #tpu.memory_space<hbm>> -> memref<32768xf32, #tpu.memory_space<hbm>>
        %dma_start3A_89 = tpu.memref_slice %arg2[%add3A_87] : memref<25165824xf32, #tpu.memory_space<hbm>> -> memref<32768xf32, #tpu.memory_space<hbm>>
        tpu.enqueue_dma source(%dma_start3A_89 : memref<32768xf32, #tpu.memory_space<hbm>>) target(%arg4 : memref<32768xf32, #tpu.memory_space<vmem>>) target_semaphore(%arg9 : memref<!tpu.dma_semaphore, #tpu.memory_space<semaphore_mem>>)
      } else {
      }
      %dma_wait3A_62 = arith.constant 0 : i32
      %dma_wait3A_63 = tpu.memref_slice %arg2[%dma_wait3A_62] : memref<25165824xf32, #tpu.memory_space<hbm>> -> memref<32768xf32, #tpu.memory_space<hbm>>
      %dma_wait3A_64 = arith.constant 0 : i32
      %dma_wait3A_65 = tpu.memref_slice %arg2[%dma_wait3A_64] : memref<25165824xf32, #tpu.memory_space<hbm>> -> memref<32768xf32, #tpu.memory_space<hbm>>
      tpu.wait_dma2 semaphore(%arg10 : memref<!tpu.dma_semaphore, #tpu.memory_space<semaphore_mem>>) src(%dma_wait3A_65 : memref<32768xf32, #tpu.memory_space<hbm>>) dst(%arg5 : memref<32768xf32, #tpu.memory_space<vmem>>)
      %scan3A_66 = arith.constant 0 : i32
      %scan3A_67 = arith.constant 0 : i32
      %scan3A_68 = arith.constant 128 : i32
      %scan3A_69 = arith.addi %scan3A_67, %scan3A_68 : i32
      %scan3A_70 = arith.constant 1 : i32
      scf.for %scan3A_81 = %scan3A_67 to %scan3A_69 step %scan3A_70  : i32 {
        %mul3A_82 = arith.constant 256 : i32
        %mul3A_83 = arith.muli %scan3A_81, %mul3A_82 : i32
        %add3A_84 = arith.constant 0 : i32
        %add3A_85 = arith.addi %mul3A_83, %add3A_84 : i32
        %get3A = arith.index_cast %add3A_85 : i32 to index
        %get3A_86 = tpu.vector_load %arg5[%get3A] {strides = array<i32>} : memref<32768xf32, #tpu.memory_space<vmem>>, vector<16xf32>,
        %add3A_87 = arith.constant 16 : i32
        %add3A_88 = arith.addi %mul3A_83, %add3A_87 : i32
        %get3A_89 = arith.index_cast %add3A_88 : i32 to index
        %get3A_90 = tpu.vector_load %arg5[%get3A_89] {strides = array<i32>} : memref<32768xf32, #tpu.memory_space<vmem>>, vector<16xf32>,
        %add3A_91 = arith.constant 32 : i32
        %add3A_92 = arith.addi %mul3A_83, %add3A_91 : i32
        %get3A_93 = arith.index_cast %add3A_92 : i32 to index
        %get3A_94 = tpu.vector_load %arg5[%get3A_93] {strides = array<i32>} : memref<32768xf32, #tpu.memory_space<vmem>>, vector<16xf32>,
        %add3A_95 = arith.constant 48 : i32
        %add3A_96 = arith.addi %mul3A_83, %add3A_95 : i32
        %get3A_97 = arith.index_cast %add3A_96 : i32 to index
        %get3A_98 = tpu.vector_load %arg5[%get3A_97] {strides = array<i32>} : memref<32768xf32, #tpu.memory_space<vmem>>, vector<16xf32>,
        %add3A_99 = arith.constant 64 : i32
        %add3A_100 = arith.addi %mul3A_83, %add3A_99 : i32
        %get3A_101 = arith.index_cast %add3A_100 : i32 to index
        %get3A_102 = tpu.vector_load %arg5[%get3A_101] {strides = array<i32>} : memref<32768xf32, #tpu.memory_space<vmem>>, vector<16xf32>,
        %add3A_103 = arith.constant 80 : i32
        %add3A_104 = arith.addi %mul3A_83, %add3A_103 : i32
        %get3A_105 = arith.index_cast %add3A_104 : i32 to index
        %get3A_106 = tpu.vector_load %arg5[%get3A_105] {strides = array<i32>} : memref<32768xf32, #tpu.memory_space<vmem>>, vector<16xf32>,
        %add3A_107 = arith.constant 96 : i32
        %add3A_108 = arith.addi %mul3A_83, %add3A_107 : i32
        %get3A_109 = arith.index_cast %add3A_108 : i32 to index
        %get3A_110 = tpu.vector_load %arg5[%get3A_109] {strides = array<i32>} : memref<32768xf32, #tpu.memory_space<vmem>>, vector<16xf32>,
        %add3A_111 = arith.constant 112 : i32
        %add3A_112 = arith.addi %mul3A_83, %add3A_111 : i32
        %get3A_113 = arith.index_cast %add3A_112 : i32 to index
        %get3A_114 = tpu.vector_load %arg5[%get3A_113] {strides = array<i32>} : memref<32768xf32, #tpu.memory_space<vmem>>, vector<16xf32>,
        %add3A_115 = arith.constant 128 : i32
        %add3A_116 = arith.addi %mul3A_83, %add3A_115 : i32
        %get3A_117 = arith.index_cast %add3A_116 : i32 to index
        %get3A_118 = tpu.vector_load %arg5[%get3A_117] {strides = array<i32>} : memref<32768xf32, #tpu.memory_space<vmem>>, vector<16xf32>,
        %add3A_119 = arith.constant 144 : i32
        %add3A_120 = arith.addi %mul3A_83, %add3A_119 : i32
        %get3A_121 = arith.index_cast %add3A_120 : i32 to index
        %get3A_122 = tpu.vector_load %arg5[%get3A_121] {strides = array<i32>} : memref<32768xf32, #tpu.memory_space<vmem>>, vector<16xf32>,
        %add3A_123 = arith.constant 160 : i32
        %add3A_124 = arith.addi %mul3A_83, %add3A_123 : i32
        %get3A_125 = arith.index_cast %add3A_124 : i32 to index
        %get3A_126 = tpu.vector_load %arg5[%get3A_125] {strides = array<i32>} : memref<32768xf32, #tpu.memory_space<vmem>>, vector<16xf32>,
        %add3A_127 = arith.constant 176 : i32
        %add3A_128 = arith.addi %mul3A_83, %add3A_127 : i32
        %get3A_129 = arith.index_cast %add3A_128 : i32 to index
        %get3A_130 = tpu.vector_load %arg5[%get3A_129] {strides = array<i32>} : memref<32768xf32, #tpu.memory_space<vmem>>, vector<16xf32>,
        %add3A_131 = arith.constant 192 : i32
        %add3A_132 = arith.addi %mul3A_83, %add3A_131 : i32
        %get3A_133 = arith.index_cast %add3A_132 : i32 to index
        %get3A_134 = tpu.vector_load %arg5[%get3A_133] {strides = array<i32>} : memref<32768xf32, #tpu.memory_space<vmem>>, vector<16xf32>,
        %add3A_135 = arith.constant 208 : i32
        %add3A_136 = arith.addi %mul3A_83, %add3A_135 : i32
        %get3A_137 = arith.index_cast %add3A_136 : i32 to index
        %get3A_138 = tpu.vector_load %arg5[%get3A_137] {strides = array<i32>} : memref<32768xf32, #tpu.memory_space<vmem>>, vector<16xf32>,
        %add3A_139 = arith.constant 224 : i32
        %add3A_140 = arith.addi %mul3A_83, %add3A_139 : i32
        %get3A_141 = arith.index_cast %add3A_140 : i32 to index
        %get3A_142 = tpu.vector_load %arg5[%get3A_141] {strides = array<i32>} : memref<32768xf32, #tpu.memory_space<vmem>>, vector<16xf32>,
        %add3A_143 = arith.constant 240 : i32
        %add3A_144 = arith.addi %mul3A_83, %add3A_143 : i32
        %get3A_145 = arith.index_cast %add3A_144 : i32 to index
        %get3A_146 = tpu.vector_load %arg5[%get3A_145] {strides = array<i32>} : memref<32768xf32, #tpu.memory_space<vmem>>, vector<16xf32>,
        %mul3A_147 = arith.constant 1.280000e+02 : f32
        %mul3A_148 = vector.broadcast %mul3A_147 : f32 to vector<16xf32>
        %mul3A_149 = arith.mulf %get3A_86, %mul3A_148 : vector<16xf32>
        %add3A_150 = arith.constant 1.280000e+02 : f32
        %add3A_151 = vector.broadcast %add3A_150 : f32 to vector<16xf32>
        %add3A_152 = arith.addf %mul3A_149, %add3A_151 : vector<16xf32>
        %convert_element_type3A_153 = arith.fptosi %add3A_152 : vector<16xf32> to vector<16xi32>
        %ge3A = arith.constant -1.000000e+00 : f32
        %ge3A_154 = vector.broadcast %ge3A : f32 to vector<16xf32>
        %ge3A_155 = arith.cmpf oge, %get3A_86, %ge3A_154 : vector<16xf32>
        %le3A = arith.constant 1.000000e+00 : f32
        %le3A_156 = vector.broadcast %le3A : f32 to vector<16xf32>
        %le3A_157 = arith.cmpf ole, %get3A_86, %le3A_156 : vector<16xf32>
        %and3A = arith.andi %ge3A_155, %le3A_157 : vector<16xi1>
        %mul3A_158 = arith.constant 16 : i32
        %mul3A_159 = vector.broadcast %mul3A_158 : i32 to vector<16xi32>
        %mul3A_160 = arith.muli %convert_element_type3A_153, %mul3A_159 : vector<16xi32>
        %add3A_161 = arith.addi %mul3A_160, %iota3A : vector<16xi32>
        %mul3A_162 = arith.constant 1.280000e+02 : f32
        %mul3A_163 = vector.broadcast %mul3A_162 : f32 to vector<16xf32>
        %mul3A_164 = arith.mulf %get3A_90, %mul3A_163 : vector<16xf32>
        %add3A_165 = arith.constant 1.280000e+02 : f32
        %add3A_166 = vector.broadcast %add3A_165 : f32 to vector<16xf32>
        %add3A_167 = arith.addf %mul3A_164, %add3A_166 : vector<16xf32>
        %convert_element_type3A_168 = arith.fptosi %add3A_167 : vector<16xf32> to vector<16xi32>
        %ge3A_169 = arith.constant -1.000000e+00 : f32
        %ge3A_170 = vector.broadcast %ge3A_169 : f32 to vector<16xf32>
        %ge3A_171 = arith.cmpf oge, %get3A_90, %ge3A_170 : vector<16xf32>
        %le3A_172 = arith.constant 1.000000e+00 : f32
        %le3A_173 = vector.broadcast %le3A_172 : f32 to vector<16xf32>
        %le3A_174 = arith.cmpf ole, %get3A_90, %le3A_173 : vector<16xf32>
        %and3A_175 = arith.andi %ge3A_171, %le3A_174 : vector<16xi1>
        %mul3A_176 = arith.constant 16 : i32
        %mul3A_177 = vector.broadcast %mul3A_176 : i32 to vector<16xi32>
        %mul3A_178 = arith.muli %convert_element_type3A_168, %mul3A_177 : vector<16xi32>
        %add3A_179 = arith.addi %mul3A_178, %iota3A : vector<16xi32>
        %mul3A_180 = arith.constant 1.280000e+02 : f32
        %mul3A_181 = vector.broadcast %mul3A_180 : f32 to vector<16xf32>
        %mul3A_182 = arith.mulf %get3A_94, %mul3A_181 : vector<16xf32>
        %add3A_183 = arith.constant 1.280000e+02 : f32
        %add3A_184 = vector.broadcast %add3A_183 : f32 to vector<16xf32>
        %add3A_185 = arith.addf %mul3A_182, %add3A_184 : vector<16xf32>
        %convert_element_type3A_186 = arith.fptosi %add3A_185 : vector<16xf32> to vector<16xi32>
        %ge3A_187 = arith.constant -1.000000e+00 : f32
        %ge3A_188 = vector.broadcast %ge3A_187 : f32 to vector<16xf32>
        %ge3A_189 = arith.cmpf oge, %get3A_94, %ge3A_188 : vector<16xf32>
        %le3A_190 = arith.constant 1.000000e+00 : f32
        %le3A_191 = vector.broadcast %le3A_190 : f32 to vector<16xf32>
        %le3A_192 = arith.cmpf ole, %get3A_94, %le3A_191 : vector<16xf32>
        %and3A_193 = arith.andi %ge3A_189, %le3A_192 : vector<16xi1>
        %mul3A_194 = arith.constant 16 : i32
        %mul3A_195 = vector.broadcast %mul3A_194 : i32 to vector<16xi32>
        %mul3A_196 = arith.muli %convert_element_type3A_186, %mul3A_195 : vector<16xi32>
        %add3A_197 = arith.addi %mul3A_196, %iota3A : vector<16xi32>
        %mul3A_198 = arith.constant 1.280000e+02 : f32
        %mul3A_199 = vector.broadcast %mul3A_198 : f32 to vector<16xf32>
        %mul3A_200 = arith.mulf %get3A_98, %mul3A_199 : vector<16xf32>
        %add3A_201 = arith.constant 1.280000e+02 : f32
        %add3A_202 = vector.broadcast %add3A_201 : f32 to vector<16xf32>
        %add3A_203 = arith.addf %mul3A_200, %add3A_202 : vector<16xf32>
        %convert_element_type3A_204 = arith.fptosi %add3A_203 : vector<16xf32> to vector<16xi32>
        %ge3A_205 = arith.constant -1.000000e+00 : f32
        %ge3A_206 = vector.broadcast %ge3A_205 : f32 to vector<16xf32>
        %ge3A_207 = arith.cmpf oge, %get3A_98, %ge3A_206 : vector<16xf32>
        %le3A_208 = arith.constant 1.000000e+00 : f32
        %le3A_209 = vector.broadcast %le3A_208 : f32 to vector<16xf32>
        %le3A_210 = arith.cmpf ole, %get3A_98, %le3A_209 : vector<16xf32>
        %and3A_211 = arith.andi %ge3A_207, %le3A_210 : vector<16xi1>
        %mul3A_212 = arith.constant 16 : i32
        %mul3A_213 = vector.broadcast %mul3A_212 : i32 to vector<16xi32>
        %mul3A_214 = arith.muli %convert_element_type3A_204, %mul3A_213 : vector<16xi32>
        %add3A_215 = arith.addi %mul3A_214, %iota3A : vector<16xi32>
        %mul3A_216 = arith.constant 1.280000e+02 : f32
        %mul3A_217 = vector.broadcast %mul3A_216 : f32 to vector<16xf32>
        %mul3A_218 = arith.mulf %get3A_102, %mul3A_217 : vector<16xf32>
        %add3A_219 = arith.constant 1.280000e+02 : f32
        %add3A_220 = vector.broadcast %add3A_219 : f32 to vector<16xf32>
        %add3A_221 = arith.addf %mul3A_218, %add3A_220 : vector<16xf32>
        %convert_element_type3A_222 = arith.fptosi %add3A_221 : vector<16xf32> to vector<16xi32>
        %ge3A_223 = arith.constant -1.000000e+00 : f32
        %ge3A_224 = vector.broadcast %ge3A_223 : f32 to vector<16xf32>
        %ge3A_225 = arith.cmpf oge, %get3A_102, %ge3A_224 : vector<16xf32>
        %le3A_226 = arith.constant 1.000000e+00 : f32
        %le3A_227 = vector.broadcast %le3A_226 : f32 to vector<16xf32>
        %le3A_228 = arith.cmpf ole, %get3A_102, %le3A_227 : vector<16xf32>
        %and3A_229 = arith.andi %ge3A_225, %le3A_228 : vector<16xi1>
        %mul3A_230 = arith.constant 16 : i32
        %mul3A_231 = vector.broadcast %mul3A_230 : i32 to vector<16xi32>
        %mul3A_232 = arith.muli %convert_element_type3A_222, %mul3A_231 : vector<16xi32>
        %add3A_233 = arith.addi %mul3A_232, %iota3A : vector<16xi32>
        %mul3A_234 = arith.constant 1.280000e+02 : f32
        %mul3A_235 = vector.broadcast %mul3A_234 : f32 to vector<16xf32>
        %mul3A_236 = arith.mulf %get3A_106, %mul3A_235 : vector<16xf32>
        %add3A_237 = arith.constant 1.280000e+02 : f32
        %add3A_238 = vector.broadcast %add3A_237 : f32 to vector<16xf32>
        %add3A_239 = arith.addf %mul3A_236, %add3A_238 : vector<16xf32>
        %convert_element_type3A_240 = arith.fptosi %add3A_239 : vector<16xf32> to vector<16xi32>
        %ge3A_241 = arith.constant -1.000000e+00 : f32
        %ge3A_242 = vector.broadcast %ge3A_241 : f32 to vector<16xf32>
        %ge3A_243 = arith.cmpf oge, %get3A_106, %ge3A_242 : vector<16xf32>
        %le3A_244 = arith.constant 1.000000e+00 : f32
        %le3A_245 = vector.broadcast %le3A_244 : f32 to vector<16xf32>
        %le3A_246 = arith.cmpf ole, %get3A_106, %le3A_245 : vector<16xf32>
        %and3A_247 = arith.andi %ge3A_243, %le3A_246 : vector<16xi1>
        %mul3A_248 = arith.constant 16 : i32
        %mul3A_249 = vector.broadcast %mul3A_248 : i32 to vector<16xi32>
        %mul3A_250 = arith.muli %convert_element_type3A_240, %mul3A_249 : vector<16xi32>
        %add3A_251 = arith.addi %mul3A_250, %iota3A : vector<16xi32>
        %mul3A_252 = arith.constant 1.280000e+02 : f32
        %mul3A_253 = vector.broadcast %mul3A_252 : f32 to vector<16xf32>
        %mul3A_254 = arith.mulf %get3A_110, %mul3A_253 : vector<16xf32>
        %add3A_255 = arith.constant 1.280000e+02 : f32
        %add3A_256 = vector.broadcast %add3A_255 : f32 to vector<16xf32>
        %add3A_257 = arith.addf %mul3A_254, %add3A_256 : vector<16xf32>
        %convert_element_type3A_258 = arith.fptosi %add3A_257 : vector<16xf32> to vector<16xi32>
        %ge3A_259 = arith.constant -1.000000e+00 : f32
        %ge3A_260 = vector.broadcast %ge3A_259 : f32 to vector<16xf32>
        %ge3A_261 = arith.cmpf oge, %get3A_110, %ge3A_260 : vector<16xf32>
        %le3A_262 = arith.constant 1.000000e+00 : f32
        %le3A_263 = vector.broadcast %le3A_262 : f32 to vector<16xf32>
        %le3A_264 = arith.cmpf ole, %get3A_110, %le3A_263 : vector<16xf32>
        %and3A_265 = arith.andi %ge3A_261, %le3A_264 : vector<16xi1>
        %mul3A_266 = arith.constant 16 : i32
        %mul3A_267 = vector.broadcast %mul3A_266 : i32 to vector<16xi32>
        %mul3A_268 = arith.muli %convert_element_type3A_258, %mul3A_267 : vector<16xi32>
        %add3A_269 = arith.addi %mul3A_268, %iota3A : vector<16xi32>
        %mul3A_270 = arith.constant 1.280000e+02 : f32
        %mul3A_271 = vector.broadcast %mul3A_270 : f32 to vector<16xf32>
        %mul3A_272 = arith.mulf %get3A_114, %mul3A_271 : vector<16xf32>
        %add3A_273 = arith.constant 1.280000e+02 : f32
        %add3A_274 = vector.broadcast %add3A_273 : f32 to vector<16xf32>
        %add3A_275 = arith.addf %mul3A_272, %add3A_274 : vector<16xf32>
        %convert_element_type3A_276 = arith.fptosi %add3A_275 : vector<16xf32> to vector<16xi32>
        %ge3A_277 = arith.constant -1.000000e+00 : f32
        %ge3A_278 = vector.broadcast %ge3A_277 : f32 to vector<16xf32>
        %ge3A_279 = arith.cmpf oge, %get3A_114, %ge3A_278 : vector<16xf32>
        %le3A_280 = arith.constant 1.000000e+00 : f32
        %le3A_281 = vector.broadcast %le3A_280 : f32 to vector<16xf32>
        %le3A_282 = arith.cmpf ole, %get3A_114, %le3A_281 : vector<16xf32>
        %and3A_283 = arith.andi %ge3A_279, %le3A_282 : vector<16xi1>
        %mul3A_284 = arith.constant 16 : i32
        %mul3A_285 = vector.broadcast %mul3A_284 : i32 to vector<16xi32>
        %mul3A_286 = arith.muli %convert_element_type3A_276, %mul3A_285 : vector<16xi32>
        %add3A_287 = arith.addi %mul3A_286, %iota3A : vector<16xi32>
        %mul3A_288 = arith.constant 1.280000e+02 : f32
        %mul3A_289 = vector.broadcast %mul3A_288 : f32 to vector<16xf32>
        %mul3A_290 = arith.mulf %get3A_118, %mul3A_289 : vector<16xf32>
        %add3A_291 = arith.constant 1.280000e+02 : f32
        %add3A_292 = vector.broadcast %add3A_291 : f32 to vector<16xf32>
        %add3A_293 = arith.addf %mul3A_290, %add3A_292 : vector<16xf32>
        %convert_element_type3A_294 = arith.fptosi %add3A_293 : vector<16xf32> to vector<16xi32>
        %ge3A_295 = arith.constant -1.000000e+00 : f32
        %ge3A_296 = vector.broadcast %ge3A_295 : f32 to vector<16xf32>
        %ge3A_297 = arith.cmpf oge, %get3A_118, %ge3A_296 : vector<16xf32>
        %le3A_298 = arith.constant 1.000000e+00 : f32
        %le3A_299 = vector.broadcast %le3A_298 : f32 to vector<16xf32>
        %le3A_300 = arith.cmpf ole, %get3A_118, %le3A_299 : vector<16xf32>
        %and3A_301 = arith.andi %ge3A_297, %le3A_300 : vector<16xi1>
        %mul3A_302 = arith.constant 16 : i32
        %mul3A_303 = vector.broadcast %mul3A_302 : i32 to vector<16xi32>
        %mul3A_304 = arith.muli %convert_element_type3A_294, %mul3A_303 : vector<16xi32>
        %add3A_305 = arith.addi %mul3A_304, %iota3A : vector<16xi32>
        %mul3A_306 = arith.constant 1.280000e+02 : f32
        %mul3A_307 = vector.broadcast %mul3A_306 : f32 to vector<16xf32>
        %mul3A_308 = arith.mulf %get3A_122, %mul3A_307 : vector<16xf32>
        %add3A_309 = arith.constant 1.280000e+02 : f32
        %add3A_310 = vector.broadcast %add3A_309 : f32 to vector<16xf32>
        %add3A_311 = arith.addf %mul3A_308, %add3A_310 : vector<16xf32>
        %convert_element_type3A_312 = arith.fptosi %add3A_311 : vector<16xf32> to vector<16xi32>
        %ge3A_313 = arith.constant -1.000000e+00 : f32
        %ge3A_314 = vector.broadcast %ge3A_313 : f32 to vector<16xf32>
        %ge3A_315 = arith.cmpf oge, %get3A_122, %ge3A_314 : vector<16xf32>
        %le3A_316 = arith.constant 1.000000e+00 : f32
        %le3A_317 = vector.broadcast %le3A_316 : f32 to vector<16xf32>
        %le3A_318 = arith.cmpf ole, %get3A_122, %le3A_317 : vector<16xf32>
        %and3A_319 = arith.andi %ge3A_315, %le3A_318 : vector<16xi1>
        %mul3A_320 = arith.constant 16 : i32
        %mul3A_321 = vector.broadcast %mul3A_320 : i32 to vector<16xi32>
        %mul3A_322 = arith.muli %convert_element_type3A_312, %mul3A_321 : vector<16xi32>
        %add3A_323 = arith.addi %mul3A_322, %iota3A : vector<16xi32>
        %mul3A_324 = arith.constant 1.280000e+02 : f32
        %mul3A_325 = vector.broadcast %mul3A_324 : f32 to vector<16xf32>
        %mul3A_326 = arith.mulf %get3A_126, %mul3A_325 : vector<16xf32>
        %add3A_327 = arith.constant 1.280000e+02 : f32
        %add3A_328 = vector.broadcast %add3A_327 : f32 to vector<16xf32>
        %add3A_329 = arith.addf %mul3A_326, %add3A_328 : vector<16xf32>
        %convert_element_type3A_330 = arith.fptosi %add3A_329 : vector<16xf32> to vector<16xi32>
        %ge3A_331 = arith.constant -1.000000e+00 : f32
        %ge3A_332 = vector.broadcast %ge3A_331 : f32 to vector<16xf32>
        %ge3A_333 = arith.cmpf oge, %get3A_126, %ge3A_332 : vector<16xf32>
        %le3A_334 = arith.constant 1.000000e+00 : f32
        %le3A_335 = vector.broadcast %le3A_334 : f32 to vector<16xf32>
        %le3A_336 = arith.cmpf ole, %get3A_126, %le3A_335 : vector<16xf32>
        %and3A_337 = arith.andi %ge3A_333, %le3A_336 : vector<16xi1>
        %mul3A_338 = arith.constant 16 : i32
        %mul3A_339 = vector.broadcast %mul3A_338 : i32 to vector<16xi32>
        %mul3A_340 = arith.muli %convert_element_type3A_330, %mul3A_339 : vector<16xi32>
        %add3A_341 = arith.addi %mul3A_340, %iota3A : vector<16xi32>
        %mul3A_342 = arith.constant 1.280000e+02 : f32
        %mul3A_343 = vector.broadcast %mul3A_342 : f32 to vector<16xf32>
        %mul3A_344 = arith.mulf %get3A_130, %mul3A_343 : vector<16xf32>
        %add3A_345 = arith.constant 1.280000e+02 : f32
        %add3A_346 = vector.broadcast %add3A_345 : f32 to vector<16xf32>
        %add3A_347 = arith.addf %mul3A_344, %add3A_346 : vector<16xf32>
        %convert_element_type3A_348 = arith.fptosi %add3A_347 : vector<16xf32> to vector<16xi32>
        %ge3A_349 = arith.constant -1.000000e+00 : f32
        %ge3A_350 = vector.broadcast %ge3A_349 : f32 to vector<16xf32>
        %ge3A_351 = arith.cmpf oge, %get3A_130, %ge3A_350 : vector<16xf32>
        %le3A_352 = arith.constant 1.000000e+00 : f32
        %le3A_353 = vector.broadcast %le3A_352 : f32 to vector<16xf32>
        %le3A_354 = arith.cmpf ole, %get3A_130, %le3A_353 : vector<16xf32>
        %and3A_355 = arith.andi %ge3A_351, %le3A_354 : vector<16xi1>
        %mul3A_356 = arith.constant 16 : i32
        %mul3A_357 = vector.broadcast %mul3A_356 : i32 to vector<16xi32>
        %mul3A_358 = arith.muli %convert_element_type3A_348, %mul3A_357 : vector<16xi32>
        %add3A_359 = arith.addi %mul3A_358, %iota3A : vector<16xi32>
        %mul3A_360 = arith.constant 1.280000e+02 : f32
        %mul3A_361 = vector.broadcast %mul3A_360 : f32 to vector<16xf32>
        %mul3A_362 = arith.mulf %get3A_134, %mul3A_361 : vector<16xf32>
        %add3A_363 = arith.constant 1.280000e+02 : f32
        %add3A_364 = vector.broadcast %add3A_363 : f32 to vector<16xf32>
        %add3A_365 = arith.addf %mul3A_362, %add3A_364 : vector<16xf32>
        %convert_element_type3A_366 = arith.fptosi %add3A_365 : vector<16xf32> to vector<16xi32>
        %ge3A_367 = arith.constant -1.000000e+00 : f32
        %ge3A_368 = vector.broadcast %ge3A_367 : f32 to vector<16xf32>
        %ge3A_369 = arith.cmpf oge, %get3A_134, %ge3A_368 : vector<16xf32>
        %le3A_370 = arith.constant 1.000000e+00 : f32
        %le3A_371 = vector.broadcast %le3A_370 : f32 to vector<16xf32>
        %le3A_372 = arith.cmpf ole, %get3A_134, %le3A_371 : vector<16xf32>
        %and3A_373 = arith.andi %ge3A_369, %le3A_372 : vector<16xi1>
        %mul3A_374 = arith.constant 16 : i32
        %mul3A_375 = vector.broadcast %mul3A_374 : i32 to vector<16xi32>
        %mul3A_376 = arith.muli %convert_element_type3A_366, %mul3A_375 : vector<16xi32>
        %add3A_377 = arith.addi %mul3A_376, %iota3A : vector<16xi32>
        %mul3A_378 = arith.constant 1.280000e+02 : f32
        %mul3A_379 = vector.broadcast %mul3A_378 : f32 to vector<16xf32>
        %mul3A_380 = arith.mulf %get3A_138, %mul3A_379 : vector<16xf32>
        %add3A_381 = arith.constant 1.280000e+02 : f32
        %add3A_382 = vector.broadcast %add3A_381 : f32 to vector<16xf32>
        %add3A_383 = arith.addf %mul3A_380, %add3A_382 : vector<16xf32>
        %convert_element_type3A_384 = arith.fptosi %add3A_383 : vector<16xf32> to vector<16xi32>
        %ge3A_385 = arith.constant -1.000000e+00 : f32
        %ge3A_386 = vector.broadcast %ge3A_385 : f32 to vector<16xf32>
        %ge3A_387 = arith.cmpf oge, %get3A_138, %ge3A_386 : vector<16xf32>
        %le3A_388 = arith.constant 1.000000e+00 : f32
        %le3A_389 = vector.broadcast %le3A_388 : f32 to vector<16xf32>
        %le3A_390 = arith.cmpf ole, %get3A_138, %le3A_389 : vector<16xf32>
        %and3A_391 = arith.andi %ge3A_387, %le3A_390 : vector<16xi1>
        %mul3A_392 = arith.constant 16 : i32
        %mul3A_393 = vector.broadcast %mul3A_392 : i32 to vector<16xi32>
        %mul3A_394 = arith.muli %convert_element_type3A_384, %mul3A_393 : vector<16xi32>
        %add3A_395 = arith.addi %mul3A_394, %iota3A : vector<16xi32>
        %mul3A_396 = arith.constant 1.280000e+02 : f32
        %mul3A_397 = vector.broadcast %mul3A_396 : f32 to vector<16xf32>
        %mul3A_398 = arith.mulf %get3A_142, %mul3A_397 : vector<16xf32>
        %add3A_399 = arith.constant 1.280000e+02 : f32
        %add3A_400 = vector.broadcast %add3A_399 : f32 to vector<16xf32>
        %add3A_401 = arith.addf %mul3A_398, %add3A_400 : vector<16xf32>
        %convert_element_type3A_402 = arith.fptosi %add3A_401 : vector<16xf32> to vector<16xi32>
        %ge3A_403 = arith.constant -1.000000e+00 : f32
        %ge3A_404 = vector.broadcast %ge3A_403 : f32 to vector<16xf32>
        %ge3A_405 = arith.cmpf oge, %get3A_142, %ge3A_404 : vector<16xf32>
        %le3A_406 = arith.constant 1.000000e+00 : f32
        %le3A_407 = vector.broadcast %le3A_406 : f32 to vector<16xf32>
        %le3A_408 = arith.cmpf ole, %get3A_142, %le3A_407 : vector<16xf32>
        %and3A_409 = arith.andi %ge3A_405, %le3A_408 : vector<16xi1>
        %mul3A_410 = arith.constant 16 : i32
        %mul3A_411 = vector.broadcast %mul3A_410 : i32 to vector<16xi32>
        %mul3A_412 = arith.muli %convert_element_type3A_402, %mul3A_411 : vector<16xi32>
        %add3A_413 = arith.addi %mul3A_412, %iota3A : vector<16xi32>
        %mul3A_414 = arith.constant 1.280000e+02 : f32
        %mul3A_415 = vector.broadcast %mul3A_414 : f32 to vector<16xf32>
        %mul3A_416 = arith.mulf %get3A_146, %mul3A_415 : vector<16xf32>
        %add3A_417 = arith.constant 1.280000e+02 : f32
        %add3A_418 = vector.broadcast %add3A_417 : f32 to vector<16xf32>
        %add3A_419 = arith.addf %mul3A_416, %add3A_418 : vector<16xf32>
        %convert_element_type3A_420 = arith.fptosi %add3A_419 : vector<16xf32> to vector<16xi32>
        %ge3A_421 = arith.constant -1.000000e+00 : f32
        %ge3A_422 = vector.broadcast %ge3A_421 : f32 to vector<16xf32>
        %ge3A_423 = arith.cmpf oge, %get3A_146, %ge3A_422 : vector<16xf32>
        %le3A_424 = arith.constant 1.000000e+00 : f32
        %le3A_425 = vector.broadcast %le3A_424 : f32 to vector<16xf32>
        %le3A_426 = arith.cmpf ole, %get3A_146, %le3A_425 : vector<16xf32>
        %and3A_427 = arith.andi %ge3A_423, %le3A_426 : vector<16xi1>
        %mul3A_428 = arith.constant 16 : i32
        %mul3A_429 = vector.broadcast %mul3A_428 : i32 to vector<16xi32>
        %mul3A_430 = arith.muli %convert_element_type3A_420, %mul3A_429 : vector<16xi32>
        %add3A_431 = arith.addi %mul3A_430, %iota3A : vector<16xi32>
        tpu.vector_store_idx %arg6[%add3A_161], %broadcast_in_dim3A_1 masked %and3A {add = true} : memref<4224xf32, #tpu.memory_space<vmem>>[vector<16xi32>], vector<16xf32>, vector<16xi1>
        tpu.vector_store_idx %arg6[%add3A_179], %broadcast_in_dim3A_1 masked %and3A_175 {add = true} : memref<4224xf32, #tpu.memory_space<vmem>>[vector<16xi32>], vector<16xf32>, vector<16xi1>
        tpu.vector_store_idx %arg6[%add3A_197], %broadcast_in_dim3A_1 masked %and3A_193 {add = true} : memref<4224xf32, #tpu.memory_space<vmem>>[vector<16xi32>], vector<16xf32>, vector<16xi1>
        tpu.vector_store_idx %arg6[%add3A_215], %broadcast_in_dim3A_1 masked %and3A_211 {add = true} : memref<4224xf32, #tpu.memory_space<vmem>>[vector<16xi32>], vector<16xf32>, vector<16xi1>
        tpu.vector_store_idx %arg6[%add3A_233], %broadcast_in_dim3A_1 masked %and3A_229 {add = true} : memref<4224xf32, #tpu.memory_space<vmem>>[vector<16xi32>], vector<16xf32>, vector<16xi1>
        tpu.vector_store_idx %arg6[%add3A_251], %broadcast_in_dim3A_1 masked %and3A_247 {add = true} : memref<4224xf32, #tpu.memory_space<vmem>>[vector<16xi32>], vector<16xf32>, vector<16xi1>
        tpu.vector_store_idx %arg6[%add3A_269], %broadcast_in_dim3A_1 masked %and3A_265 {add = true} : memref<4224xf32, #tpu.memory_space<vmem>>[vector<16xi32>], vector<16xf32>, vector<16xi1>
        tpu.vector_store_idx %arg6[%add3A_287], %broadcast_in_dim3A_1 masked %and3A_283 {add = true} : memref<4224xf32, #tpu.memory_space<vmem>>[vector<16xi32>], vector<16xf32>, vector<16xi1>
        tpu.vector_store_idx %arg6[%add3A_305], %broadcast_in_dim3A_1 masked %and3A_301 {add = true} : memref<4224xf32, #tpu.memory_space<vmem>>[vector<16xi32>], vector<16xf32>, vector<16xi1>
        tpu.vector_store_idx %arg6[%add3A_323], %broadcast_in_dim3A_1 masked %and3A_319 {add = true} : memref<4224xf32, #tpu.memory_space<vmem>>[vector<16xi32>], vector<16xf32>, vector<16xi1>
        tpu.vector_store_idx %arg6[%add3A_341], %broadcast_in_dim3A_1 masked %and3A_337 {add = true} : memref<4224xf32, #tpu.memory_space<vmem>>[vector<16xi32>], vector<16xf32>, vector<16xi1>
        tpu.vector_store_idx %arg6[%add3A_359], %broadcast_in_dim3A_1 masked %and3A_355 {add = true} : memref<4224xf32, #tpu.memory_space<vmem>>[vector<16xi32>], vector<16xf32>, vector<16xi1>
        tpu.vector_store_idx %arg6[%add3A_377], %broadcast_in_dim3A_1 masked %and3A_373 {add = true} : memref<4224xf32, #tpu.memory_space<vmem>>[vector<16xi32>], vector<16xf32>, vector<16xi1>
        tpu.vector_store_idx %arg6[%add3A_395], %broadcast_in_dim3A_1 masked %and3A_391 {add = true} : memref<4224xf32, #tpu.memory_space<vmem>>[vector<16xi32>], vector<16xf32>, vector<16xi1>
        tpu.vector_store_idx %arg6[%add3A_413], %broadcast_in_dim3A_1 masked %and3A_409 {add = true} : memref<4224xf32, #tpu.memory_space<vmem>>[vector<16xi32>], vector<16xf32>, vector<16xi1>
        tpu.vector_store_idx %arg6[%add3A_431], %broadcast_in_dim3A_1 masked %and3A_427 {add = true} : memref<4224xf32, #tpu.memory_space<vmem>>[vector<16xi32>], vector<16xf32>, vector<16xi1>
      }
      %scan3A_71 = arith.constant 128 : i32
      %add3A_72 = arith.constant 1 : i32
      %add3A_73 = arith.addi %add3A_46, %add3A_72 : i32
      %add3A_74 = arith.constant 2 : i32
      %add3A_75 = arith.addi %add3A_73, %add3A_74 : i32
      %lt3A_76 = arith.constant 24 : i32
      %lt3A_77 = arith.cmpi slt, %add3A_75, %lt3A_76 : i32
      %convert_element_type3A_78 = arith.extui %lt3A_77 : i1 to i32
      %cond3A_79 = arith.constant 0 : i32
      %cond3A_80 = arith.cmpi ne, %convert_element_type3A_78, %cond3A_79 : i32
      scf.if %cond3A_80 {
        %mul3A_81 = arith.constant 3 : i32
        %mul3A_82 = arith.muli %add3A, %mul3A_81 : i32
        %mul3A_83 = arith.constant 262144 : i32
        %mul3A_84 = arith.muli %mul3A_82, %mul3A_83 : i32
        %mul3A_85 = arith.constant 32768 : i32
        %mul3A_86 = arith.muli %add3A_75, %mul3A_85 : i32
        %add3A_87 = arith.addi %mul3A_84, %mul3A_86 : i32
        %dma_start3A_88 = tpu.memref_slice %arg2[%add3A_87] : memref<25165824xf32, #tpu.memory_space<hbm>> -> memref<32768xf32, #tpu.memory_space<hbm>>
        %dma_start3A_89 = tpu.memref_slice %arg2[%add3A_87] : memref<25165824xf32, #tpu.memory_space<hbm>> -> memref<32768xf32, #tpu.memory_space<hbm>>
        tpu.enqueue_dma source(%dma_start3A_89 : memref<32768xf32, #tpu.memory_space<hbm>>) target(%arg5 : memref<32768xf32, #tpu.memory_space<vmem>>) target_semaphore(%arg10 : memref<!tpu.dma_semaphore, #tpu.memory_space<semaphore_mem>>)
      } else {
      }
    }
    %scan3A_29 = arith.constant 4 : i32
    %scan3A_30 = arith.constant 0 : i32
    %scan3A_31 = arith.constant 0 : i32
    %scan3A_32 = arith.constant 4 : i32
    %scan3A_33 = arith.addi %scan3A_31, %scan3A_32 : i32
    %scan3A_34 = arith.constant 1 : i32
    scf.for %scan3A_42 = %scan3A_31 to %scan3A_33 step %scan3A_34  : i32 {
      %mul3A_43 = arith.constant 2 : i32
      %mul3A_44 = arith.muli %mul3A_43, %scan3A_42 : i32
      %add3A_45 = arith.constant 8 : i32
      %add3A_46 = arith.addi %add3A_45, %mul3A_44 : i32
      %dma_wait3A = arith.constant 0 : i32
      %dma_wait3A_47 = tpu.memref_slice %arg2[%dma_wait3A] : memref<25165824xf32, #tpu.memory_space<hbm>> -> memref<32768xf32, #tpu.memory_space<hbm>>
      %dma_wait3A_48 = arith.constant 0 : i32
      %dma_wait3A_49 = tpu.memref_slice %arg2[%dma_wait3A_48] : memref<25165824xf32, #tpu.memory_space<hbm>> -> memref<32768xf32, #tpu.memory_space<hbm>>
      tpu.wait_dma2 semaphore(%arg9 : memref<!tpu.dma_semaphore, #tpu.memory_space<semaphore_mem>>) src(%dma_wait3A_49 : memref<32768xf32, #tpu.memory_space<hbm>>) dst(%arg4 : memref<32768xf32, #tpu.memory_space<vmem>>)
      %scan3A_50 = arith.constant 0 : i32
      %scan3A_51 = arith.constant 0 : i32
      %scan3A_52 = arith.constant 128 : i32
      %scan3A_53 = arith.addi %scan3A_51, %scan3A_52 : i32
      %scan3A_54 = arith.constant 1 : i32
      scf.for %scan3A_81 = %scan3A_51 to %scan3A_53 step %scan3A_54  : i32 {
        %mul3A_82 = arith.constant 256 : i32
        %mul3A_83 = arith.muli %scan3A_81, %mul3A_82 : i32
        %add3A_84 = arith.constant 0 : i32
        %add3A_85 = arith.addi %mul3A_83, %add3A_84 : i32
        %get3A = arith.index_cast %add3A_85 : i32 to index
        %get3A_86 = tpu.vector_load %arg4[%get3A] {strides = array<i32>} : memref<32768xf32, #tpu.memory_space<vmem>>, vector<16xf32>,
        %add3A_87 = arith.constant 16 : i32
        %add3A_88 = arith.addi %mul3A_83, %add3A_87 : i32
        %get3A_89 = arith.index_cast %add3A_88 : i32 to index
        %get3A_90 = tpu.vector_load %arg4[%get3A_89] {strides = array<i32>} : memref<32768xf32, #tpu.memory_space<vmem>>, vector<16xf32>,
        %add3A_91 = arith.constant 32 : i32
        %add3A_92 = arith.addi %mul3A_83, %add3A_91 : i32
        %get3A_93 = arith.index_cast %add3A_92 : i32 to index
        %get3A_94 = tpu.vector_load %arg4[%get3A_93] {strides = array<i32>} : memref<32768xf32, #tpu.memory_space<vmem>>, vector<16xf32>,
        %add3A_95 = arith.constant 48 : i32
        %add3A_96 = arith.addi %mul3A_83, %add3A_95 : i32
        %get3A_97 = arith.index_cast %add3A_96 : i32 to index
        %get3A_98 = tpu.vector_load %arg4[%get3A_97] {strides = array<i32>} : memref<32768xf32, #tpu.memory_space<vmem>>, vector<16xf32>,
        %add3A_99 = arith.constant 64 : i32
        %add3A_100 = arith.addi %mul3A_83, %add3A_99 : i32
        %get3A_101 = arith.index_cast %add3A_100 : i32 to index
        %get3A_102 = tpu.vector_load %arg4[%get3A_101] {strides = array<i32>} : memref<32768xf32, #tpu.memory_space<vmem>>, vector<16xf32>,
        %add3A_103 = arith.constant 80 : i32
        %add3A_104 = arith.addi %mul3A_83, %add3A_103 : i32
        %get3A_105 = arith.index_cast %add3A_104 : i32 to index
        %get3A_106 = tpu.vector_load %arg4[%get3A_105] {strides = array<i32>} : memref<32768xf32, #tpu.memory_space<vmem>>, vector<16xf32>,
        %add3A_107 = arith.constant 96 : i32
        %add3A_108 = arith.addi %mul3A_83, %add3A_107 : i32
        %get3A_109 = arith.index_cast %add3A_108 : i32 to index
        %get3A_110 = tpu.vector_load %arg4[%get3A_109] {strides = array<i32>} : memref<32768xf32, #tpu.memory_space<vmem>>, vector<16xf32>,
        %add3A_111 = arith.constant 112 : i32
        %add3A_112 = arith.addi %mul3A_83, %add3A_111 : i32
        %get3A_113 = arith.index_cast %add3A_112 : i32 to index
        %get3A_114 = tpu.vector_load %arg4[%get3A_113] {strides = array<i32>} : memref<32768xf32, #tpu.memory_space<vmem>>, vector<16xf32>,
        %add3A_115 = arith.constant 128 : i32
        %add3A_116 = arith.addi %mul3A_83, %add3A_115 : i32
        %get3A_117 = arith.index_cast %add3A_116 : i32 to index
        %get3A_118 = tpu.vector_load %arg4[%get3A_117] {strides = array<i32>} : memref<32768xf32, #tpu.memory_space<vmem>>, vector<16xf32>,
        %add3A_119 = arith.constant 144 : i32
        %add3A_120 = arith.addi %mul3A_83, %add3A_119 : i32
        %get3A_121 = arith.index_cast %add3A_120 : i32 to index
        %get3A_122 = tpu.vector_load %arg4[%get3A_121] {strides = array<i32>} : memref<32768xf32, #tpu.memory_space<vmem>>, vector<16xf32>,
        %add3A_123 = arith.constant 160 : i32
        %add3A_124 = arith.addi %mul3A_83, %add3A_123 : i32
        %get3A_125 = arith.index_cast %add3A_124 : i32 to index
        %get3A_126 = tpu.vector_load %arg4[%get3A_125] {strides = array<i32>} : memref<32768xf32, #tpu.memory_space<vmem>>, vector<16xf32>,
        %add3A_127 = arith.constant 176 : i32
        %add3A_128 = arith.addi %mul3A_83, %add3A_127 : i32
        %get3A_129 = arith.index_cast %add3A_128 : i32 to index
        %get3A_130 = tpu.vector_load %arg4[%get3A_129] {strides = array<i32>} : memref<32768xf32, #tpu.memory_space<vmem>>, vector<16xf32>,
        %add3A_131 = arith.constant 192 : i32
        %add3A_132 = arith.addi %mul3A_83, %add3A_131 : i32
        %get3A_133 = arith.index_cast %add3A_132 : i32 to index
        %get3A_134 = tpu.vector_load %arg4[%get3A_133] {strides = array<i32>} : memref<32768xf32, #tpu.memory_space<vmem>>, vector<16xf32>,
        %add3A_135 = arith.constant 208 : i32
        %add3A_136 = arith.addi %mul3A_83, %add3A_135 : i32
        %get3A_137 = arith.index_cast %add3A_136 : i32 to index
        %get3A_138 = tpu.vector_load %arg4[%get3A_137] {strides = array<i32>} : memref<32768xf32, #tpu.memory_space<vmem>>, vector<16xf32>,
        %add3A_139 = arith.constant 224 : i32
        %add3A_140 = arith.addi %mul3A_83, %add3A_139 : i32
        %get3A_141 = arith.index_cast %add3A_140 : i32 to index
        %get3A_142 = tpu.vector_load %arg4[%get3A_141] {strides = array<i32>} : memref<32768xf32, #tpu.memory_space<vmem>>, vector<16xf32>,
        %add3A_143 = arith.constant 240 : i32
        %add3A_144 = arith.addi %mul3A_83, %add3A_143 : i32
        %get3A_145 = arith.index_cast %add3A_144 : i32 to index
        %get3A_146 = tpu.vector_load %arg4[%get3A_145] {strides = array<i32>} : memref<32768xf32, #tpu.memory_space<vmem>>, vector<16xf32>,
        %mul3A_147 = arith.constant 1.280000e+02 : f32
        %mul3A_148 = vector.broadcast %mul3A_147 : f32 to vector<16xf32>
        %mul3A_149 = arith.mulf %get3A_86, %mul3A_148 : vector<16xf32>
        %add3A_150 = arith.constant 1.280000e+02 : f32
        %add3A_151 = vector.broadcast %add3A_150 : f32 to vector<16xf32>
        %add3A_152 = arith.addf %mul3A_149, %add3A_151 : vector<16xf32>
        %convert_element_type3A_153 = arith.fptosi %add3A_152 : vector<16xf32> to vector<16xi32>
        %ge3A = arith.constant -1.000000e+00 : f32
        %ge3A_154 = vector.broadcast %ge3A : f32 to vector<16xf32>
        %ge3A_155 = arith.cmpf oge, %get3A_86, %ge3A_154 : vector<16xf32>
        %le3A = arith.constant 1.000000e+00 : f32
        %le3A_156 = vector.broadcast %le3A : f32 to vector<16xf32>
        %le3A_157 = arith.cmpf ole, %get3A_86, %le3A_156 : vector<16xf32>
        %and3A = arith.andi %ge3A_155, %le3A_157 : vector<16xi1>
        %mul3A_158 = arith.constant 16 : i32
        %mul3A_159 = vector.broadcast %mul3A_158 : i32 to vector<16xi32>
        %mul3A_160 = arith.muli %convert_element_type3A_153, %mul3A_159 : vector<16xi32>
        %add3A_161 = arith.addi %mul3A_160, %iota3A : vector<16xi32>
        %mul3A_162 = arith.constant 1.280000e+02 : f32
        %mul3A_163 = vector.broadcast %mul3A_162 : f32 to vector<16xf32>
        %mul3A_164 = arith.mulf %get3A_90, %mul3A_163 : vector<16xf32>
        %add3A_165 = arith.constant 1.280000e+02 : f32
        %add3A_166 = vector.broadcast %add3A_165 : f32 to vector<16xf32>
        %add3A_167 = arith.addf %mul3A_164, %add3A_166 : vector<16xf32>
        %convert_element_type3A_168 = arith.fptosi %add3A_167 : vector<16xf32> to vector<16xi32>
        %ge3A_169 = arith.constant -1.000000e+00 : f32
        %ge3A_170 = vector.broadcast %ge3A_169 : f32 to vector<16xf32>
        %ge3A_171 = arith.cmpf oge, %get3A_90, %ge3A_170 : vector<16xf32>
        %le3A_172 = arith.constant 1.000000e+00 : f32
        %le3A_173 = vector.broadcast %le3A_172 : f32 to vector<16xf32>
        %le3A_174 = arith.cmpf ole, %get3A_90, %le3A_173 : vector<16xf32>
        %and3A_175 = arith.andi %ge3A_171, %le3A_174 : vector<16xi1>
        %mul3A_176 = arith.constant 16 : i32
        %mul3A_177 = vector.broadcast %mul3A_176 : i32 to vector<16xi32>
        %mul3A_178 = arith.muli %convert_element_type3A_168, %mul3A_177 : vector<16xi32>
        %add3A_179 = arith.addi %mul3A_178, %iota3A : vector<16xi32>
        %mul3A_180 = arith.constant 1.280000e+02 : f32
        %mul3A_181 = vector.broadcast %mul3A_180 : f32 to vector<16xf32>
        %mul3A_182 = arith.mulf %get3A_94, %mul3A_181 : vector<16xf32>
        %add3A_183 = arith.constant 1.280000e+02 : f32
        %add3A_184 = vector.broadcast %add3A_183 : f32 to vector<16xf32>
        %add3A_185 = arith.addf %mul3A_182, %add3A_184 : vector<16xf32>
        %convert_element_type3A_186 = arith.fptosi %add3A_185 : vector<16xf32> to vector<16xi32>
        %ge3A_187 = arith.constant -1.000000e+00 : f32
        %ge3A_188 = vector.broadcast %ge3A_187 : f32 to vector<16xf32>
        %ge3A_189 = arith.cmpf oge, %get3A_94, %ge3A_188 : vector<16xf32>
        %le3A_190 = arith.constant 1.000000e+00 : f32
        %le3A_191 = vector.broadcast %le3A_190 : f32 to vector<16xf32>
        %le3A_192 = arith.cmpf ole, %get3A_94, %le3A_191 : vector<16xf32>
        %and3A_193 = arith.andi %ge3A_189, %le3A_192 : vector<16xi1>
        %mul3A_194 = arith.constant 16 : i32
        %mul3A_195 = vector.broadcast %mul3A_194 : i32 to vector<16xi32>
        %mul3A_196 = arith.muli %convert_element_type3A_186, %mul3A_195 : vector<16xi32>
        %add3A_197 = arith.addi %mul3A_196, %iota3A : vector<16xi32>
        %mul3A_198 = arith.constant 1.280000e+02 : f32
        %mul3A_199 = vector.broadcast %mul3A_198 : f32 to vector<16xf32>
        %mul3A_200 = arith.mulf %get3A_98, %mul3A_199 : vector<16xf32>
        %add3A_201 = arith.constant 1.280000e+02 : f32
        %add3A_202 = vector.broadcast %add3A_201 : f32 to vector<16xf32>
        %add3A_203 = arith.addf %mul3A_200, %add3A_202 : vector<16xf32>
        %convert_element_type3A_204 = arith.fptosi %add3A_203 : vector<16xf32> to vector<16xi32>
        %ge3A_205 = arith.constant -1.000000e+00 : f32
        %ge3A_206 = vector.broadcast %ge3A_205 : f32 to vector<16xf32>
        %ge3A_207 = arith.cmpf oge, %get3A_98, %ge3A_206 : vector<16xf32>
        %le3A_208 = arith.constant 1.000000e+00 : f32
        %le3A_209 = vector.broadcast %le3A_208 : f32 to vector<16xf32>
        %le3A_210 = arith.cmpf ole, %get3A_98, %le3A_209 : vector<16xf32>
        %and3A_211 = arith.andi %ge3A_207, %le3A_210 : vector<16xi1>
        %mul3A_212 = arith.constant 16 : i32
        %mul3A_213 = vector.broadcast %mul3A_212 : i32 to vector<16xi32>
        %mul3A_214 = arith.muli %convert_element_type3A_204, %mul3A_213 : vector<16xi32>
        %add3A_215 = arith.addi %mul3A_214, %iota3A : vector<16xi32>
        %mul3A_216 = arith.constant 1.280000e+02 : f32
        %mul3A_217 = vector.broadcast %mul3A_216 : f32 to vector<16xf32>
        %mul3A_218 = arith.mulf %get3A_102, %mul3A_217 : vector<16xf32>
        %add3A_219 = arith.constant 1.280000e+02 : f32
        %add3A_220 = vector.broadcast %add3A_219 : f32 to vector<16xf32>
        %add3A_221 = arith.addf %mul3A_218, %add3A_220 : vector<16xf32>
        %convert_element_type3A_222 = arith.fptosi %add3A_221 : vector<16xf32> to vector<16xi32>
        %ge3A_223 = arith.constant -1.000000e+00 : f32
        %ge3A_224 = vector.broadcast %ge3A_223 : f32 to vector<16xf32>
        %ge3A_225 = arith.cmpf oge, %get3A_102, %ge3A_224 : vector<16xf32>
        %le3A_226 = arith.constant 1.000000e+00 : f32
        %le3A_227 = vector.broadcast %le3A_226 : f32 to vector<16xf32>
        %le3A_228 = arith.cmpf ole, %get3A_102, %le3A_227 : vector<16xf32>
        %and3A_229 = arith.andi %ge3A_225, %le3A_228 : vector<16xi1>
        %mul3A_230 = arith.constant 16 : i32
        %mul3A_231 = vector.broadcast %mul3A_230 : i32 to vector<16xi32>
        %mul3A_232 = arith.muli %convert_element_type3A_222, %mul3A_231 : vector<16xi32>
        %add3A_233 = arith.addi %mul3A_232, %iota3A : vector<16xi32>
        %mul3A_234 = arith.constant 1.280000e+02 : f32
        %mul3A_235 = vector.broadcast %mul3A_234 : f32 to vector<16xf32>
        %mul3A_236 = arith.mulf %get3A_106, %mul3A_235 : vector<16xf32>
        %add3A_237 = arith.constant 1.280000e+02 : f32
        %add3A_238 = vector.broadcast %add3A_237 : f32 to vector<16xf32>
        %add3A_239 = arith.addf %mul3A_236, %add3A_238 : vector<16xf32>
        %convert_element_type3A_240 = arith.fptosi %add3A_239 : vector<16xf32> to vector<16xi32>
        %ge3A_241 = arith.constant -1.000000e+00 : f32
        %ge3A_242 = vector.broadcast %ge3A_241 : f32 to vector<16xf32>
        %ge3A_243 = arith.cmpf oge, %get3A_106, %ge3A_242 : vector<16xf32>
        %le3A_244 = arith.constant 1.000000e+00 : f32
        %le3A_245 = vector.broadcast %le3A_244 : f32 to vector<16xf32>
        %le3A_246 = arith.cmpf ole, %get3A_106, %le3A_245 : vector<16xf32>
        %and3A_247 = arith.andi %ge3A_243, %le3A_246 : vector<16xi1>
        %mul3A_248 = arith.constant 16 : i32
        %mul3A_249 = vector.broadcast %mul3A_248 : i32 to vector<16xi32>
        %mul3A_250 = arith.muli %convert_element_type3A_240, %mul3A_249 : vector<16xi32>
        %add3A_251 = arith.addi %mul3A_250, %iota3A : vector<16xi32>
        %mul3A_252 = arith.constant 1.280000e+02 : f32
        %mul3A_253 = vector.broadcast %mul3A_252 : f32 to vector<16xf32>
        %mul3A_254 = arith.mulf %get3A_110, %mul3A_253 : vector<16xf32>
        %add3A_255 = arith.constant 1.280000e+02 : f32
        %add3A_256 = vector.broadcast %add3A_255 : f32 to vector<16xf32>
        %add3A_257 = arith.addf %mul3A_254, %add3A_256 : vector<16xf32>
        %convert_element_type3A_258 = arith.fptosi %add3A_257 : vector<16xf32> to vector<16xi32>
        %ge3A_259 = arith.constant -1.000000e+00 : f32
        %ge3A_260 = vector.broadcast %ge3A_259 : f32 to vector<16xf32>
        %ge3A_261 = arith.cmpf oge, %get3A_110, %ge3A_260 : vector<16xf32>
        %le3A_262 = arith.constant 1.000000e+00 : f32
        %le3A_263 = vector.broadcast %le3A_262 : f32 to vector<16xf32>
        %le3A_264 = arith.cmpf ole, %get3A_110, %le3A_263 : vector<16xf32>
        %and3A_265 = arith.andi %ge3A_261, %le3A_264 : vector<16xi1>
        %mul3A_266 = arith.constant 16 : i32
        %mul3A_267 = vector.broadcast %mul3A_266 : i32 to vector<16xi32>
        %mul3A_268 = arith.muli %convert_element_type3A_258, %mul3A_267 : vector<16xi32>
        %add3A_269 = arith.addi %mul3A_268, %iota3A : vector<16xi32>
        %mul3A_270 = arith.constant 1.280000e+02 : f32
        %mul3A_271 = vector.broadcast %mul3A_270 : f32 to vector<16xf32>
        %mul3A_272 = arith.mulf %get3A_114, %mul3A_271 : vector<16xf32>
        %add3A_273 = arith.constant 1.280000e+02 : f32
        %add3A_274 = vector.broadcast %add3A_273 : f32 to vector<16xf32>
        %add3A_275 = arith.addf %mul3A_272, %add3A_274 : vector<16xf32>
        %convert_element_type3A_276 = arith.fptosi %add3A_275 : vector<16xf32> to vector<16xi32>
        %ge3A_277 = arith.constant -1.000000e+00 : f32
        %ge3A_278 = vector.broadcast %ge3A_277 : f32 to vector<16xf32>
        %ge3A_279 = arith.cmpf oge, %get3A_114, %ge3A_278 : vector<16xf32>
        %le3A_280 = arith.constant 1.000000e+00 : f32
        %le3A_281 = vector.broadcast %le3A_280 : f32 to vector<16xf32>
        %le3A_282 = arith.cmpf ole, %get3A_114, %le3A_281 : vector<16xf32>
        %and3A_283 = arith.andi %ge3A_279, %le3A_282 : vector<16xi1>
        %mul3A_284 = arith.constant 16 : i32
        %mul3A_285 = vector.broadcast %mul3A_284 : i32 to vector<16xi32>
        %mul3A_286 = arith.muli %convert_element_type3A_276, %mul3A_285 : vector<16xi32>
        %add3A_287 = arith.addi %mul3A_286, %iota3A : vector<16xi32>
        %mul3A_288 = arith.constant 1.280000e+02 : f32
        %mul3A_289 = vector.broadcast %mul3A_288 : f32 to vector<16xf32>
        %mul3A_290 = arith.mulf %get3A_118, %mul3A_289 : vector<16xf32>
        %add3A_291 = arith.constant 1.280000e+02 : f32
        %add3A_292 = vector.broadcast %add3A_291 : f32 to vector<16xf32>
        %add3A_293 = arith.addf %mul3A_290, %add3A_292 : vector<16xf32>
        %convert_element_type3A_294 = arith.fptosi %add3A_293 : vector<16xf32> to vector<16xi32>
        %ge3A_295 = arith.constant -1.000000e+00 : f32
        %ge3A_296 = vector.broadcast %ge3A_295 : f32 to vector<16xf32>
        %ge3A_297 = arith.cmpf oge, %get3A_118, %ge3A_296 : vector<16xf32>
        %le3A_298 = arith.constant 1.000000e+00 : f32
        %le3A_299 = vector.broadcast %le3A_298 : f32 to vector<16xf32>
        %le3A_300 = arith.cmpf ole, %get3A_118, %le3A_299 : vector<16xf32>
        %and3A_301 = arith.andi %ge3A_297, %le3A_300 : vector<16xi1>
        %mul3A_302 = arith.constant 16 : i32
        %mul3A_303 = vector.broadcast %mul3A_302 : i32 to vector<16xi32>
        %mul3A_304 = arith.muli %convert_element_type3A_294, %mul3A_303 : vector<16xi32>
        %add3A_305 = arith.addi %mul3A_304, %iota3A : vector<16xi32>
        %mul3A_306 = arith.constant 1.280000e+02 : f32
        %mul3A_307 = vector.broadcast %mul3A_306 : f32 to vector<16xf32>
        %mul3A_308 = arith.mulf %get3A_122, %mul3A_307 : vector<16xf32>
        %add3A_309 = arith.constant 1.280000e+02 : f32
        %add3A_310 = vector.broadcast %add3A_309 : f32 to vector<16xf32>
        %add3A_311 = arith.addf %mul3A_308, %add3A_310 : vector<16xf32>
        %convert_element_type3A_312 = arith.fptosi %add3A_311 : vector<16xf32> to vector<16xi32>
        %ge3A_313 = arith.constant -1.000000e+00 : f32
        %ge3A_314 = vector.broadcast %ge3A_313 : f32 to vector<16xf32>
        %ge3A_315 = arith.cmpf oge, %get3A_122, %ge3A_314 : vector<16xf32>
        %le3A_316 = arith.constant 1.000000e+00 : f32
        %le3A_317 = vector.broadcast %le3A_316 : f32 to vector<16xf32>
        %le3A_318 = arith.cmpf ole, %get3A_122, %le3A_317 : vector<16xf32>
        %and3A_319 = arith.andi %ge3A_315, %le3A_318 : vector<16xi1>
        %mul3A_320 = arith.constant 16 : i32
        %mul3A_321 = vector.broadcast %mul3A_320 : i32 to vector<16xi32>
        %mul3A_322 = arith.muli %convert_element_type3A_312, %mul3A_321 : vector<16xi32>
        %add3A_323 = arith.addi %mul3A_322, %iota3A : vector<16xi32>
        %mul3A_324 = arith.constant 1.280000e+02 : f32
        %mul3A_325 = vector.broadcast %mul3A_324 : f32 to vector<16xf32>
        %mul3A_326 = arith.mulf %get3A_126, %mul3A_325 : vector<16xf32>
        %add3A_327 = arith.constant 1.280000e+02 : f32
        %add3A_328 = vector.broadcast %add3A_327 : f32 to vector<16xf32>
        %add3A_329 = arith.addf %mul3A_326, %add3A_328 : vector<16xf32>
        %convert_element_type3A_330 = arith.fptosi %add3A_329 : vector<16xf32> to vector<16xi32>
        %ge3A_331 = arith.constant -1.000000e+00 : f32
        %ge3A_332 = vector.broadcast %ge3A_331 : f32 to vector<16xf32>
        %ge3A_333 = arith.cmpf oge, %get3A_126, %ge3A_332 : vector<16xf32>
        %le3A_334 = arith.constant 1.000000e+00 : f32
        %le3A_335 = vector.broadcast %le3A_334 : f32 to vector<16xf32>
        %le3A_336 = arith.cmpf ole, %get3A_126, %le3A_335 : vector<16xf32>
        %and3A_337 = arith.andi %ge3A_333, %le3A_336 : vector<16xi1>
        %mul3A_338 = arith.constant 16 : i32
        %mul3A_339 = vector.broadcast %mul3A_338 : i32 to vector<16xi32>
        %mul3A_340 = arith.muli %convert_element_type3A_330, %mul3A_339 : vector<16xi32>
        %add3A_341 = arith.addi %mul3A_340, %iota3A : vector<16xi32>
        %mul3A_342 = arith.constant 1.280000e+02 : f32
        %mul3A_343 = vector.broadcast %mul3A_342 : f32 to vector<16xf32>
        %mul3A_344 = arith.mulf %get3A_130, %mul3A_343 : vector<16xf32>
        %add3A_345 = arith.constant 1.280000e+02 : f32
        %add3A_346 = vector.broadcast %add3A_345 : f32 to vector<16xf32>
        %add3A_347 = arith.addf %mul3A_344, %add3A_346 : vector<16xf32>
        %convert_element_type3A_348 = arith.fptosi %add3A_347 : vector<16xf32> to vector<16xi32>
        %ge3A_349 = arith.constant -1.000000e+00 : f32
        %ge3A_350 = vector.broadcast %ge3A_349 : f32 to vector<16xf32>
        %ge3A_351 = arith.cmpf oge, %get3A_130, %ge3A_350 : vector<16xf32>
        %le3A_352 = arith.constant 1.000000e+00 : f32
        %le3A_353 = vector.broadcast %le3A_352 : f32 to vector<16xf32>
        %le3A_354 = arith.cmpf ole, %get3A_130, %le3A_353 : vector<16xf32>
        %and3A_355 = arith.andi %ge3A_351, %le3A_354 : vector<16xi1>
        %mul3A_356 = arith.constant 16 : i32
        %mul3A_357 = vector.broadcast %mul3A_356 : i32 to vector<16xi32>
        %mul3A_358 = arith.muli %convert_element_type3A_348, %mul3A_357 : vector<16xi32>
        %add3A_359 = arith.addi %mul3A_358, %iota3A : vector<16xi32>
        %mul3A_360 = arith.constant 1.280000e+02 : f32
        %mul3A_361 = vector.broadcast %mul3A_360 : f32 to vector<16xf32>
        %mul3A_362 = arith.mulf %get3A_134, %mul3A_361 : vector<16xf32>
        %add3A_363 = arith.constant 1.280000e+02 : f32
        %add3A_364 = vector.broadcast %add3A_363 : f32 to vector<16xf32>
        %add3A_365 = arith.addf %mul3A_362, %add3A_364 : vector<16xf32>
        %convert_element_type3A_366 = arith.fptosi %add3A_365 : vector<16xf32> to vector<16xi32>
        %ge3A_367 = arith.constant -1.000000e+00 : f32
        %ge3A_368 = vector.broadcast %ge3A_367 : f32 to vector<16xf32>
        %ge3A_369 = arith.cmpf oge, %get3A_134, %ge3A_368 : vector<16xf32>
        %le3A_370 = arith.constant 1.000000e+00 : f32
        %le3A_371 = vector.broadcast %le3A_370 : f32 to vector<16xf32>
        %le3A_372 = arith.cmpf ole, %get3A_134, %le3A_371 : vector<16xf32>
        %and3A_373 = arith.andi %ge3A_369, %le3A_372 : vector<16xi1>
        %mul3A_374 = arith.constant 16 : i32
        %mul3A_375 = vector.broadcast %mul3A_374 : i32 to vector<16xi32>
        %mul3A_376 = arith.muli %convert_element_type3A_366, %mul3A_375 : vector<16xi32>
        %add3A_377 = arith.addi %mul3A_376, %iota3A : vector<16xi32>
        %mul3A_378 = arith.constant 1.280000e+02 : f32
        %mul3A_379 = vector.broadcast %mul3A_378 : f32 to vector<16xf32>
        %mul3A_380 = arith.mulf %get3A_138, %mul3A_379 : vector<16xf32>
        %add3A_381 = arith.constant 1.280000e+02 : f32
        %add3A_382 = vector.broadcast %add3A_381 : f32 to vector<16xf32>
        %add3A_383 = arith.addf %mul3A_380, %add3A_382 : vector<16xf32>
        %convert_element_type3A_384 = arith.fptosi %add3A_383 : vector<16xf32> to vector<16xi32>
        %ge3A_385 = arith.constant -1.000000e+00 : f32
        %ge3A_386 = vector.broadcast %ge3A_385 : f32 to vector<16xf32>
        %ge3A_387 = arith.cmpf oge, %get3A_138, %ge3A_386 : vector<16xf32>
        %le3A_388 = arith.constant 1.000000e+00 : f32
        %le3A_389 = vector.broadcast %le3A_388 : f32 to vector<16xf32>
        %le3A_390 = arith.cmpf ole, %get3A_138, %le3A_389 : vector<16xf32>
        %and3A_391 = arith.andi %ge3A_387, %le3A_390 : vector<16xi1>
        %mul3A_392 = arith.constant 16 : i32
        %mul3A_393 = vector.broadcast %mul3A_392 : i32 to vector<16xi32>
        %mul3A_394 = arith.muli %convert_element_type3A_384, %mul3A_393 : vector<16xi32>
        %add3A_395 = arith.addi %mul3A_394, %iota3A : vector<16xi32>
        %mul3A_396 = arith.constant 1.280000e+02 : f32
        %mul3A_397 = vector.broadcast %mul3A_396 : f32 to vector<16xf32>
        %mul3A_398 = arith.mulf %get3A_142, %mul3A_397 : vector<16xf32>
        %add3A_399 = arith.constant 1.280000e+02 : f32
        %add3A_400 = vector.broadcast %add3A_399 : f32 to vector<16xf32>
        %add3A_401 = arith.addf %mul3A_398, %add3A_400 : vector<16xf32>
        %convert_element_type3A_402 = arith.fptosi %add3A_401 : vector<16xf32> to vector<16xi32>
        %ge3A_403 = arith.constant -1.000000e+00 : f32
        %ge3A_404 = vector.broadcast %ge3A_403 : f32 to vector<16xf32>
        %ge3A_405 = arith.cmpf oge, %get3A_142, %ge3A_404 : vector<16xf32>
        %le3A_406 = arith.constant 1.000000e+00 : f32
        %le3A_407 = vector.broadcast %le3A_406 : f32 to vector<16xf32>
        %le3A_408 = arith.cmpf ole, %get3A_142, %le3A_407 : vector<16xf32>
        %and3A_409 = arith.andi %ge3A_405, %le3A_408 : vector<16xi1>
        %mul3A_410 = arith.constant 16 : i32
        %mul3A_411 = vector.broadcast %mul3A_410 : i32 to vector<16xi32>
        %mul3A_412 = arith.muli %convert_element_type3A_402, %mul3A_411 : vector<16xi32>
        %add3A_413 = arith.addi %mul3A_412, %iota3A : vector<16xi32>
        %mul3A_414 = arith.constant 1.280000e+02 : f32
        %mul3A_415 = vector.broadcast %mul3A_414 : f32 to vector<16xf32>
        %mul3A_416 = arith.mulf %get3A_146, %mul3A_415 : vector<16xf32>
        %add3A_417 = arith.constant 1.280000e+02 : f32
        %add3A_418 = vector.broadcast %add3A_417 : f32 to vector<16xf32>
        %add3A_419 = arith.addf %mul3A_416, %add3A_418 : vector<16xf32>
        %convert_element_type3A_420 = arith.fptosi %add3A_419 : vector<16xf32> to vector<16xi32>
        %ge3A_421 = arith.constant -1.000000e+00 : f32
        %ge3A_422 = vector.broadcast %ge3A_421 : f32 to vector<16xf32>
        %ge3A_423 = arith.cmpf oge, %get3A_146, %ge3A_422 : vector<16xf32>
        %le3A_424 = arith.constant 1.000000e+00 : f32
        %le3A_425 = vector.broadcast %le3A_424 : f32 to vector<16xf32>
        %le3A_426 = arith.cmpf ole, %get3A_146, %le3A_425 : vector<16xf32>
        %and3A_427 = arith.andi %ge3A_423, %le3A_426 : vector<16xi1>
        %mul3A_428 = arith.constant 16 : i32
        %mul3A_429 = vector.broadcast %mul3A_428 : i32 to vector<16xi32>
        %mul3A_430 = arith.muli %convert_element_type3A_420, %mul3A_429 : vector<16xi32>
        %add3A_431 = arith.addi %mul3A_430, %iota3A : vector<16xi32>
        tpu.vector_store_idx %arg7[%add3A_161], %broadcast_in_dim3A_1 masked %and3A {add = true} : memref<4224xf32, #tpu.memory_space<vmem>>[vector<16xi32>], vector<16xf32>, vector<16xi1>
        tpu.vector_store_idx %arg7[%add3A_179], %broadcast_in_dim3A_1 masked %and3A_175 {add = true} : memref<4224xf32, #tpu.memory_space<vmem>>[vector<16xi32>], vector<16xf32>, vector<16xi1>
        tpu.vector_store_idx %arg7[%add3A_197], %broadcast_in_dim3A_1 masked %and3A_193 {add = true} : memref<4224xf32, #tpu.memory_space<vmem>>[vector<16xi32>], vector<16xf32>, vector<16xi1>
        tpu.vector_store_idx %arg7[%add3A_215], %broadcast_in_dim3A_1 masked %and3A_211 {add = true} : memref<4224xf32, #tpu.memory_space<vmem>>[vector<16xi32>], vector<16xf32>, vector<16xi1>
        tpu.vector_store_idx %arg7[%add3A_233], %broadcast_in_dim3A_1 masked %and3A_229 {add = true} : memref<4224xf32, #tpu.memory_space<vmem>>[vector<16xi32>], vector<16xf32>, vector<16xi1>
        tpu.vector_store_idx %arg7[%add3A_251], %broadcast_in_dim3A_1 masked %and3A_247 {add = true} : memref<4224xf32, #tpu.memory_space<vmem>>[vector<16xi32>], vector<16xf32>, vector<16xi1>
        tpu.vector_store_idx %arg7[%add3A_269], %broadcast_in_dim3A_1 masked %and3A_265 {add = true} : memref<4224xf32, #tpu.memory_space<vmem>>[vector<16xi32>], vector<16xf32>, vector<16xi1>
        tpu.vector_store_idx %arg7[%add3A_287], %broadcast_in_dim3A_1 masked %and3A_283 {add = true} : memref<4224xf32, #tpu.memory_space<vmem>>[vector<16xi32>], vector<16xf32>, vector<16xi1>
        tpu.vector_store_idx %arg7[%add3A_305], %broadcast_in_dim3A_1 masked %and3A_301 {add = true} : memref<4224xf32, #tpu.memory_space<vmem>>[vector<16xi32>], vector<16xf32>, vector<16xi1>
        tpu.vector_store_idx %arg7[%add3A_323], %broadcast_in_dim3A_1 masked %and3A_319 {add = true} : memref<4224xf32, #tpu.memory_space<vmem>>[vector<16xi32>], vector<16xf32>, vector<16xi1>
        tpu.vector_store_idx %arg7[%add3A_341], %broadcast_in_dim3A_1 masked %and3A_337 {add = true} : memref<4224xf32, #tpu.memory_space<vmem>>[vector<16xi32>], vector<16xf32>, vector<16xi1>
        tpu.vector_store_idx %arg7[%add3A_359], %broadcast_in_dim3A_1 masked %and3A_355 {add = true} : memref<4224xf32, #tpu.memory_space<vmem>>[vector<16xi32>], vector<16xf32>, vector<16xi1>
        tpu.vector_store_idx %arg7[%add3A_377], %broadcast_in_dim3A_1 masked %and3A_373 {add = true} : memref<4224xf32, #tpu.memory_space<vmem>>[vector<16xi32>], vector<16xf32>, vector<16xi1>
        tpu.vector_store_idx %arg7[%add3A_395], %broadcast_in_dim3A_1 masked %and3A_391 {add = true} : memref<4224xf32, #tpu.memory_space<vmem>>[vector<16xi32>], vector<16xf32>, vector<16xi1>
        tpu.vector_store_idx %arg7[%add3A_413], %broadcast_in_dim3A_1 masked %and3A_409 {add = true} : memref<4224xf32, #tpu.memory_space<vmem>>[vector<16xi32>], vector<16xf32>, vector<16xi1>
        tpu.vector_store_idx %arg7[%add3A_431], %broadcast_in_dim3A_1 masked %and3A_427 {add = true} : memref<4224xf32, #tpu.memory_space<vmem>>[vector<16xi32>], vector<16xf32>, vector<16xi1>
      }
      %scan3A_55 = arith.constant 128 : i32
      %add3A_56 = arith.constant 0 : i32
      %add3A_57 = arith.addi %add3A_46, %add3A_56 : i32
      %add3A_58 = arith.constant 2 : i32
      %add3A_59 = arith.addi %add3A_57, %add3A_58 : i32
      %lt3A = arith.constant 24 : i32
      %lt3A_60 = arith.cmpi slt, %add3A_59, %lt3A : i32
      %convert_element_type3A = arith.extui %lt3A_60 : i1 to i32
      %cond3A = arith.constant 0 : i32
      %cond3A_61 = arith.cmpi ne, %convert_element_type3A, %cond3A : i32
      scf.if %cond3A_61 {
        %mul3A_81 = arith.constant 3 : i32
        %mul3A_82 = arith.muli %add3A, %mul3A_81 : i32
        %mul3A_83 = arith.constant 262144 : i32
        %mul3A_84 = arith.muli %mul3A_82, %mul3A_83 : i32
        %mul3A_85 = arith.constant 32768 : i32
        %mul3A_86 = arith.muli %add3A_59, %mul3A_85 : i32
        %add3A_87 = arith.addi %mul3A_84, %mul3A_86 : i32
        %dma_start3A_88 = tpu.memref_slice %arg2[%add3A_87] : memref<25165824xf32, #tpu.memory_space<hbm>> -> memref<32768xf32, #tpu.memory_space<hbm>>
        %dma_start3A_89 = tpu.memref_slice %arg2[%add3A_87] : memref<25165824xf32, #tpu.memory_space<hbm>> -> memref<32768xf32, #tpu.memory_space<hbm>>
        tpu.enqueue_dma source(%dma_start3A_89 : memref<32768xf32, #tpu.memory_space<hbm>>) target(%arg4 : memref<32768xf32, #tpu.memory_space<vmem>>) target_semaphore(%arg9 : memref<!tpu.dma_semaphore, #tpu.memory_space<semaphore_mem>>)
      } else {
      }
      %dma_wait3A_62 = arith.constant 0 : i32
      %dma_wait3A_63 = tpu.memref_slice %arg2[%dma_wait3A_62] : memref<25165824xf32, #tpu.memory_space<hbm>> -> memref<32768xf32, #tpu.memory_space<hbm>>
      %dma_wait3A_64 = arith.constant 0 : i32
      %dma_wait3A_65 = tpu.memref_slice %arg2[%dma_wait3A_64] : memref<25165824xf32, #tpu.memory_space<hbm>> -> memref<32768xf32, #tpu.memory_space<hbm>>
      tpu.wait_dma2 semaphore(%arg10 : memref<!tpu.dma_semaphore, #tpu.memory_space<semaphore_mem>>) src(%dma_wait3A_65 : memref<32768xf32, #tpu.memory_space<hbm>>) dst(%arg5 : memref<32768xf32, #tpu.memory_space<vmem>>)
      %scan3A_66 = arith.constant 0 : i32
      %scan3A_67 = arith.constant 0 : i32
      %scan3A_68 = arith.constant 128 : i32
      %scan3A_69 = arith.addi %scan3A_67, %scan3A_68 : i32
      %scan3A_70 = arith.constant 1 : i32
      scf.for %scan3A_81 = %scan3A_67 to %scan3A_69 step %scan3A_70  : i32 {
        %mul3A_82 = arith.constant 256 : i32
        %mul3A_83 = arith.muli %scan3A_81, %mul3A_82 : i32
        %add3A_84 = arith.constant 0 : i32
        %add3A_85 = arith.addi %mul3A_83, %add3A_84 : i32
        %get3A = arith.index_cast %add3A_85 : i32 to index
        %get3A_86 = tpu.vector_load %arg5[%get3A] {strides = array<i32>} : memref<32768xf32, #tpu.memory_space<vmem>>, vector<16xf32>,
        %add3A_87 = arith.constant 16 : i32
        %add3A_88 = arith.addi %mul3A_83, %add3A_87 : i32
        %get3A_89 = arith.index_cast %add3A_88 : i32 to index
        %get3A_90 = tpu.vector_load %arg5[%get3A_89] {strides = array<i32>} : memref<32768xf32, #tpu.memory_space<vmem>>, vector<16xf32>,
        %add3A_91 = arith.constant 32 : i32
        %add3A_92 = arith.addi %mul3A_83, %add3A_91 : i32
        %get3A_93 = arith.index_cast %add3A_92 : i32 to index
        %get3A_94 = tpu.vector_load %arg5[%get3A_93] {strides = array<i32>} : memref<32768xf32, #tpu.memory_space<vmem>>, vector<16xf32>,
        %add3A_95 = arith.constant 48 : i32
        %add3A_96 = arith.addi %mul3A_83, %add3A_95 : i32
        %get3A_97 = arith.index_cast %add3A_96 : i32 to index
        %get3A_98 = tpu.vector_load %arg5[%get3A_97] {strides = array<i32>} : memref<32768xf32, #tpu.memory_space<vmem>>, vector<16xf32>,
        %add3A_99 = arith.constant 64 : i32
        %add3A_100 = arith.addi %mul3A_83, %add3A_99 : i32
        %get3A_101 = arith.index_cast %add3A_100 : i32 to index
        %get3A_102 = tpu.vector_load %arg5[%get3A_101] {strides = array<i32>} : memref<32768xf32, #tpu.memory_space<vmem>>, vector<16xf32>,
        %add3A_103 = arith.constant 80 : i32
        %add3A_104 = arith.addi %mul3A_83, %add3A_103 : i32
        %get3A_105 = arith.index_cast %add3A_104 : i32 to index
        %get3A_106 = tpu.vector_load %arg5[%get3A_105] {strides = array<i32>} : memref<32768xf32, #tpu.memory_space<vmem>>, vector<16xf32>,
        %add3A_107 = arith.constant 96 : i32
        %add3A_108 = arith.addi %mul3A_83, %add3A_107 : i32
        %get3A_109 = arith.index_cast %add3A_108 : i32 to index
        %get3A_110 = tpu.vector_load %arg5[%get3A_109] {strides = array<i32>} : memref<32768xf32, #tpu.memory_space<vmem>>, vector<16xf32>,
        %add3A_111 = arith.constant 112 : i32
        %add3A_112 = arith.addi %mul3A_83, %add3A_111 : i32
        %get3A_113 = arith.index_cast %add3A_112 : i32 to index
        %get3A_114 = tpu.vector_load %arg5[%get3A_113] {strides = array<i32>} : memref<32768xf32, #tpu.memory_space<vmem>>, vector<16xf32>,
        %add3A_115 = arith.constant 128 : i32
        %add3A_116 = arith.addi %mul3A_83, %add3A_115 : i32
        %get3A_117 = arith.index_cast %add3A_116 : i32 to index
        %get3A_118 = tpu.vector_load %arg5[%get3A_117] {strides = array<i32>} : memref<32768xf32, #tpu.memory_space<vmem>>, vector<16xf32>,
        %add3A_119 = arith.constant 144 : i32
        %add3A_120 = arith.addi %mul3A_83, %add3A_119 : i32
        %get3A_121 = arith.index_cast %add3A_120 : i32 to index
        %get3A_122 = tpu.vector_load %arg5[%get3A_121] {strides = array<i32>} : memref<32768xf32, #tpu.memory_space<vmem>>, vector<16xf32>,
        %add3A_123 = arith.constant 160 : i32
        %add3A_124 = arith.addi %mul3A_83, %add3A_123 : i32
        %get3A_125 = arith.index_cast %add3A_124 : i32 to index
        %get3A_126 = tpu.vector_load %arg5[%get3A_125] {strides = array<i32>} : memref<32768xf32, #tpu.memory_space<vmem>>, vector<16xf32>,
        %add3A_127 = arith.constant 176 : i32
        %add3A_128 = arith.addi %mul3A_83, %add3A_127 : i32
        %get3A_129 = arith.index_cast %add3A_128 : i32 to index
        %get3A_130 = tpu.vector_load %arg5[%get3A_129] {strides = array<i32>} : memref<32768xf32, #tpu.memory_space<vmem>>, vector<16xf32>,
        %add3A_131 = arith.constant 192 : i32
        %add3A_132 = arith.addi %mul3A_83, %add3A_131 : i32
        %get3A_133 = arith.index_cast %add3A_132 : i32 to index
        %get3A_134 = tpu.vector_load %arg5[%get3A_133] {strides = array<i32>} : memref<32768xf32, #tpu.memory_space<vmem>>, vector<16xf32>,
        %add3A_135 = arith.constant 208 : i32
        %add3A_136 = arith.addi %mul3A_83, %add3A_135 : i32
        %get3A_137 = arith.index_cast %add3A_136 : i32 to index
        %get3A_138 = tpu.vector_load %arg5[%get3A_137] {strides = array<i32>} : memref<32768xf32, #tpu.memory_space<vmem>>, vector<16xf32>,
        %add3A_139 = arith.constant 224 : i32
        %add3A_140 = arith.addi %mul3A_83, %add3A_139 : i32
        %get3A_141 = arith.index_cast %add3A_140 : i32 to index
        %get3A_142 = tpu.vector_load %arg5[%get3A_141] {strides = array<i32>} : memref<32768xf32, #tpu.memory_space<vmem>>, vector<16xf32>,
        %add3A_143 = arith.constant 240 : i32
        %add3A_144 = arith.addi %mul3A_83, %add3A_143 : i32
        %get3A_145 = arith.index_cast %add3A_144 : i32 to index
        %get3A_146 = tpu.vector_load %arg5[%get3A_145] {strides = array<i32>} : memref<32768xf32, #tpu.memory_space<vmem>>, vector<16xf32>,
        %mul3A_147 = arith.constant 1.280000e+02 : f32
        %mul3A_148 = vector.broadcast %mul3A_147 : f32 to vector<16xf32>
        %mul3A_149 = arith.mulf %get3A_86, %mul3A_148 : vector<16xf32>
        %add3A_150 = arith.constant 1.280000e+02 : f32
        %add3A_151 = vector.broadcast %add3A_150 : f32 to vector<16xf32>
        %add3A_152 = arith.addf %mul3A_149, %add3A_151 : vector<16xf32>
        %convert_element_type3A_153 = arith.fptosi %add3A_152 : vector<16xf32> to vector<16xi32>
        %ge3A = arith.constant -1.000000e+00 : f32
        %ge3A_154 = vector.broadcast %ge3A : f32 to vector<16xf32>
        %ge3A_155 = arith.cmpf oge, %get3A_86, %ge3A_154 : vector<16xf32>
        %le3A = arith.constant 1.000000e+00 : f32
        %le3A_156 = vector.broadcast %le3A : f32 to vector<16xf32>
        %le3A_157 = arith.cmpf ole, %get3A_86, %le3A_156 : vector<16xf32>
        %and3A = arith.andi %ge3A_155, %le3A_157 : vector<16xi1>
        %mul3A_158 = arith.constant 16 : i32
        %mul3A_159 = vector.broadcast %mul3A_158 : i32 to vector<16xi32>
        %mul3A_160 = arith.muli %convert_element_type3A_153, %mul3A_159 : vector<16xi32>
        %add3A_161 = arith.addi %mul3A_160, %iota3A : vector<16xi32>
        %mul3A_162 = arith.constant 1.280000e+02 : f32
        %mul3A_163 = vector.broadcast %mul3A_162 : f32 to vector<16xf32>
        %mul3A_164 = arith.mulf %get3A_90, %mul3A_163 : vector<16xf32>
        %add3A_165 = arith.constant 1.280000e+02 : f32
        %add3A_166 = vector.broadcast %add3A_165 : f32 to vector<16xf32>
        %add3A_167 = arith.addf %mul3A_164, %add3A_166 : vector<16xf32>
        %convert_element_type3A_168 = arith.fptosi %add3A_167 : vector<16xf32> to vector<16xi32>
        %ge3A_169 = arith.constant -1.000000e+00 : f32
        %ge3A_170 = vector.broadcast %ge3A_169 : f32 to vector<16xf32>
        %ge3A_171 = arith.cmpf oge, %get3A_90, %ge3A_170 : vector<16xf32>
        %le3A_172 = arith.constant 1.000000e+00 : f32
        %le3A_173 = vector.broadcast %le3A_172 : f32 to vector<16xf32>
        %le3A_174 = arith.cmpf ole, %get3A_90, %le3A_173 : vector<16xf32>
        %and3A_175 = arith.andi %ge3A_171, %le3A_174 : vector<16xi1>
        %mul3A_176 = arith.constant 16 : i32
        %mul3A_177 = vector.broadcast %mul3A_176 : i32 to vector<16xi32>
        %mul3A_178 = arith.muli %convert_element_type3A_168, %mul3A_177 : vector<16xi32>
        %add3A_179 = arith.addi %mul3A_178, %iota3A : vector<16xi32>
        %mul3A_180 = arith.constant 1.280000e+02 : f32
        %mul3A_181 = vector.broadcast %mul3A_180 : f32 to vector<16xf32>
        %mul3A_182 = arith.mulf %get3A_94, %mul3A_181 : vector<16xf32>
        %add3A_183 = arith.constant 1.280000e+02 : f32
        %add3A_184 = vector.broadcast %add3A_183 : f32 to vector<16xf32>
        %add3A_185 = arith.addf %mul3A_182, %add3A_184 : vector<16xf32>
        %convert_element_type3A_186 = arith.fptosi %add3A_185 : vector<16xf32> to vector<16xi32>
        %ge3A_187 = arith.constant -1.000000e+00 : f32
        %ge3A_188 = vector.broadcast %ge3A_187 : f32 to vector<16xf32>
        %ge3A_189 = arith.cmpf oge, %get3A_94, %ge3A_188 : vector<16xf32>
        %le3A_190 = arith.constant 1.000000e+00 : f32
        %le3A_191 = vector.broadcast %le3A_190 : f32 to vector<16xf32>
        %le3A_192 = arith.cmpf ole, %get3A_94, %le3A_191 : vector<16xf32>
        %and3A_193 = arith.andi %ge3A_189, %le3A_192 : vector<16xi1>
        %mul3A_194 = arith.constant 16 : i32
        %mul3A_195 = vector.broadcast %mul3A_194 : i32 to vector<16xi32>
        %mul3A_196 = arith.muli %convert_element_type3A_186, %mul3A_195 : vector<16xi32>
        %add3A_197 = arith.addi %mul3A_196, %iota3A : vector<16xi32>
        %mul3A_198 = arith.constant 1.280000e+02 : f32
        %mul3A_199 = vector.broadcast %mul3A_198 : f32 to vector<16xf32>
        %mul3A_200 = arith.mulf %get3A_98, %mul3A_199 : vector<16xf32>
        %add3A_201 = arith.constant 1.280000e+02 : f32
        %add3A_202 = vector.broadcast %add3A_201 : f32 to vector<16xf32>
        %add3A_203 = arith.addf %mul3A_200, %add3A_202 : vector<16xf32>
        %convert_element_type3A_204 = arith.fptosi %add3A_203 : vector<16xf32> to vector<16xi32>
        %ge3A_205 = arith.constant -1.000000e+00 : f32
        %ge3A_206 = vector.broadcast %ge3A_205 : f32 to vector<16xf32>
        %ge3A_207 = arith.cmpf oge, %get3A_98, %ge3A_206 : vector<16xf32>
        %le3A_208 = arith.constant 1.000000e+00 : f32
        %le3A_209 = vector.broadcast %le3A_208 : f32 to vector<16xf32>
        %le3A_210 = arith.cmpf ole, %get3A_98, %le3A_209 : vector<16xf32>
        %and3A_211 = arith.andi %ge3A_207, %le3A_210 : vector<16xi1>
        %mul3A_212 = arith.constant 16 : i32
        %mul3A_213 = vector.broadcast %mul3A_212 : i32 to vector<16xi32>
        %mul3A_214 = arith.muli %convert_element_type3A_204, %mul3A_213 : vector<16xi32>
        %add3A_215 = arith.addi %mul3A_214, %iota3A : vector<16xi32>
        %mul3A_216 = arith.constant 1.280000e+02 : f32
        %mul3A_217 = vector.broadcast %mul3A_216 : f32 to vector<16xf32>
        %mul3A_218 = arith.mulf %get3A_102, %mul3A_217 : vector<16xf32>
        %add3A_219 = arith.constant 1.280000e+02 : f32
        %add3A_220 = vector.broadcast %add3A_219 : f32 to vector<16xf32>
        %add3A_221 = arith.addf %mul3A_218, %add3A_220 : vector<16xf32>
        %convert_element_type3A_222 = arith.fptosi %add3A_221 : vector<16xf32> to vector<16xi32>
        %ge3A_223 = arith.constant -1.000000e+00 : f32
        %ge3A_224 = vector.broadcast %ge3A_223 : f32 to vector<16xf32>
        %ge3A_225 = arith.cmpf oge, %get3A_102, %ge3A_224 : vector<16xf32>
        %le3A_226 = arith.constant 1.000000e+00 : f32
        %le3A_227 = vector.broadcast %le3A_226 : f32 to vector<16xf32>
        %le3A_228 = arith.cmpf ole, %get3A_102, %le3A_227 : vector<16xf32>
        %and3A_229 = arith.andi %ge3A_225, %le3A_228 : vector<16xi1>
        %mul3A_230 = arith.constant 16 : i32
        %mul3A_231 = vector.broadcast %mul3A_230 : i32 to vector<16xi32>
        %mul3A_232 = arith.muli %convert_element_type3A_222, %mul3A_231 : vector<16xi32>
        %add3A_233 = arith.addi %mul3A_232, %iota3A : vector<16xi32>
        %mul3A_234 = arith.constant 1.280000e+02 : f32
        %mul3A_235 = vector.broadcast %mul3A_234 : f32 to vector<16xf32>
        %mul3A_236 = arith.mulf %get3A_106, %mul3A_235 : vector<16xf32>
        %add3A_237 = arith.constant 1.280000e+02 : f32
        %add3A_238 = vector.broadcast %add3A_237 : f32 to vector<16xf32>
        %add3A_239 = arith.addf %mul3A_236, %add3A_238 : vector<16xf32>
        %convert_element_type3A_240 = arith.fptosi %add3A_239 : vector<16xf32> to vector<16xi32>
        %ge3A_241 = arith.constant -1.000000e+00 : f32
        %ge3A_242 = vector.broadcast %ge3A_241 : f32 to vector<16xf32>
        %ge3A_243 = arith.cmpf oge, %get3A_106, %ge3A_242 : vector<16xf32>
        %le3A_244 = arith.constant 1.000000e+00 : f32
        %le3A_245 = vector.broadcast %le3A_244 : f32 to vector<16xf32>
        %le3A_246 = arith.cmpf ole, %get3A_106, %le3A_245 : vector<16xf32>
        %and3A_247 = arith.andi %ge3A_243, %le3A_246 : vector<16xi1>
        %mul3A_248 = arith.constant 16 : i32
        %mul3A_249 = vector.broadcast %mul3A_248 : i32 to vector<16xi32>
        %mul3A_250 = arith.muli %convert_element_type3A_240, %mul3A_249 : vector<16xi32>
        %add3A_251 = arith.addi %mul3A_250, %iota3A : vector<16xi32>
        %mul3A_252 = arith.constant 1.280000e+02 : f32
        %mul3A_253 = vector.broadcast %mul3A_252 : f32 to vector<16xf32>
        %mul3A_254 = arith.mulf %get3A_110, %mul3A_253 : vector<16xf32>
        %add3A_255 = arith.constant 1.280000e+02 : f32
        %add3A_256 = vector.broadcast %add3A_255 : f32 to vector<16xf32>
        %add3A_257 = arith.addf %mul3A_254, %add3A_256 : vector<16xf32>
        %convert_element_type3A_258 = arith.fptosi %add3A_257 : vector<16xf32> to vector<16xi32>
        %ge3A_259 = arith.constant -1.000000e+00 : f32
        %ge3A_260 = vector.broadcast %ge3A_259 : f32 to vector<16xf32>
        %ge3A_261 = arith.cmpf oge, %get3A_110, %ge3A_260 : vector<16xf32>
        %le3A_262 = arith.constant 1.000000e+00 : f32
        %le3A_263 = vector.broadcast %le3A_262 : f32 to vector<16xf32>
        %le3A_264 = arith.cmpf ole, %get3A_110, %le3A_263 : vector<16xf32>
        %and3A_265 = arith.andi %ge3A_261, %le3A_264 : vector<16xi1>
        %mul3A_266 = arith.constant 16 : i32
        %mul3A_267 = vector.broadcast %mul3A_266 : i32 to vector<16xi32>
        %mul3A_268 = arith.muli %convert_element_type3A_258, %mul3A_267 : vector<16xi32>
        %add3A_269 = arith.addi %mul3A_268, %iota3A : vector<16xi32>
        %mul3A_270 = arith.constant 1.280000e+02 : f32
        %mul3A_271 = vector.broadcast %mul3A_270 : f32 to vector<16xf32>
        %mul3A_272 = arith.mulf %get3A_114, %mul3A_271 : vector<16xf32>
        %add3A_273 = arith.constant 1.280000e+02 : f32
        %add3A_274 = vector.broadcast %add3A_273 : f32 to vector<16xf32>
        %add3A_275 = arith.addf %mul3A_272, %add3A_274 : vector<16xf32>
        %convert_element_type3A_276 = arith.fptosi %add3A_275 : vector<16xf32> to vector<16xi32>
        %ge3A_277 = arith.constant -1.000000e+00 : f32
        %ge3A_278 = vector.broadcast %ge3A_277 : f32 to vector<16xf32>
        %ge3A_279 = arith.cmpf oge, %get3A_114, %ge3A_278 : vector<16xf32>
        %le3A_280 = arith.constant 1.000000e+00 : f32
        %le3A_281 = vector.broadcast %le3A_280 : f32 to vector<16xf32>
        %le3A_282 = arith.cmpf ole, %get3A_114, %le3A_281 : vector<16xf32>
        %and3A_283 = arith.andi %ge3A_279, %le3A_282 : vector<16xi1>
        %mul3A_284 = arith.constant 16 : i32
        %mul3A_285 = vector.broadcast %mul3A_284 : i32 to vector<16xi32>
        %mul3A_286 = arith.muli %convert_element_type3A_276, %mul3A_285 : vector<16xi32>
        %add3A_287 = arith.addi %mul3A_286, %iota3A : vector<16xi32>
        %mul3A_288 = arith.constant 1.280000e+02 : f32
        %mul3A_289 = vector.broadcast %mul3A_288 : f32 to vector<16xf32>
        %mul3A_290 = arith.mulf %get3A_118, %mul3A_289 : vector<16xf32>
        %add3A_291 = arith.constant 1.280000e+02 : f32
        %add3A_292 = vector.broadcast %add3A_291 : f32 to vector<16xf32>
        %add3A_293 = arith.addf %mul3A_290, %add3A_292 : vector<16xf32>
        %convert_element_type3A_294 = arith.fptosi %add3A_293 : vector<16xf32> to vector<16xi32>
        %ge3A_295 = arith.constant -1.000000e+00 : f32
        %ge3A_296 = vector.broadcast %ge3A_295 : f32 to vector<16xf32>
        %ge3A_297 = arith.cmpf oge, %get3A_118, %ge3A_296 : vector<16xf32>
        %le3A_298 = arith.constant 1.000000e+00 : f32
        %le3A_299 = vector.broadcast %le3A_298 : f32 to vector<16xf32>
        %le3A_300 = arith.cmpf ole, %get3A_118, %le3A_299 : vector<16xf32>
        %and3A_301 = arith.andi %ge3A_297, %le3A_300 : vector<16xi1>
        %mul3A_302 = arith.constant 16 : i32
        %mul3A_303 = vector.broadcast %mul3A_302 : i32 to vector<16xi32>
        %mul3A_304 = arith.muli %convert_element_type3A_294, %mul3A_303 : vector<16xi32>
        %add3A_305 = arith.addi %mul3A_304, %iota3A : vector<16xi32>
        %mul3A_306 = arith.constant 1.280000e+02 : f32
        %mul3A_307 = vector.broadcast %mul3A_306 : f32 to vector<16xf32>
        %mul3A_308 = arith.mulf %get3A_122, %mul3A_307 : vector<16xf32>
        %add3A_309 = arith.constant 1.280000e+02 : f32
        %add3A_310 = vector.broadcast %add3A_309 : f32 to vector<16xf32>
        %add3A_311 = arith.addf %mul3A_308, %add3A_310 : vector<16xf32>
        %convert_element_type3A_312 = arith.fptosi %add3A_311 : vector<16xf32> to vector<16xi32>
        %ge3A_313 = arith.constant -1.000000e+00 : f32
        %ge3A_314 = vector.broadcast %ge3A_313 : f32 to vector<16xf32>
        %ge3A_315 = arith.cmpf oge, %get3A_122, %ge3A_314 : vector<16xf32>
        %le3A_316 = arith.constant 1.000000e+00 : f32
        %le3A_317 = vector.broadcast %le3A_316 : f32 to vector<16xf32>
        %le3A_318 = arith.cmpf ole, %get3A_122, %le3A_317 : vector<16xf32>
        %and3A_319 = arith.andi %ge3A_315, %le3A_318 : vector<16xi1>
        %mul3A_320 = arith.constant 16 : i32
        %mul3A_321 = vector.broadcast %mul3A_320 : i32 to vector<16xi32>
        %mul3A_322 = arith.muli %convert_element_type3A_312, %mul3A_321 : vector<16xi32>
        %add3A_323 = arith.addi %mul3A_322, %iota3A : vector<16xi32>
        %mul3A_324 = arith.constant 1.280000e+02 : f32
        %mul3A_325 = vector.broadcast %mul3A_324 : f32 to vector<16xf32>
        %mul3A_326 = arith.mulf %get3A_126, %mul3A_325 : vector<16xf32>
        %add3A_327 = arith.constant 1.280000e+02 : f32
        %add3A_328 = vector.broadcast %add3A_327 : f32 to vector<16xf32>
        %add3A_329 = arith.addf %mul3A_326, %add3A_328 : vector<16xf32>
        %convert_element_type3A_330 = arith.fptosi %add3A_329 : vector<16xf32> to vector<16xi32>
        %ge3A_331 = arith.constant -1.000000e+00 : f32
        %ge3A_332 = vector.broadcast %ge3A_331 : f32 to vector<16xf32>
        %ge3A_333 = arith.cmpf oge, %get3A_126, %ge3A_332 : vector<16xf32>
        %le3A_334 = arith.constant 1.000000e+00 : f32
        %le3A_335 = vector.broadcast %le3A_334 : f32 to vector<16xf32>
        %le3A_336 = arith.cmpf ole, %get3A_126, %le3A_335 : vector<16xf32>
        %and3A_337 = arith.andi %ge3A_333, %le3A_336 : vector<16xi1>
        %mul3A_338 = arith.constant 16 : i32
        %mul3A_339 = vector.broadcast %mul3A_338 : i32 to vector<16xi32>
        %mul3A_340 = arith.muli %convert_element_type3A_330, %mul3A_339 : vector<16xi32>
        %add3A_341 = arith.addi %mul3A_340, %iota3A : vector<16xi32>
        %mul3A_342 = arith.constant 1.280000e+02 : f32
        %mul3A_343 = vector.broadcast %mul3A_342 : f32 to vector<16xf32>
        %mul3A_344 = arith.mulf %get3A_130, %mul3A_343 : vector<16xf32>
        %add3A_345 = arith.constant 1.280000e+02 : f32
        %add3A_346 = vector.broadcast %add3A_345 : f32 to vector<16xf32>
        %add3A_347 = arith.addf %mul3A_344, %add3A_346 : vector<16xf32>
        %convert_element_type3A_348 = arith.fptosi %add3A_347 : vector<16xf32> to vector<16xi32>
        %ge3A_349 = arith.constant -1.000000e+00 : f32
        %ge3A_350 = vector.broadcast %ge3A_349 : f32 to vector<16xf32>
        %ge3A_351 = arith.cmpf oge, %get3A_130, %ge3A_350 : vector<16xf32>
        %le3A_352 = arith.constant 1.000000e+00 : f32
        %le3A_353 = vector.broadcast %le3A_352 : f32 to vector<16xf32>
        %le3A_354 = arith.cmpf ole, %get3A_130, %le3A_353 : vector<16xf32>
        %and3A_355 = arith.andi %ge3A_351, %le3A_354 : vector<16xi1>
        %mul3A_356 = arith.constant 16 : i32
        %mul3A_357 = vector.broadcast %mul3A_356 : i32 to vector<16xi32>
        %mul3A_358 = arith.muli %convert_element_type3A_348, %mul3A_357 : vector<16xi32>
        %add3A_359 = arith.addi %mul3A_358, %iota3A : vector<16xi32>
        %mul3A_360 = arith.constant 1.280000e+02 : f32
        %mul3A_361 = vector.broadcast %mul3A_360 : f32 to vector<16xf32>
        %mul3A_362 = arith.mulf %get3A_134, %mul3A_361 : vector<16xf32>
        %add3A_363 = arith.constant 1.280000e+02 : f32
        %add3A_364 = vector.broadcast %add3A_363 : f32 to vector<16xf32>
        %add3A_365 = arith.addf %mul3A_362, %add3A_364 : vector<16xf32>
        %convert_element_type3A_366 = arith.fptosi %add3A_365 : vector<16xf32> to vector<16xi32>
        %ge3A_367 = arith.constant -1.000000e+00 : f32
        %ge3A_368 = vector.broadcast %ge3A_367 : f32 to vector<16xf32>
        %ge3A_369 = arith.cmpf oge, %get3A_134, %ge3A_368 : vector<16xf32>
        %le3A_370 = arith.constant 1.000000e+00 : f32
        %le3A_371 = vector.broadcast %le3A_370 : f32 to vector<16xf32>
        %le3A_372 = arith.cmpf ole, %get3A_134, %le3A_371 : vector<16xf32>
        %and3A_373 = arith.andi %ge3A_369, %le3A_372 : vector<16xi1>
        %mul3A_374 = arith.constant 16 : i32
        %mul3A_375 = vector.broadcast %mul3A_374 : i32 to vector<16xi32>
        %mul3A_376 = arith.muli %convert_element_type3A_366, %mul3A_375 : vector<16xi32>
        %add3A_377 = arith.addi %mul3A_376, %iota3A : vector<16xi32>
        %mul3A_378 = arith.constant 1.280000e+02 : f32
        %mul3A_379 = vector.broadcast %mul3A_378 : f32 to vector<16xf32>
        %mul3A_380 = arith.mulf %get3A_138, %mul3A_379 : vector<16xf32>
        %add3A_381 = arith.constant 1.280000e+02 : f32
        %add3A_382 = vector.broadcast %add3A_381 : f32 to vector<16xf32>
        %add3A_383 = arith.addf %mul3A_380, %add3A_382 : vector<16xf32>
        %convert_element_type3A_384 = arith.fptosi %add3A_383 : vector<16xf32> to vector<16xi32>
        %ge3A_385 = arith.constant -1.000000e+00 : f32
        %ge3A_386 = vector.broadcast %ge3A_385 : f32 to vector<16xf32>
        %ge3A_387 = arith.cmpf oge, %get3A_138, %ge3A_386 : vector<16xf32>
        %le3A_388 = arith.constant 1.000000e+00 : f32
        %le3A_389 = vector.broadcast %le3A_388 : f32 to vector<16xf32>
        %le3A_390 = arith.cmpf ole, %get3A_138, %le3A_389 : vector<16xf32>
        %and3A_391 = arith.andi %ge3A_387, %le3A_390 : vector<16xi1>
        %mul3A_392 = arith.constant 16 : i32
        %mul3A_393 = vector.broadcast %mul3A_392 : i32 to vector<16xi32>
        %mul3A_394 = arith.muli %convert_element_type3A_384, %mul3A_393 : vector<16xi32>
        %add3A_395 = arith.addi %mul3A_394, %iota3A : vector<16xi32>
        %mul3A_396 = arith.constant 1.280000e+02 : f32
        %mul3A_397 = vector.broadcast %mul3A_396 : f32 to vector<16xf32>
        %mul3A_398 = arith.mulf %get3A_142, %mul3A_397 : vector<16xf32>
        %add3A_399 = arith.constant 1.280000e+02 : f32
        %add3A_400 = vector.broadcast %add3A_399 : f32 to vector<16xf32>
        %add3A_401 = arith.addf %mul3A_398, %add3A_400 : vector<16xf32>
        %convert_element_type3A_402 = arith.fptosi %add3A_401 : vector<16xf32> to vector<16xi32>
        %ge3A_403 = arith.constant -1.000000e+00 : f32
        %ge3A_404 = vector.broadcast %ge3A_403 : f32 to vector<16xf32>
        %ge3A_405 = arith.cmpf oge, %get3A_142, %ge3A_404 : vector<16xf32>
        %le3A_406 = arith.constant 1.000000e+00 : f32
        %le3A_407 = vector.broadcast %le3A_406 : f32 to vector<16xf32>
        %le3A_408 = arith.cmpf ole, %get3A_142, %le3A_407 : vector<16xf32>
        %and3A_409 = arith.andi %ge3A_405, %le3A_408 : vector<16xi1>
        %mul3A_410 = arith.constant 16 : i32
        %mul3A_411 = vector.broadcast %mul3A_410 : i32 to vector<16xi32>
        %mul3A_412 = arith.muli %convert_element_type3A_402, %mul3A_411 : vector<16xi32>
        %add3A_413 = arith.addi %mul3A_412, %iota3A : vector<16xi32>
        %mul3A_414 = arith.constant 1.280000e+02 : f32
        %mul3A_415 = vector.broadcast %mul3A_414 : f32 to vector<16xf32>
        %mul3A_416 = arith.mulf %get3A_146, %mul3A_415 : vector<16xf32>
        %add3A_417 = arith.constant 1.280000e+02 : f32
        %add3A_418 = vector.broadcast %add3A_417 : f32 to vector<16xf32>
        %add3A_419 = arith.addf %mul3A_416, %add3A_418 : vector<16xf32>
        %convert_element_type3A_420 = arith.fptosi %add3A_419 : vector<16xf32> to vector<16xi32>
        %ge3A_421 = arith.constant -1.000000e+00 : f32
        %ge3A_422 = vector.broadcast %ge3A_421 : f32 to vector<16xf32>
        %ge3A_423 = arith.cmpf oge, %get3A_146, %ge3A_422 : vector<16xf32>
        %le3A_424 = arith.constant 1.000000e+00 : f32
        %le3A_425 = vector.broadcast %le3A_424 : f32 to vector<16xf32>
        %le3A_426 = arith.cmpf ole, %get3A_146, %le3A_425 : vector<16xf32>
        %and3A_427 = arith.andi %ge3A_423, %le3A_426 : vector<16xi1>
        %mul3A_428 = arith.constant 16 : i32
        %mul3A_429 = vector.broadcast %mul3A_428 : i32 to vector<16xi32>
        %mul3A_430 = arith.muli %convert_element_type3A_420, %mul3A_429 : vector<16xi32>
        %add3A_431 = arith.addi %mul3A_430, %iota3A : vector<16xi32>
        tpu.vector_store_idx %arg7[%add3A_161], %broadcast_in_dim3A_1 masked %and3A {add = true} : memref<4224xf32, #tpu.memory_space<vmem>>[vector<16xi32>], vector<16xf32>, vector<16xi1>
        tpu.vector_store_idx %arg7[%add3A_179], %broadcast_in_dim3A_1 masked %and3A_175 {add = true} : memref<4224xf32, #tpu.memory_space<vmem>>[vector<16xi32>], vector<16xf32>, vector<16xi1>
        tpu.vector_store_idx %arg7[%add3A_197], %broadcast_in_dim3A_1 masked %and3A_193 {add = true} : memref<4224xf32, #tpu.memory_space<vmem>>[vector<16xi32>], vector<16xf32>, vector<16xi1>
        tpu.vector_store_idx %arg7[%add3A_215], %broadcast_in_dim3A_1 masked %and3A_211 {add = true} : memref<4224xf32, #tpu.memory_space<vmem>>[vector<16xi32>], vector<16xf32>, vector<16xi1>
        tpu.vector_store_idx %arg7[%add3A_233], %broadcast_in_dim3A_1 masked %and3A_229 {add = true} : memref<4224xf32, #tpu.memory_space<vmem>>[vector<16xi32>], vector<16xf32>, vector<16xi1>
        tpu.vector_store_idx %arg7[%add3A_251], %broadcast_in_dim3A_1 masked %and3A_247 {add = true} : memref<4224xf32, #tpu.memory_space<vmem>>[vector<16xi32>], vector<16xf32>, vector<16xi1>
        tpu.vector_store_idx %arg7[%add3A_269], %broadcast_in_dim3A_1 masked %and3A_265 {add = true} : memref<4224xf32, #tpu.memory_space<vmem>>[vector<16xi32>], vector<16xf32>, vector<16xi1>
        tpu.vector_store_idx %arg7[%add3A_287], %broadcast_in_dim3A_1 masked %and3A_283 {add = true} : memref<4224xf32, #tpu.memory_space<vmem>>[vector<16xi32>], vector<16xf32>, vector<16xi1>
        tpu.vector_store_idx %arg7[%add3A_305], %broadcast_in_dim3A_1 masked %and3A_301 {add = true} : memref<4224xf32, #tpu.memory_space<vmem>>[vector<16xi32>], vector<16xf32>, vector<16xi1>
        tpu.vector_store_idx %arg7[%add3A_323], %broadcast_in_dim3A_1 masked %and3A_319 {add = true} : memref<4224xf32, #tpu.memory_space<vmem>>[vector<16xi32>], vector<16xf32>, vector<16xi1>
        tpu.vector_store_idx %arg7[%add3A_341], %broadcast_in_dim3A_1 masked %and3A_337 {add = true} : memref<4224xf32, #tpu.memory_space<vmem>>[vector<16xi32>], vector<16xf32>, vector<16xi1>
        tpu.vector_store_idx %arg7[%add3A_359], %broadcast_in_dim3A_1 masked %and3A_355 {add = true} : memref<4224xf32, #tpu.memory_space<vmem>>[vector<16xi32>], vector<16xf32>, vector<16xi1>
        tpu.vector_store_idx %arg7[%add3A_377], %broadcast_in_dim3A_1 masked %and3A_373 {add = true} : memref<4224xf32, #tpu.memory_space<vmem>>[vector<16xi32>], vector<16xf32>, vector<16xi1>
        tpu.vector_store_idx %arg7[%add3A_395], %broadcast_in_dim3A_1 masked %and3A_391 {add = true} : memref<4224xf32, #tpu.memory_space<vmem>>[vector<16xi32>], vector<16xf32>, vector<16xi1>
        tpu.vector_store_idx %arg7[%add3A_413], %broadcast_in_dim3A_1 masked %and3A_409 {add = true} : memref<4224xf32, #tpu.memory_space<vmem>>[vector<16xi32>], vector<16xf32>, vector<16xi1>
        tpu.vector_store_idx %arg7[%add3A_431], %broadcast_in_dim3A_1 masked %and3A_427 {add = true} : memref<4224xf32, #tpu.memory_space<vmem>>[vector<16xi32>], vector<16xf32>, vector<16xi1>
      }
      %scan3A_71 = arith.constant 128 : i32
      %add3A_72 = arith.constant 1 : i32
      %add3A_73 = arith.addi %add3A_46, %add3A_72 : i32
      %add3A_74 = arith.constant 2 : i32
      %add3A_75 = arith.addi %add3A_73, %add3A_74 : i32
      %lt3A_76 = arith.constant 24 : i32
      %lt3A_77 = arith.cmpi slt, %add3A_75, %lt3A_76 : i32
      %convert_element_type3A_78 = arith.extui %lt3A_77 : i1 to i32
      %cond3A_79 = arith.constant 0 : i32
      %cond3A_80 = arith.cmpi ne, %convert_element_type3A_78, %cond3A_79 : i32
      scf.if %cond3A_80 {
        %mul3A_81 = arith.constant 3 : i32
        %mul3A_82 = arith.muli %add3A, %mul3A_81 : i32
        %mul3A_83 = arith.constant 262144 : i32
        %mul3A_84 = arith.muli %mul3A_82, %mul3A_83 : i32
        %mul3A_85 = arith.constant 32768 : i32
        %mul3A_86 = arith.muli %add3A_75, %mul3A_85 : i32
        %add3A_87 = arith.addi %mul3A_84, %mul3A_86 : i32
        %dma_start3A_88 = tpu.memref_slice %arg2[%add3A_87] : memref<25165824xf32, #tpu.memory_space<hbm>> -> memref<32768xf32, #tpu.memory_space<hbm>>
        %dma_start3A_89 = tpu.memref_slice %arg2[%add3A_87] : memref<25165824xf32, #tpu.memory_space<hbm>> -> memref<32768xf32, #tpu.memory_space<hbm>>
        tpu.enqueue_dma source(%dma_start3A_89 : memref<32768xf32, #tpu.memory_space<hbm>>) target(%arg5 : memref<32768xf32, #tpu.memory_space<vmem>>) target_semaphore(%arg10 : memref<!tpu.dma_semaphore, #tpu.memory_space<semaphore_mem>>)
      } else {
      }
    }
    %scan3A_35 = arith.constant 4 : i32
    %scan3A_36 = arith.constant 0 : i32
    %scan3A_37 = arith.constant 0 : i32
    %scan3A_38 = arith.constant 4 : i32
    %scan3A_39 = arith.addi %scan3A_37, %scan3A_38 : i32
    %scan3A_40 = arith.constant 1 : i32
    scf.for %scan3A_42 = %scan3A_37 to %scan3A_39 step %scan3A_40  : i32 {
      %mul3A_43 = arith.constant 2 : i32
      %mul3A_44 = arith.muli %mul3A_43, %scan3A_42 : i32
      %add3A_45 = arith.constant 16 : i32
      %add3A_46 = arith.addi %add3A_45, %mul3A_44 : i32
      %dma_wait3A = arith.constant 0 : i32
      %dma_wait3A_47 = tpu.memref_slice %arg2[%dma_wait3A] : memref<25165824xf32, #tpu.memory_space<hbm>> -> memref<32768xf32, #tpu.memory_space<hbm>>
      %dma_wait3A_48 = arith.constant 0 : i32
      %dma_wait3A_49 = tpu.memref_slice %arg2[%dma_wait3A_48] : memref<25165824xf32, #tpu.memory_space<hbm>> -> memref<32768xf32, #tpu.memory_space<hbm>>
      tpu.wait_dma2 semaphore(%arg9 : memref<!tpu.dma_semaphore, #tpu.memory_space<semaphore_mem>>) src(%dma_wait3A_49 : memref<32768xf32, #tpu.memory_space<hbm>>) dst(%arg4 : memref<32768xf32, #tpu.memory_space<vmem>>)
      %scan3A_50 = arith.constant 0 : i32
      %scan3A_51 = arith.constant 0 : i32
      %scan3A_52 = arith.constant 128 : i32
      %scan3A_53 = arith.addi %scan3A_51, %scan3A_52 : i32
      %scan3A_54 = arith.constant 1 : i32
      scf.for %scan3A_81 = %scan3A_51 to %scan3A_53 step %scan3A_54  : i32 {
        %mul3A_82 = arith.constant 256 : i32
        %mul3A_83 = arith.muli %scan3A_81, %mul3A_82 : i32
        %add3A_84 = arith.constant 0 : i32
        %add3A_85 = arith.addi %mul3A_83, %add3A_84 : i32
        %get3A = arith.index_cast %add3A_85 : i32 to index
        %get3A_86 = tpu.vector_load %arg4[%get3A] {strides = array<i32>} : memref<32768xf32, #tpu.memory_space<vmem>>, vector<16xf32>,
        %add3A_87 = arith.constant 16 : i32
        %add3A_88 = arith.addi %mul3A_83, %add3A_87 : i32
        %get3A_89 = arith.index_cast %add3A_88 : i32 to index
        %get3A_90 = tpu.vector_load %arg4[%get3A_89] {strides = array<i32>} : memref<32768xf32, #tpu.memory_space<vmem>>, vector<16xf32>,
        %add3A_91 = arith.constant 32 : i32
        %add3A_92 = arith.addi %mul3A_83, %add3A_91 : i32
        %get3A_93 = arith.index_cast %add3A_92 : i32 to index
        %get3A_94 = tpu.vector_load %arg4[%get3A_93] {strides = array<i32>} : memref<32768xf32, #tpu.memory_space<vmem>>, vector<16xf32>,
        %add3A_95 = arith.constant 48 : i32
        %add3A_96 = arith.addi %mul3A_83, %add3A_95 : i32
        %get3A_97 = arith.index_cast %add3A_96 : i32 to index
        %get3A_98 = tpu.vector_load %arg4[%get3A_97] {strides = array<i32>} : memref<32768xf32, #tpu.memory_space<vmem>>, vector<16xf32>,
        %add3A_99 = arith.constant 64 : i32
        %add3A_100 = arith.addi %mul3A_83, %add3A_99 : i32
        %get3A_101 = arith.index_cast %add3A_100 : i32 to index
        %get3A_102 = tpu.vector_load %arg4[%get3A_101] {strides = array<i32>} : memref<32768xf32, #tpu.memory_space<vmem>>, vector<16xf32>,
        %add3A_103 = arith.constant 80 : i32
        %add3A_104 = arith.addi %mul3A_83, %add3A_103 : i32
        %get3A_105 = arith.index_cast %add3A_104 : i32 to index
        %get3A_106 = tpu.vector_load %arg4[%get3A_105] {strides = array<i32>} : memref<32768xf32, #tpu.memory_space<vmem>>, vector<16xf32>,
        %add3A_107 = arith.constant 96 : i32
        %add3A_108 = arith.addi %mul3A_83, %add3A_107 : i32
        %get3A_109 = arith.index_cast %add3A_108 : i32 to index
        %get3A_110 = tpu.vector_load %arg4[%get3A_109] {strides = array<i32>} : memref<32768xf32, #tpu.memory_space<vmem>>, vector<16xf32>,
        %add3A_111 = arith.constant 112 : i32
        %add3A_112 = arith.addi %mul3A_83, %add3A_111 : i32
        %get3A_113 = arith.index_cast %add3A_112 : i32 to index
        %get3A_114 = tpu.vector_load %arg4[%get3A_113] {strides = array<i32>} : memref<32768xf32, #tpu.memory_space<vmem>>, vector<16xf32>,
        %add3A_115 = arith.constant 128 : i32
        %add3A_116 = arith.addi %mul3A_83, %add3A_115 : i32
        %get3A_117 = arith.index_cast %add3A_116 : i32 to index
        %get3A_118 = tpu.vector_load %arg4[%get3A_117] {strides = array<i32>} : memref<32768xf32, #tpu.memory_space<vmem>>, vector<16xf32>,
        %add3A_119 = arith.constant 144 : i32
        %add3A_120 = arith.addi %mul3A_83, %add3A_119 : i32
        %get3A_121 = arith.index_cast %add3A_120 : i32 to index
        %get3A_122 = tpu.vector_load %arg4[%get3A_121] {strides = array<i32>} : memref<32768xf32, #tpu.memory_space<vmem>>, vector<16xf32>,
        %add3A_123 = arith.constant 160 : i32
        %add3A_124 = arith.addi %mul3A_83, %add3A_123 : i32
        %get3A_125 = arith.index_cast %add3A_124 : i32 to index
        %get3A_126 = tpu.vector_load %arg4[%get3A_125] {strides = array<i32>} : memref<32768xf32, #tpu.memory_space<vmem>>, vector<16xf32>,
        %add3A_127 = arith.constant 176 : i32
        %add3A_128 = arith.addi %mul3A_83, %add3A_127 : i32
        %get3A_129 = arith.index_cast %add3A_128 : i32 to index
        %get3A_130 = tpu.vector_load %arg4[%get3A_129] {strides = array<i32>} : memref<32768xf32, #tpu.memory_space<vmem>>, vector<16xf32>,
        %add3A_131 = arith.constant 192 : i32
        %add3A_132 = arith.addi %mul3A_83, %add3A_131 : i32
        %get3A_133 = arith.index_cast %add3A_132 : i32 to index
        %get3A_134 = tpu.vector_load %arg4[%get3A_133] {strides = array<i32>} : memref<32768xf32, #tpu.memory_space<vmem>>, vector<16xf32>,
        %add3A_135 = arith.constant 208 : i32
        %add3A_136 = arith.addi %mul3A_83, %add3A_135 : i32
        %get3A_137 = arith.index_cast %add3A_136 : i32 to index
        %get3A_138 = tpu.vector_load %arg4[%get3A_137] {strides = array<i32>} : memref<32768xf32, #tpu.memory_space<vmem>>, vector<16xf32>,
        %add3A_139 = arith.constant 224 : i32
        %add3A_140 = arith.addi %mul3A_83, %add3A_139 : i32
        %get3A_141 = arith.index_cast %add3A_140 : i32 to index
        %get3A_142 = tpu.vector_load %arg4[%get3A_141] {strides = array<i32>} : memref<32768xf32, #tpu.memory_space<vmem>>, vector<16xf32>,
        %add3A_143 = arith.constant 240 : i32
        %add3A_144 = arith.addi %mul3A_83, %add3A_143 : i32
        %get3A_145 = arith.index_cast %add3A_144 : i32 to index
        %get3A_146 = tpu.vector_load %arg4[%get3A_145] {strides = array<i32>} : memref<32768xf32, #tpu.memory_space<vmem>>, vector<16xf32>,
        %mul3A_147 = arith.constant 1.280000e+02 : f32
        %mul3A_148 = vector.broadcast %mul3A_147 : f32 to vector<16xf32>
        %mul3A_149 = arith.mulf %get3A_86, %mul3A_148 : vector<16xf32>
        %add3A_150 = arith.constant 1.280000e+02 : f32
        %add3A_151 = vector.broadcast %add3A_150 : f32 to vector<16xf32>
        %add3A_152 = arith.addf %mul3A_149, %add3A_151 : vector<16xf32>
        %convert_element_type3A_153 = arith.fptosi %add3A_152 : vector<16xf32> to vector<16xi32>
        %ge3A = arith.constant -1.000000e+00 : f32
        %ge3A_154 = vector.broadcast %ge3A : f32 to vector<16xf32>
        %ge3A_155 = arith.cmpf oge, %get3A_86, %ge3A_154 : vector<16xf32>
        %le3A = arith.constant 1.000000e+00 : f32
        %le3A_156 = vector.broadcast %le3A : f32 to vector<16xf32>
        %le3A_157 = arith.cmpf ole, %get3A_86, %le3A_156 : vector<16xf32>
        %and3A = arith.andi %ge3A_155, %le3A_157 : vector<16xi1>
        %mul3A_158 = arith.constant 16 : i32
        %mul3A_159 = vector.broadcast %mul3A_158 : i32 to vector<16xi32>
        %mul3A_160 = arith.muli %convert_element_type3A_153, %mul3A_159 : vector<16xi32>
        %add3A_161 = arith.addi %mul3A_160, %iota3A : vector<16xi32>
        %mul3A_162 = arith.constant 1.280000e+02 : f32
        %mul3A_163 = vector.broadcast %mul3A_162 : f32 to vector<16xf32>
        %mul3A_164 = arith.mulf %get3A_90, %mul3A_163 : vector<16xf32>
        %add3A_165 = arith.constant 1.280000e+02 : f32
        %add3A_166 = vector.broadcast %add3A_165 : f32 to vector<16xf32>
        %add3A_167 = arith.addf %mul3A_164, %add3A_166 : vector<16xf32>
        %convert_element_type3A_168 = arith.fptosi %add3A_167 : vector<16xf32> to vector<16xi32>
        %ge3A_169 = arith.constant -1.000000e+00 : f32
        %ge3A_170 = vector.broadcast %ge3A_169 : f32 to vector<16xf32>
        %ge3A_171 = arith.cmpf oge, %get3A_90, %ge3A_170 : vector<16xf32>
        %le3A_172 = arith.constant 1.000000e+00 : f32
        %le3A_173 = vector.broadcast %le3A_172 : f32 to vector<16xf32>
        %le3A_174 = arith.cmpf ole, %get3A_90, %le3A_173 : vector<16xf32>
        %and3A_175 = arith.andi %ge3A_171, %le3A_174 : vector<16xi1>
        %mul3A_176 = arith.constant 16 : i32
        %mul3A_177 = vector.broadcast %mul3A_176 : i32 to vector<16xi32>
        %mul3A_178 = arith.muli %convert_element_type3A_168, %mul3A_177 : vector<16xi32>
        %add3A_179 = arith.addi %mul3A_178, %iota3A : vector<16xi32>
        %mul3A_180 = arith.constant 1.280000e+02 : f32
        %mul3A_181 = vector.broadcast %mul3A_180 : f32 to vector<16xf32>
        %mul3A_182 = arith.mulf %get3A_94, %mul3A_181 : vector<16xf32>
        %add3A_183 = arith.constant 1.280000e+02 : f32
        %add3A_184 = vector.broadcast %add3A_183 : f32 to vector<16xf32>
        %add3A_185 = arith.addf %mul3A_182, %add3A_184 : vector<16xf32>
        %convert_element_type3A_186 = arith.fptosi %add3A_185 : vector<16xf32> to vector<16xi32>
        %ge3A_187 = arith.constant -1.000000e+00 : f32
        %ge3A_188 = vector.broadcast %ge3A_187 : f32 to vector<16xf32>
        %ge3A_189 = arith.cmpf oge, %get3A_94, %ge3A_188 : vector<16xf32>
        %le3A_190 = arith.constant 1.000000e+00 : f32
        %le3A_191 = vector.broadcast %le3A_190 : f32 to vector<16xf32>
        %le3A_192 = arith.cmpf ole, %get3A_94, %le3A_191 : vector<16xf32>
        %and3A_193 = arith.andi %ge3A_189, %le3A_192 : vector<16xi1>
        %mul3A_194 = arith.constant 16 : i32
        %mul3A_195 = vector.broadcast %mul3A_194 : i32 to vector<16xi32>
        %mul3A_196 = arith.muli %convert_element_type3A_186, %mul3A_195 : vector<16xi32>
        %add3A_197 = arith.addi %mul3A_196, %iota3A : vector<16xi32>
        %mul3A_198 = arith.constant 1.280000e+02 : f32
        %mul3A_199 = vector.broadcast %mul3A_198 : f32 to vector<16xf32>
        %mul3A_200 = arith.mulf %get3A_98, %mul3A_199 : vector<16xf32>
        %add3A_201 = arith.constant 1.280000e+02 : f32
        %add3A_202 = vector.broadcast %add3A_201 : f32 to vector<16xf32>
        %add3A_203 = arith.addf %mul3A_200, %add3A_202 : vector<16xf32>
        %convert_element_type3A_204 = arith.fptosi %add3A_203 : vector<16xf32> to vector<16xi32>
        %ge3A_205 = arith.constant -1.000000e+00 : f32
        %ge3A_206 = vector.broadcast %ge3A_205 : f32 to vector<16xf32>
        %ge3A_207 = arith.cmpf oge, %get3A_98, %ge3A_206 : vector<16xf32>
        %le3A_208 = arith.constant 1.000000e+00 : f32
        %le3A_209 = vector.broadcast %le3A_208 : f32 to vector<16xf32>
        %le3A_210 = arith.cmpf ole, %get3A_98, %le3A_209 : vector<16xf32>
        %and3A_211 = arith.andi %ge3A_207, %le3A_210 : vector<16xi1>
        %mul3A_212 = arith.constant 16 : i32
        %mul3A_213 = vector.broadcast %mul3A_212 : i32 to vector<16xi32>
        %mul3A_214 = arith.muli %convert_element_type3A_204, %mul3A_213 : vector<16xi32>
        %add3A_215 = arith.addi %mul3A_214, %iota3A : vector<16xi32>
        %mul3A_216 = arith.constant 1.280000e+02 : f32
        %mul3A_217 = vector.broadcast %mul3A_216 : f32 to vector<16xf32>
        %mul3A_218 = arith.mulf %get3A_102, %mul3A_217 : vector<16xf32>
        %add3A_219 = arith.constant 1.280000e+02 : f32
        %add3A_220 = vector.broadcast %add3A_219 : f32 to vector<16xf32>
        %add3A_221 = arith.addf %mul3A_218, %add3A_220 : vector<16xf32>
        %convert_element_type3A_222 = arith.fptosi %add3A_221 : vector<16xf32> to vector<16xi32>
        %ge3A_223 = arith.constant -1.000000e+00 : f32
        %ge3A_224 = vector.broadcast %ge3A_223 : f32 to vector<16xf32>
        %ge3A_225 = arith.cmpf oge, %get3A_102, %ge3A_224 : vector<16xf32>
        %le3A_226 = arith.constant 1.000000e+00 : f32
        %le3A_227 = vector.broadcast %le3A_226 : f32 to vector<16xf32>
        %le3A_228 = arith.cmpf ole, %get3A_102, %le3A_227 : vector<16xf32>
        %and3A_229 = arith.andi %ge3A_225, %le3A_228 : vector<16xi1>
        %mul3A_230 = arith.constant 16 : i32
        %mul3A_231 = vector.broadcast %mul3A_230 : i32 to vector<16xi32>
        %mul3A_232 = arith.muli %convert_element_type3A_222, %mul3A_231 : vector<16xi32>
        %add3A_233 = arith.addi %mul3A_232, %iota3A : vector<16xi32>
        %mul3A_234 = arith.constant 1.280000e+02 : f32
        %mul3A_235 = vector.broadcast %mul3A_234 : f32 to vector<16xf32>
        %mul3A_236 = arith.mulf %get3A_106, %mul3A_235 : vector<16xf32>
        %add3A_237 = arith.constant 1.280000e+02 : f32
        %add3A_238 = vector.broadcast %add3A_237 : f32 to vector<16xf32>
        %add3A_239 = arith.addf %mul3A_236, %add3A_238 : vector<16xf32>
        %convert_element_type3A_240 = arith.fptosi %add3A_239 : vector<16xf32> to vector<16xi32>
        %ge3A_241 = arith.constant -1.000000e+00 : f32
        %ge3A_242 = vector.broadcast %ge3A_241 : f32 to vector<16xf32>
        %ge3A_243 = arith.cmpf oge, %get3A_106, %ge3A_242 : vector<16xf32>
        %le3A_244 = arith.constant 1.000000e+00 : f32
        %le3A_245 = vector.broadcast %le3A_244 : f32 to vector<16xf32>
        %le3A_246 = arith.cmpf ole, %get3A_106, %le3A_245 : vector<16xf32>
        %and3A_247 = arith.andi %ge3A_243, %le3A_246 : vector<16xi1>
        %mul3A_248 = arith.constant 16 : i32
        %mul3A_249 = vector.broadcast %mul3A_248 : i32 to vector<16xi32>
        %mul3A_250 = arith.muli %convert_element_type3A_240, %mul3A_249 : vector<16xi32>
        %add3A_251 = arith.addi %mul3A_250, %iota3A : vector<16xi32>
        %mul3A_252 = arith.constant 1.280000e+02 : f32
        %mul3A_253 = vector.broadcast %mul3A_252 : f32 to vector<16xf32>
        %mul3A_254 = arith.mulf %get3A_110, %mul3A_253 : vector<16xf32>
        %add3A_255 = arith.constant 1.280000e+02 : f32
        %add3A_256 = vector.broadcast %add3A_255 : f32 to vector<16xf32>
        %add3A_257 = arith.addf %mul3A_254, %add3A_256 : vector<16xf32>
        %convert_element_type3A_258 = arith.fptosi %add3A_257 : vector<16xf32> to vector<16xi32>
        %ge3A_259 = arith.constant -1.000000e+00 : f32
        %ge3A_260 = vector.broadcast %ge3A_259 : f32 to vector<16xf32>
        %ge3A_261 = arith.cmpf oge, %get3A_110, %ge3A_260 : vector<16xf32>
        %le3A_262 = arith.constant 1.000000e+00 : f32
        %le3A_263 = vector.broadcast %le3A_262 : f32 to vector<16xf32>
        %le3A_264 = arith.cmpf ole, %get3A_110, %le3A_263 : vector<16xf32>
        %and3A_265 = arith.andi %ge3A_261, %le3A_264 : vector<16xi1>
        %mul3A_266 = arith.constant 16 : i32
        %mul3A_267 = vector.broadcast %mul3A_266 : i32 to vector<16xi32>
        %mul3A_268 = arith.muli %convert_element_type3A_258, %mul3A_267 : vector<16xi32>
        %add3A_269 = arith.addi %mul3A_268, %iota3A : vector<16xi32>
        %mul3A_270 = arith.constant 1.280000e+02 : f32
        %mul3A_271 = vector.broadcast %mul3A_270 : f32 to vector<16xf32>
        %mul3A_272 = arith.mulf %get3A_114, %mul3A_271 : vector<16xf32>
        %add3A_273 = arith.constant 1.280000e+02 : f32
        %add3A_274 = vector.broadcast %add3A_273 : f32 to vector<16xf32>
        %add3A_275 = arith.addf %mul3A_272, %add3A_274 : vector<16xf32>
        %convert_element_type3A_276 = arith.fptosi %add3A_275 : vector<16xf32> to vector<16xi32>
        %ge3A_277 = arith.constant -1.000000e+00 : f32
        %ge3A_278 = vector.broadcast %ge3A_277 : f32 to vector<16xf32>
        %ge3A_279 = arith.cmpf oge, %get3A_114, %ge3A_278 : vector<16xf32>
        %le3A_280 = arith.constant 1.000000e+00 : f32
        %le3A_281 = vector.broadcast %le3A_280 : f32 to vector<16xf32>
        %le3A_282 = arith.cmpf ole, %get3A_114, %le3A_281 : vector<16xf32>
        %and3A_283 = arith.andi %ge3A_279, %le3A_282 : vector<16xi1>
        %mul3A_284 = arith.constant 16 : i32
        %mul3A_285 = vector.broadcast %mul3A_284 : i32 to vector<16xi32>
        %mul3A_286 = arith.muli %convert_element_type3A_276, %mul3A_285 : vector<16xi32>
        %add3A_287 = arith.addi %mul3A_286, %iota3A : vector<16xi32>
        %mul3A_288 = arith.constant 1.280000e+02 : f32
        %mul3A_289 = vector.broadcast %mul3A_288 : f32 to vector<16xf32>
        %mul3A_290 = arith.mulf %get3A_118, %mul3A_289 : vector<16xf32>
        %add3A_291 = arith.constant 1.280000e+02 : f32
        %add3A_292 = vector.broadcast %add3A_291 : f32 to vector<16xf32>
        %add3A_293 = arith.addf %mul3A_290, %add3A_292 : vector<16xf32>
        %convert_element_type3A_294 = arith.fptosi %add3A_293 : vector<16xf32> to vector<16xi32>
        %ge3A_295 = arith.constant -1.000000e+00 : f32
        %ge3A_296 = vector.broadcast %ge3A_295 : f32 to vector<16xf32>
        %ge3A_297 = arith.cmpf oge, %get3A_118, %ge3A_296 : vector<16xf32>
        %le3A_298 = arith.constant 1.000000e+00 : f32
        %le3A_299 = vector.broadcast %le3A_298 : f32 to vector<16xf32>
        %le3A_300 = arith.cmpf ole, %get3A_118, %le3A_299 : vector<16xf32>
        %and3A_301 = arith.andi %ge3A_297, %le3A_300 : vector<16xi1>
        %mul3A_302 = arith.constant 16 : i32
        %mul3A_303 = vector.broadcast %mul3A_302 : i32 to vector<16xi32>
        %mul3A_304 = arith.muli %convert_element_type3A_294, %mul3A_303 : vector<16xi32>
        %add3A_305 = arith.addi %mul3A_304, %iota3A : vector<16xi32>
        %mul3A_306 = arith.constant 1.280000e+02 : f32
        %mul3A_307 = vector.broadcast %mul3A_306 : f32 to vector<16xf32>
        %mul3A_308 = arith.mulf %get3A_122, %mul3A_307 : vector<16xf32>
        %add3A_309 = arith.constant 1.280000e+02 : f32
        %add3A_310 = vector.broadcast %add3A_309 : f32 to vector<16xf32>
        %add3A_311 = arith.addf %mul3A_308, %add3A_310 : vector<16xf32>
        %convert_element_type3A_312 = arith.fptosi %add3A_311 : vector<16xf32> to vector<16xi32>
        %ge3A_313 = arith.constant -1.000000e+00 : f32
        %ge3A_314 = vector.broadcast %ge3A_313 : f32 to vector<16xf32>
        %ge3A_315 = arith.cmpf oge, %get3A_122, %ge3A_314 : vector<16xf32>
        %le3A_316 = arith.constant 1.000000e+00 : f32
        %le3A_317 = vector.broadcast %le3A_316 : f32 to vector<16xf32>
        %le3A_318 = arith.cmpf ole, %get3A_122, %le3A_317 : vector<16xf32>
        %and3A_319 = arith.andi %ge3A_315, %le3A_318 : vector<16xi1>
        %mul3A_320 = arith.constant 16 : i32
        %mul3A_321 = vector.broadcast %mul3A_320 : i32 to vector<16xi32>
        %mul3A_322 = arith.muli %convert_element_type3A_312, %mul3A_321 : vector<16xi32>
        %add3A_323 = arith.addi %mul3A_322, %iota3A : vector<16xi32>
        %mul3A_324 = arith.constant 1.280000e+02 : f32
        %mul3A_325 = vector.broadcast %mul3A_324 : f32 to vector<16xf32>
        %mul3A_326 = arith.mulf %get3A_126, %mul3A_325 : vector<16xf32>
        %add3A_327 = arith.constant 1.280000e+02 : f32
        %add3A_328 = vector.broadcast %add3A_327 : f32 to vector<16xf32>
        %add3A_329 = arith.addf %mul3A_326, %add3A_328 : vector<16xf32>
        %convert_element_type3A_330 = arith.fptosi %add3A_329 : vector<16xf32> to vector<16xi32>
        %ge3A_331 = arith.constant -1.000000e+00 : f32
        %ge3A_332 = vector.broadcast %ge3A_331 : f32 to vector<16xf32>
        %ge3A_333 = arith.cmpf oge, %get3A_126, %ge3A_332 : vector<16xf32>
        %le3A_334 = arith.constant 1.000000e+00 : f32
        %le3A_335 = vector.broadcast %le3A_334 : f32 to vector<16xf32>
        %le3A_336 = arith.cmpf ole, %get3A_126, %le3A_335 : vector<16xf32>
        %and3A_337 = arith.andi %ge3A_333, %le3A_336 : vector<16xi1>
        %mul3A_338 = arith.constant 16 : i32
        %mul3A_339 = vector.broadcast %mul3A_338 : i32 to vector<16xi32>
        %mul3A_340 = arith.muli %convert_element_type3A_330, %mul3A_339 : vector<16xi32>
        %add3A_341 = arith.addi %mul3A_340, %iota3A : vector<16xi32>
        %mul3A_342 = arith.constant 1.280000e+02 : f32
        %mul3A_343 = vector.broadcast %mul3A_342 : f32 to vector<16xf32>
        %mul3A_344 = arith.mulf %get3A_130, %mul3A_343 : vector<16xf32>
        %add3A_345 = arith.constant 1.280000e+02 : f32
        %add3A_346 = vector.broadcast %add3A_345 : f32 to vector<16xf32>
        %add3A_347 = arith.addf %mul3A_344, %add3A_346 : vector<16xf32>
        %convert_element_type3A_348 = arith.fptosi %add3A_347 : vector<16xf32> to vector<16xi32>
        %ge3A_349 = arith.constant -1.000000e+00 : f32
        %ge3A_350 = vector.broadcast %ge3A_349 : f32 to vector<16xf32>
        %ge3A_351 = arith.cmpf oge, %get3A_130, %ge3A_350 : vector<16xf32>
        %le3A_352 = arith.constant 1.000000e+00 : f32
        %le3A_353 = vector.broadcast %le3A_352 : f32 to vector<16xf32>
        %le3A_354 = arith.cmpf ole, %get3A_130, %le3A_353 : vector<16xf32>
        %and3A_355 = arith.andi %ge3A_351, %le3A_354 : vector<16xi1>
        %mul3A_356 = arith.constant 16 : i32
        %mul3A_357 = vector.broadcast %mul3A_356 : i32 to vector<16xi32>
        %mul3A_358 = arith.muli %convert_element_type3A_348, %mul3A_357 : vector<16xi32>
        %add3A_359 = arith.addi %mul3A_358, %iota3A : vector<16xi32>
        %mul3A_360 = arith.constant 1.280000e+02 : f32
        %mul3A_361 = vector.broadcast %mul3A_360 : f32 to vector<16xf32>
        %mul3A_362 = arith.mulf %get3A_134, %mul3A_361 : vector<16xf32>
        %add3A_363 = arith.constant 1.280000e+02 : f32
        %add3A_364 = vector.broadcast %add3A_363 : f32 to vector<16xf32>
        %add3A_365 = arith.addf %mul3A_362, %add3A_364 : vector<16xf32>
        %convert_element_type3A_366 = arith.fptosi %add3A_365 : vector<16xf32> to vector<16xi32>
        %ge3A_367 = arith.constant -1.000000e+00 : f32
        %ge3A_368 = vector.broadcast %ge3A_367 : f32 to vector<16xf32>
        %ge3A_369 = arith.cmpf oge, %get3A_134, %ge3A_368 : vector<16xf32>
        %le3A_370 = arith.constant 1.000000e+00 : f32
        %le3A_371 = vector.broadcast %le3A_370 : f32 to vector<16xf32>
        %le3A_372 = arith.cmpf ole, %get3A_134, %le3A_371 : vector<16xf32>
        %and3A_373 = arith.andi %ge3A_369, %le3A_372 : vector<16xi1>
        %mul3A_374 = arith.constant 16 : i32
        %mul3A_375 = vector.broadcast %mul3A_374 : i32 to vector<16xi32>
        %mul3A_376 = arith.muli %convert_element_type3A_366, %mul3A_375 : vector<16xi32>
        %add3A_377 = arith.addi %mul3A_376, %iota3A : vector<16xi32>
        %mul3A_378 = arith.constant 1.280000e+02 : f32
        %mul3A_379 = vector.broadcast %mul3A_378 : f32 to vector<16xf32>
        %mul3A_380 = arith.mulf %get3A_138, %mul3A_379 : vector<16xf32>
        %add3A_381 = arith.constant 1.280000e+02 : f32
        %add3A_382 = vector.broadcast %add3A_381 : f32 to vector<16xf32>
        %add3A_383 = arith.addf %mul3A_380, %add3A_382 : vector<16xf32>
        %convert_element_type3A_384 = arith.fptosi %add3A_383 : vector<16xf32> to vector<16xi32>
        %ge3A_385 = arith.constant -1.000000e+00 : f32
        %ge3A_386 = vector.broadcast %ge3A_385 : f32 to vector<16xf32>
        %ge3A_387 = arith.cmpf oge, %get3A_138, %ge3A_386 : vector<16xf32>
        %le3A_388 = arith.constant 1.000000e+00 : f32
        %le3A_389 = vector.broadcast %le3A_388 : f32 to vector<16xf32>
        %le3A_390 = arith.cmpf ole, %get3A_138, %le3A_389 : vector<16xf32>
        %and3A_391 = arith.andi %ge3A_387, %le3A_390 : vector<16xi1>
        %mul3A_392 = arith.constant 16 : i32
        %mul3A_393 = vector.broadcast %mul3A_392 : i32 to vector<16xi32>
        %mul3A_394 = arith.muli %convert_element_type3A_384, %mul3A_393 : vector<16xi32>
        %add3A_395 = arith.addi %mul3A_394, %iota3A : vector<16xi32>
        %mul3A_396 = arith.constant 1.280000e+02 : f32
        %mul3A_397 = vector.broadcast %mul3A_396 : f32 to vector<16xf32>
        %mul3A_398 = arith.mulf %get3A_142, %mul3A_397 : vector<16xf32>
        %add3A_399 = arith.constant 1.280000e+02 : f32
        %add3A_400 = vector.broadcast %add3A_399 : f32 to vector<16xf32>
        %add3A_401 = arith.addf %mul3A_398, %add3A_400 : vector<16xf32>
        %convert_element_type3A_402 = arith.fptosi %add3A_401 : vector<16xf32> to vector<16xi32>
        %ge3A_403 = arith.constant -1.000000e+00 : f32
        %ge3A_404 = vector.broadcast %ge3A_403 : f32 to vector<16xf32>
        %ge3A_405 = arith.cmpf oge, %get3A_142, %ge3A_404 : vector<16xf32>
        %le3A_406 = arith.constant 1.000000e+00 : f32
        %le3A_407 = vector.broadcast %le3A_406 : f32 to vector<16xf32>
        %le3A_408 = arith.cmpf ole, %get3A_142, %le3A_407 : vector<16xf32>
        %and3A_409 = arith.andi %ge3A_405, %le3A_408 : vector<16xi1>
        %mul3A_410 = arith.constant 16 : i32
        %mul3A_411 = vector.broadcast %mul3A_410 : i32 to vector<16xi32>
        %mul3A_412 = arith.muli %convert_element_type3A_402, %mul3A_411 : vector<16xi32>
        %add3A_413 = arith.addi %mul3A_412, %iota3A : vector<16xi32>
        %mul3A_414 = arith.constant 1.280000e+02 : f32
        %mul3A_415 = vector.broadcast %mul3A_414 : f32 to vector<16xf32>
        %mul3A_416 = arith.mulf %get3A_146, %mul3A_415 : vector<16xf32>
        %add3A_417 = arith.constant 1.280000e+02 : f32
        %add3A_418 = vector.broadcast %add3A_417 : f32 to vector<16xf32>
        %add3A_419 = arith.addf %mul3A_416, %add3A_418 : vector<16xf32>
        %convert_element_type3A_420 = arith.fptosi %add3A_419 : vector<16xf32> to vector<16xi32>
        %ge3A_421 = arith.constant -1.000000e+00 : f32
        %ge3A_422 = vector.broadcast %ge3A_421 : f32 to vector<16xf32>
        %ge3A_423 = arith.cmpf oge, %get3A_146, %ge3A_422 : vector<16xf32>
        %le3A_424 = arith.constant 1.000000e+00 : f32
        %le3A_425 = vector.broadcast %le3A_424 : f32 to vector<16xf32>
        %le3A_426 = arith.cmpf ole, %get3A_146, %le3A_425 : vector<16xf32>
        %and3A_427 = arith.andi %ge3A_423, %le3A_426 : vector<16xi1>
        %mul3A_428 = arith.constant 16 : i32
        %mul3A_429 = vector.broadcast %mul3A_428 : i32 to vector<16xi32>
        %mul3A_430 = arith.muli %convert_element_type3A_420, %mul3A_429 : vector<16xi32>
        %add3A_431 = arith.addi %mul3A_430, %iota3A : vector<16xi32>
        tpu.vector_store_idx %arg8[%add3A_161], %broadcast_in_dim3A_1 masked %and3A {add = true} : memref<4224xf32, #tpu.memory_space<vmem>>[vector<16xi32>], vector<16xf32>, vector<16xi1>
        tpu.vector_store_idx %arg8[%add3A_179], %broadcast_in_dim3A_1 masked %and3A_175 {add = true} : memref<4224xf32, #tpu.memory_space<vmem>>[vector<16xi32>], vector<16xf32>, vector<16xi1>
        tpu.vector_store_idx %arg8[%add3A_197], %broadcast_in_dim3A_1 masked %and3A_193 {add = true} : memref<4224xf32, #tpu.memory_space<vmem>>[vector<16xi32>], vector<16xf32>, vector<16xi1>
        tpu.vector_store_idx %arg8[%add3A_215], %broadcast_in_dim3A_1 masked %and3A_211 {add = true} : memref<4224xf32, #tpu.memory_space<vmem>>[vector<16xi32>], vector<16xf32>, vector<16xi1>
        tpu.vector_store_idx %arg8[%add3A_233], %broadcast_in_dim3A_1 masked %and3A_229 {add = true} : memref<4224xf32, #tpu.memory_space<vmem>>[vector<16xi32>], vector<16xf32>, vector<16xi1>
        tpu.vector_store_idx %arg8[%add3A_251], %broadcast_in_dim3A_1 masked %and3A_247 {add = true} : memref<4224xf32, #tpu.memory_space<vmem>>[vector<16xi32>], vector<16xf32>, vector<16xi1>
        tpu.vector_store_idx %arg8[%add3A_269], %broadcast_in_dim3A_1 masked %and3A_265 {add = true} : memref<4224xf32, #tpu.memory_space<vmem>>[vector<16xi32>], vector<16xf32>, vector<16xi1>
        tpu.vector_store_idx %arg8[%add3A_287], %broadcast_in_dim3A_1 masked %and3A_283 {add = true} : memref<4224xf32, #tpu.memory_space<vmem>>[vector<16xi32>], vector<16xf32>, vector<16xi1>
        tpu.vector_store_idx %arg8[%add3A_305], %broadcast_in_dim3A_1 masked %and3A_301 {add = true} : memref<4224xf32, #tpu.memory_space<vmem>>[vector<16xi32>], vector<16xf32>, vector<16xi1>
        tpu.vector_store_idx %arg8[%add3A_323], %broadcast_in_dim3A_1 masked %and3A_319 {add = true} : memref<4224xf32, #tpu.memory_space<vmem>>[vector<16xi32>], vector<16xf32>, vector<16xi1>
        tpu.vector_store_idx %arg8[%add3A_341], %broadcast_in_dim3A_1 masked %and3A_337 {add = true} : memref<4224xf32, #tpu.memory_space<vmem>>[vector<16xi32>], vector<16xf32>, vector<16xi1>
        tpu.vector_store_idx %arg8[%add3A_359], %broadcast_in_dim3A_1 masked %and3A_355 {add = true} : memref<4224xf32, #tpu.memory_space<vmem>>[vector<16xi32>], vector<16xf32>, vector<16xi1>
        tpu.vector_store_idx %arg8[%add3A_377], %broadcast_in_dim3A_1 masked %and3A_373 {add = true} : memref<4224xf32, #tpu.memory_space<vmem>>[vector<16xi32>], vector<16xf32>, vector<16xi1>
        tpu.vector_store_idx %arg8[%add3A_395], %broadcast_in_dim3A_1 masked %and3A_391 {add = true} : memref<4224xf32, #tpu.memory_space<vmem>>[vector<16xi32>], vector<16xf32>, vector<16xi1>
        tpu.vector_store_idx %arg8[%add3A_413], %broadcast_in_dim3A_1 masked %and3A_409 {add = true} : memref<4224xf32, #tpu.memory_space<vmem>>[vector<16xi32>], vector<16xf32>, vector<16xi1>
        tpu.vector_store_idx %arg8[%add3A_431], %broadcast_in_dim3A_1 masked %and3A_427 {add = true} : memref<4224xf32, #tpu.memory_space<vmem>>[vector<16xi32>], vector<16xf32>, vector<16xi1>
      }
      %scan3A_55 = arith.constant 128 : i32
      %add3A_56 = arith.constant 0 : i32
      %add3A_57 = arith.addi %add3A_46, %add3A_56 : i32
      %add3A_58 = arith.constant 2 : i32
      %add3A_59 = arith.addi %add3A_57, %add3A_58 : i32
      %lt3A = arith.constant 24 : i32
      %lt3A_60 = arith.cmpi slt, %add3A_59, %lt3A : i32
      %convert_element_type3A = arith.extui %lt3A_60 : i1 to i32
      %cond3A = arith.constant 0 : i32
      %cond3A_61 = arith.cmpi ne, %convert_element_type3A, %cond3A : i32
      scf.if %cond3A_61 {
        %mul3A_81 = arith.constant 3 : i32
        %mul3A_82 = arith.muli %add3A, %mul3A_81 : i32
        %mul3A_83 = arith.constant 262144 : i32
        %mul3A_84 = arith.muli %mul3A_82, %mul3A_83 : i32
        %mul3A_85 = arith.constant 32768 : i32
        %mul3A_86 = arith.muli %add3A_59, %mul3A_85 : i32
        %add3A_87 = arith.addi %mul3A_84, %mul3A_86 : i32
        %dma_start3A_88 = tpu.memref_slice %arg2[%add3A_87] : memref<25165824xf32, #tpu.memory_space<hbm>> -> memref<32768xf32, #tpu.memory_space<hbm>>
        %dma_start3A_89 = tpu.memref_slice %arg2[%add3A_87] : memref<25165824xf32, #tpu.memory_space<hbm>> -> memref<32768xf32, #tpu.memory_space<hbm>>
        tpu.enqueue_dma source(%dma_start3A_89 : memref<32768xf32, #tpu.memory_space<hbm>>) target(%arg4 : memref<32768xf32, #tpu.memory_space<vmem>>) target_semaphore(%arg9 : memref<!tpu.dma_semaphore, #tpu.memory_space<semaphore_mem>>)
      } else {
      }
      %dma_wait3A_62 = arith.constant 0 : i32
      %dma_wait3A_63 = tpu.memref_slice %arg2[%dma_wait3A_62] : memref<25165824xf32, #tpu.memory_space<hbm>> -> memref<32768xf32, #tpu.memory_space<hbm>>
      %dma_wait3A_64 = arith.constant 0 : i32
      %dma_wait3A_65 = tpu.memref_slice %arg2[%dma_wait3A_64] : memref<25165824xf32, #tpu.memory_space<hbm>> -> memref<32768xf32, #tpu.memory_space<hbm>>
      tpu.wait_dma2 semaphore(%arg10 : memref<!tpu.dma_semaphore, #tpu.memory_space<semaphore_mem>>) src(%dma_wait3A_65 : memref<32768xf32, #tpu.memory_space<hbm>>) dst(%arg5 : memref<32768xf32, #tpu.memory_space<vmem>>)
      %scan3A_66 = arith.constant 0 : i32
      %scan3A_67 = arith.constant 0 : i32
      %scan3A_68 = arith.constant 128 : i32
      %scan3A_69 = arith.addi %scan3A_67, %scan3A_68 : i32
      %scan3A_70 = arith.constant 1 : i32
      scf.for %scan3A_81 = %scan3A_67 to %scan3A_69 step %scan3A_70  : i32 {
        %mul3A_82 = arith.constant 256 : i32
        %mul3A_83 = arith.muli %scan3A_81, %mul3A_82 : i32
        %add3A_84 = arith.constant 0 : i32
        %add3A_85 = arith.addi %mul3A_83, %add3A_84 : i32
        %get3A = arith.index_cast %add3A_85 : i32 to index
        %get3A_86 = tpu.vector_load %arg5[%get3A] {strides = array<i32>} : memref<32768xf32, #tpu.memory_space<vmem>>, vector<16xf32>,
        %add3A_87 = arith.constant 16 : i32
        %add3A_88 = arith.addi %mul3A_83, %add3A_87 : i32
        %get3A_89 = arith.index_cast %add3A_88 : i32 to index
        %get3A_90 = tpu.vector_load %arg5[%get3A_89] {strides = array<i32>} : memref<32768xf32, #tpu.memory_space<vmem>>, vector<16xf32>,
        %add3A_91 = arith.constant 32 : i32
        %add3A_92 = arith.addi %mul3A_83, %add3A_91 : i32
        %get3A_93 = arith.index_cast %add3A_92 : i32 to index
        %get3A_94 = tpu.vector_load %arg5[%get3A_93] {strides = array<i32>} : memref<32768xf32, #tpu.memory_space<vmem>>, vector<16xf32>,
        %add3A_95 = arith.constant 48 : i32
        %add3A_96 = arith.addi %mul3A_83, %add3A_95 : i32
        %get3A_97 = arith.index_cast %add3A_96 : i32 to index
        %get3A_98 = tpu.vector_load %arg5[%get3A_97] {strides = array<i32>} : memref<32768xf32, #tpu.memory_space<vmem>>, vector<16xf32>,
        %add3A_99 = arith.constant 64 : i32
        %add3A_100 = arith.addi %mul3A_83, %add3A_99 : i32
        %get3A_101 = arith.index_cast %add3A_100 : i32 to index
        %get3A_102 = tpu.vector_load %arg5[%get3A_101] {strides = array<i32>} : memref<32768xf32, #tpu.memory_space<vmem>>, vector<16xf32>,
        %add3A_103 = arith.constant 80 : i32
        %add3A_104 = arith.addi %mul3A_83, %add3A_103 : i32
        %get3A_105 = arith.index_cast %add3A_104 : i32 to index
        %get3A_106 = tpu.vector_load %arg5[%get3A_105] {strides = array<i32>} : memref<32768xf32, #tpu.memory_space<vmem>>, vector<16xf32>,
        %add3A_107 = arith.constant 96 : i32
        %add3A_108 = arith.addi %mul3A_83, %add3A_107 : i32
        %get3A_109 = arith.index_cast %add3A_108 : i32 to index
        %get3A_110 = tpu.vector_load %arg5[%get3A_109] {strides = array<i32>} : memref<32768xf32, #tpu.memory_space<vmem>>, vector<16xf32>,
        %add3A_111 = arith.constant 112 : i32
        %add3A_112 = arith.addi %mul3A_83, %add3A_111 : i32
        %get3A_113 = arith.index_cast %add3A_112 : i32 to index
        %get3A_114 = tpu.vector_load %arg5[%get3A_113] {strides = array<i32>} : memref<32768xf32, #tpu.memory_space<vmem>>, vector<16xf32>,
        %add3A_115 = arith.constant 128 : i32
        %add3A_116 = arith.addi %mul3A_83, %add3A_115 : i32
        %get3A_117 = arith.index_cast %add3A_116 : i32 to index
        %get3A_118 = tpu.vector_load %arg5[%get3A_117] {strides = array<i32>} : memref<32768xf32, #tpu.memory_space<vmem>>, vector<16xf32>,
        %add3A_119 = arith.constant 144 : i32
        %add3A_120 = arith.addi %mul3A_83, %add3A_119 : i32
        %get3A_121 = arith.index_cast %add3A_120 : i32 to index
        %get3A_122 = tpu.vector_load %arg5[%get3A_121] {strides = array<i32>} : memref<32768xf32, #tpu.memory_space<vmem>>, vector<16xf32>,
        %add3A_123 = arith.constant 160 : i32
        %add3A_124 = arith.addi %mul3A_83, %add3A_123 : i32
        %get3A_125 = arith.index_cast %add3A_124 : i32 to index
        %get3A_126 = tpu.vector_load %arg5[%get3A_125] {strides = array<i32>} : memref<32768xf32, #tpu.memory_space<vmem>>, vector<16xf32>,
        %add3A_127 = arith.constant 176 : i32
        %add3A_128 = arith.addi %mul3A_83, %add3A_127 : i32
        %get3A_129 = arith.index_cast %add3A_128 : i32 to index
        %get3A_130 = tpu.vector_load %arg5[%get3A_129] {strides = array<i32>} : memref<32768xf32, #tpu.memory_space<vmem>>, vector<16xf32>,
        %add3A_131 = arith.constant 192 : i32
        %add3A_132 = arith.addi %mul3A_83, %add3A_131 : i32
        %get3A_133 = arith.index_cast %add3A_132 : i32 to index
        %get3A_134 = tpu.vector_load %arg5[%get3A_133] {strides = array<i32>} : memref<32768xf32, #tpu.memory_space<vmem>>, vector<16xf32>,
        %add3A_135 = arith.constant 208 : i32
        %add3A_136 = arith.addi %mul3A_83, %add3A_135 : i32
        %get3A_137 = arith.index_cast %add3A_136 : i32 to index
        %get3A_138 = tpu.vector_load %arg5[%get3A_137] {strides = array<i32>} : memref<32768xf32, #tpu.memory_space<vmem>>, vector<16xf32>,
        %add3A_139 = arith.constant 224 : i32
        %add3A_140 = arith.addi %mul3A_83, %add3A_139 : i32
        %get3A_141 = arith.index_cast %add3A_140 : i32 to index
        %get3A_142 = tpu.vector_load %arg5[%get3A_141] {strides = array<i32>} : memref<32768xf32, #tpu.memory_space<vmem>>, vector<16xf32>,
        %add3A_143 = arith.constant 240 : i32
        %add3A_144 = arith.addi %mul3A_83, %add3A_143 : i32
        %get3A_145 = arith.index_cast %add3A_144 : i32 to index
        %get3A_146 = tpu.vector_load %arg5[%get3A_145] {strides = array<i32>} : memref<32768xf32, #tpu.memory_space<vmem>>, vector<16xf32>,
        %mul3A_147 = arith.constant 1.280000e+02 : f32
        %mul3A_148 = vector.broadcast %mul3A_147 : f32 to vector<16xf32>
        %mul3A_149 = arith.mulf %get3A_86, %mul3A_148 : vector<16xf32>
        %add3A_150 = arith.constant 1.280000e+02 : f32
        %add3A_151 = vector.broadcast %add3A_150 : f32 to vector<16xf32>
        %add3A_152 = arith.addf %mul3A_149, %add3A_151 : vector<16xf32>
        %convert_element_type3A_153 = arith.fptosi %add3A_152 : vector<16xf32> to vector<16xi32>
        %ge3A = arith.constant -1.000000e+00 : f32
        %ge3A_154 = vector.broadcast %ge3A : f32 to vector<16xf32>
        %ge3A_155 = arith.cmpf oge, %get3A_86, %ge3A_154 : vector<16xf32>
        %le3A = arith.constant 1.000000e+00 : f32
        %le3A_156 = vector.broadcast %le3A : f32 to vector<16xf32>
        %le3A_157 = arith.cmpf ole, %get3A_86, %le3A_156 : vector<16xf32>
        %and3A = arith.andi %ge3A_155, %le3A_157 : vector<16xi1>
        %mul3A_158 = arith.constant 16 : i32
        %mul3A_159 = vector.broadcast %mul3A_158 : i32 to vector<16xi32>
        %mul3A_160 = arith.muli %convert_element_type3A_153, %mul3A_159 : vector<16xi32>
        %add3A_161 = arith.addi %mul3A_160, %iota3A : vector<16xi32>
        %mul3A_162 = arith.constant 1.280000e+02 : f32
        %mul3A_163 = vector.broadcast %mul3A_162 : f32 to vector<16xf32>
        %mul3A_164 = arith.mulf %get3A_90, %mul3A_163 : vector<16xf32>
        %add3A_165 = arith.constant 1.280000e+02 : f32
        %add3A_166 = vector.broadcast %add3A_165 : f32 to vector<16xf32>
        %add3A_167 = arith.addf %mul3A_164, %add3A_166 : vector<16xf32>
        %convert_element_type3A_168 = arith.fptosi %add3A_167 : vector<16xf32> to vector<16xi32>
        %ge3A_169 = arith.constant -1.000000e+00 : f32
        %ge3A_170 = vector.broadcast %ge3A_169 : f32 to vector<16xf32>
        %ge3A_171 = arith.cmpf oge, %get3A_90, %ge3A_170 : vector<16xf32>
        %le3A_172 = arith.constant 1.000000e+00 : f32
        %le3A_173 = vector.broadcast %le3A_172 : f32 to vector<16xf32>
        %le3A_174 = arith.cmpf ole, %get3A_90, %le3A_173 : vector<16xf32>
        %and3A_175 = arith.andi %ge3A_171, %le3A_174 : vector<16xi1>
        %mul3A_176 = arith.constant 16 : i32
        %mul3A_177 = vector.broadcast %mul3A_176 : i32 to vector<16xi32>
        %mul3A_178 = arith.muli %convert_element_type3A_168, %mul3A_177 : vector<16xi32>
        %add3A_179 = arith.addi %mul3A_178, %iota3A : vector<16xi32>
        %mul3A_180 = arith.constant 1.280000e+02 : f32
        %mul3A_181 = vector.broadcast %mul3A_180 : f32 to vector<16xf32>
        %mul3A_182 = arith.mulf %get3A_94, %mul3A_181 : vector<16xf32>
        %add3A_183 = arith.constant 1.280000e+02 : f32
        %add3A_184 = vector.broadcast %add3A_183 : f32 to vector<16xf32>
        %add3A_185 = arith.addf %mul3A_182, %add3A_184 : vector<16xf32>
        %convert_element_type3A_186 = arith.fptosi %add3A_185 : vector<16xf32> to vector<16xi32>
        %ge3A_187 = arith.constant -1.000000e+00 : f32
        %ge3A_188 = vector.broadcast %ge3A_187 : f32 to vector<16xf32>
        %ge3A_189 = arith.cmpf oge, %get3A_94, %ge3A_188 : vector<16xf32>
        %le3A_190 = arith.constant 1.000000e+00 : f32
        %le3A_191 = vector.broadcast %le3A_190 : f32 to vector<16xf32>
        %le3A_192 = arith.cmpf ole, %get3A_94, %le3A_191 : vector<16xf32>
        %and3A_193 = arith.andi %ge3A_189, %le3A_192 : vector<16xi1>
        %mul3A_194 = arith.constant 16 : i32
        %mul3A_195 = vector.broadcast %mul3A_194 : i32 to vector<16xi32>
        %mul3A_196 = arith.muli %convert_element_type3A_186, %mul3A_195 : vector<16xi32>
        %add3A_197 = arith.addi %mul3A_196, %iota3A : vector<16xi32>
        %mul3A_198 = arith.constant 1.280000e+02 : f32
        %mul3A_199 = vector.broadcast %mul3A_198 : f32 to vector<16xf32>
        %mul3A_200 = arith.mulf %get3A_98, %mul3A_199 : vector<16xf32>
        %add3A_201 = arith.constant 1.280000e+02 : f32
        %add3A_202 = vector.broadcast %add3A_201 : f32 to vector<16xf32>
        %add3A_203 = arith.addf %mul3A_200, %add3A_202 : vector<16xf32>
        %convert_element_type3A_204 = arith.fptosi %add3A_203 : vector<16xf32> to vector<16xi32>
        %ge3A_205 = arith.constant -1.000000e+00 : f32
        %ge3A_206 = vector.broadcast %ge3A_205 : f32 to vector<16xf32>
        %ge3A_207 = arith.cmpf oge, %get3A_98, %ge3A_206 : vector<16xf32>
        %le3A_208 = arith.constant 1.000000e+00 : f32
        %le3A_209 = vector.broadcast %le3A_208 : f32 to vector<16xf32>
        %le3A_210 = arith.cmpf ole, %get3A_98, %le3A_209 : vector<16xf32>
        %and3A_211 = arith.andi %ge3A_207, %le3A_210 : vector<16xi1>
        %mul3A_212 = arith.constant 16 : i32
        %mul3A_213 = vector.broadcast %mul3A_212 : i32 to vector<16xi32>
        %mul3A_214 = arith.muli %convert_element_type3A_204, %mul3A_213 : vector<16xi32>
        %add3A_215 = arith.addi %mul3A_214, %iota3A : vector<16xi32>
        %mul3A_216 = arith.constant 1.280000e+02 : f32
        %mul3A_217 = vector.broadcast %mul3A_216 : f32 to vector<16xf32>
        %mul3A_218 = arith.mulf %get3A_102, %mul3A_217 : vector<16xf32>
        %add3A_219 = arith.constant 1.280000e+02 : f32
        %add3A_220 = vector.broadcast %add3A_219 : f32 to vector<16xf32>
        %add3A_221 = arith.addf %mul3A_218, %add3A_220 : vector<16xf32>
        %convert_element_type3A_222 = arith.fptosi %add3A_221 : vector<16xf32> to vector<16xi32>
        %ge3A_223 = arith.constant -1.000000e+00 : f32
        %ge3A_224 = vector.broadcast %ge3A_223 : f32 to vector<16xf32>
        %ge3A_225 = arith.cmpf oge, %get3A_102, %ge3A_224 : vector<16xf32>
        %le3A_226 = arith.constant 1.000000e+00 : f32
        %le3A_227 = vector.broadcast %le3A_226 : f32 to vector<16xf32>
        %le3A_228 = arith.cmpf ole, %get3A_102, %le3A_227 : vector<16xf32>
        %and3A_229 = arith.andi %ge3A_225, %le3A_228 : vector<16xi1>
        %mul3A_230 = arith.constant 16 : i32
        %mul3A_231 = vector.broadcast %mul3A_230 : i32 to vector<16xi32>
        %mul3A_232 = arith.muli %convert_element_type3A_222, %mul3A_231 : vector<16xi32>
        %add3A_233 = arith.addi %mul3A_232, %iota3A : vector<16xi32>
        %mul3A_234 = arith.constant 1.280000e+02 : f32
        %mul3A_235 = vector.broadcast %mul3A_234 : f32 to vector<16xf32>
        %mul3A_236 = arith.mulf %get3A_106, %mul3A_235 : vector<16xf32>
        %add3A_237 = arith.constant 1.280000e+02 : f32
        %add3A_238 = vector.broadcast %add3A_237 : f32 to vector<16xf32>
        %add3A_239 = arith.addf %mul3A_236, %add3A_238 : vector<16xf32>
        %convert_element_type3A_240 = arith.fptosi %add3A_239 : vector<16xf32> to vector<16xi32>
        %ge3A_241 = arith.constant -1.000000e+00 : f32
        %ge3A_242 = vector.broadcast %ge3A_241 : f32 to vector<16xf32>
        %ge3A_243 = arith.cmpf oge, %get3A_106, %ge3A_242 : vector<16xf32>
        %le3A_244 = arith.constant 1.000000e+00 : f32
        %le3A_245 = vector.broadcast %le3A_244 : f32 to vector<16xf32>
        %le3A_246 = arith.cmpf ole, %get3A_106, %le3A_245 : vector<16xf32>
        %and3A_247 = arith.andi %ge3A_243, %le3A_246 : vector<16xi1>
        %mul3A_248 = arith.constant 16 : i32
        %mul3A_249 = vector.broadcast %mul3A_248 : i32 to vector<16xi32>
        %mul3A_250 = arith.muli %convert_element_type3A_240, %mul3A_249 : vector<16xi32>
        %add3A_251 = arith.addi %mul3A_250, %iota3A : vector<16xi32>
        %mul3A_252 = arith.constant 1.280000e+02 : f32
        %mul3A_253 = vector.broadcast %mul3A_252 : f32 to vector<16xf32>
        %mul3A_254 = arith.mulf %get3A_110, %mul3A_253 : vector<16xf32>
        %add3A_255 = arith.constant 1.280000e+02 : f32
        %add3A_256 = vector.broadcast %add3A_255 : f32 to vector<16xf32>
        %add3A_257 = arith.addf %mul3A_254, %add3A_256 : vector<16xf32>
        %convert_element_type3A_258 = arith.fptosi %add3A_257 : vector<16xf32> to vector<16xi32>
        %ge3A_259 = arith.constant -1.000000e+00 : f32
        %ge3A_260 = vector.broadcast %ge3A_259 : f32 to vector<16xf32>
        %ge3A_261 = arith.cmpf oge, %get3A_110, %ge3A_260 : vector<16xf32>
        %le3A_262 = arith.constant 1.000000e+00 : f32
        %le3A_263 = vector.broadcast %le3A_262 : f32 to vector<16xf32>
        %le3A_264 = arith.cmpf ole, %get3A_110, %le3A_263 : vector<16xf32>
        %and3A_265 = arith.andi %ge3A_261, %le3A_264 : vector<16xi1>
        %mul3A_266 = arith.constant 16 : i32
        %mul3A_267 = vector.broadcast %mul3A_266 : i32 to vector<16xi32>
        %mul3A_268 = arith.muli %convert_element_type3A_258, %mul3A_267 : vector<16xi32>
        %add3A_269 = arith.addi %mul3A_268, %iota3A : vector<16xi32>
        %mul3A_270 = arith.constant 1.280000e+02 : f32
        %mul3A_271 = vector.broadcast %mul3A_270 : f32 to vector<16xf32>
        %mul3A_272 = arith.mulf %get3A_114, %mul3A_271 : vector<16xf32>
        %add3A_273 = arith.constant 1.280000e+02 : f32
        %add3A_274 = vector.broadcast %add3A_273 : f32 to vector<16xf32>
        %add3A_275 = arith.addf %mul3A_272, %add3A_274 : vector<16xf32>
        %convert_element_type3A_276 = arith.fptosi %add3A_275 : vector<16xf32> to vector<16xi32>
        %ge3A_277 = arith.constant -1.000000e+00 : f32
        %ge3A_278 = vector.broadcast %ge3A_277 : f32 to vector<16xf32>
        %ge3A_279 = arith.cmpf oge, %get3A_114, %ge3A_278 : vector<16xf32>
        %le3A_280 = arith.constant 1.000000e+00 : f32
        %le3A_281 = vector.broadcast %le3A_280 : f32 to vector<16xf32>
        %le3A_282 = arith.cmpf ole, %get3A_114, %le3A_281 : vector<16xf32>
        %and3A_283 = arith.andi %ge3A_279, %le3A_282 : vector<16xi1>
        %mul3A_284 = arith.constant 16 : i32
        %mul3A_285 = vector.broadcast %mul3A_284 : i32 to vector<16xi32>
        %mul3A_286 = arith.muli %convert_element_type3A_276, %mul3A_285 : vector<16xi32>
        %add3A_287 = arith.addi %mul3A_286, %iota3A : vector<16xi32>
        %mul3A_288 = arith.constant 1.280000e+02 : f32
        %mul3A_289 = vector.broadcast %mul3A_288 : f32 to vector<16xf32>
        %mul3A_290 = arith.mulf %get3A_118, %mul3A_289 : vector<16xf32>
        %add3A_291 = arith.constant 1.280000e+02 : f32
        %add3A_292 = vector.broadcast %add3A_291 : f32 to vector<16xf32>
        %add3A_293 = arith.addf %mul3A_290, %add3A_292 : vector<16xf32>
        %convert_element_type3A_294 = arith.fptosi %add3A_293 : vector<16xf32> to vector<16xi32>
        %ge3A_295 = arith.constant -1.000000e+00 : f32
        %ge3A_296 = vector.broadcast %ge3A_295 : f32 to vector<16xf32>
        %ge3A_297 = arith.cmpf oge, %get3A_118, %ge3A_296 : vector<16xf32>
        %le3A_298 = arith.constant 1.000000e+00 : f32
        %le3A_299 = vector.broadcast %le3A_298 : f32 to vector<16xf32>
        %le3A_300 = arith.cmpf ole, %get3A_118, %le3A_299 : vector<16xf32>
        %and3A_301 = arith.andi %ge3A_297, %le3A_300 : vector<16xi1>
        %mul3A_302 = arith.constant 16 : i32
        %mul3A_303 = vector.broadcast %mul3A_302 : i32 to vector<16xi32>
        %mul3A_304 = arith.muli %convert_element_type3A_294, %mul3A_303 : vector<16xi32>
        %add3A_305 = arith.addi %mul3A_304, %iota3A : vector<16xi32>
        %mul3A_306 = arith.constant 1.280000e+02 : f32
        %mul3A_307 = vector.broadcast %mul3A_306 : f32 to vector<16xf32>
        %mul3A_308 = arith.mulf %get3A_122, %mul3A_307 : vector<16xf32>
        %add3A_309 = arith.constant 1.280000e+02 : f32
        %add3A_310 = vector.broadcast %add3A_309 : f32 to vector<16xf32>
        %add3A_311 = arith.addf %mul3A_308, %add3A_310 : vector<16xf32>
        %convert_element_type3A_312 = arith.fptosi %add3A_311 : vector<16xf32> to vector<16xi32>
        %ge3A_313 = arith.constant -1.000000e+00 : f32
        %ge3A_314 = vector.broadcast %ge3A_313 : f32 to vector<16xf32>
        %ge3A_315 = arith.cmpf oge, %get3A_122, %ge3A_314 : vector<16xf32>
        %le3A_316 = arith.constant 1.000000e+00 : f32
        %le3A_317 = vector.broadcast %le3A_316 : f32 to vector<16xf32>
        %le3A_318 = arith.cmpf ole, %get3A_122, %le3A_317 : vector<16xf32>
        %and3A_319 = arith.andi %ge3A_315, %le3A_318 : vector<16xi1>
        %mul3A_320 = arith.constant 16 : i32
        %mul3A_321 = vector.broadcast %mul3A_320 : i32 to vector<16xi32>
        %mul3A_322 = arith.muli %convert_element_type3A_312, %mul3A_321 : vector<16xi32>
        %add3A_323 = arith.addi %mul3A_322, %iota3A : vector<16xi32>
        %mul3A_324 = arith.constant 1.280000e+02 : f32
        %mul3A_325 = vector.broadcast %mul3A_324 : f32 to vector<16xf32>
        %mul3A_326 = arith.mulf %get3A_126, %mul3A_325 : vector<16xf32>
        %add3A_327 = arith.constant 1.280000e+02 : f32
        %add3A_328 = vector.broadcast %add3A_327 : f32 to vector<16xf32>
        %add3A_329 = arith.addf %mul3A_326, %add3A_328 : vector<16xf32>
        %convert_element_type3A_330 = arith.fptosi %add3A_329 : vector<16xf32> to vector<16xi32>
        %ge3A_331 = arith.constant -1.000000e+00 : f32
        %ge3A_332 = vector.broadcast %ge3A_331 : f32 to vector<16xf32>
        %ge3A_333 = arith.cmpf oge, %get3A_126, %ge3A_332 : vector<16xf32>
        %le3A_334 = arith.constant 1.000000e+00 : f32
        %le3A_335 = vector.broadcast %le3A_334 : f32 to vector<16xf32>
        %le3A_336 = arith.cmpf ole, %get3A_126, %le3A_335 : vector<16xf32>
        %and3A_337 = arith.andi %ge3A_333, %le3A_336 : vector<16xi1>
        %mul3A_338 = arith.constant 16 : i32
        %mul3A_339 = vector.broadcast %mul3A_338 : i32 to vector<16xi32>
        %mul3A_340 = arith.muli %convert_element_type3A_330, %mul3A_339 : vector<16xi32>
        %add3A_341 = arith.addi %mul3A_340, %iota3A : vector<16xi32>
        %mul3A_342 = arith.constant 1.280000e+02 : f32
        %mul3A_343 = vector.broadcast %mul3A_342 : f32 to vector<16xf32>
        %mul3A_344 = arith.mulf %get3A_130, %mul3A_343 : vector<16xf32>
        %add3A_345 = arith.constant 1.280000e+02 : f32
        %add3A_346 = vector.broadcast %add3A_345 : f32 to vector<16xf32>
        %add3A_347 = arith.addf %mul3A_344, %add3A_346 : vector<16xf32>
        %convert_element_type3A_348 = arith.fptosi %add3A_347 : vector<16xf32> to vector<16xi32>
        %ge3A_349 = arith.constant -1.000000e+00 : f32
        %ge3A_350 = vector.broadcast %ge3A_349 : f32 to vector<16xf32>
        %ge3A_351 = arith.cmpf oge, %get3A_130, %ge3A_350 : vector<16xf32>
        %le3A_352 = arith.constant 1.000000e+00 : f32
        %le3A_353 = vector.broadcast %le3A_352 : f32 to vector<16xf32>
        %le3A_354 = arith.cmpf ole, %get3A_130, %le3A_353 : vector<16xf32>
        %and3A_355 = arith.andi %ge3A_351, %le3A_354 : vector<16xi1>
        %mul3A_356 = arith.constant 16 : i32
        %mul3A_357 = vector.broadcast %mul3A_356 : i32 to vector<16xi32>
        %mul3A_358 = arith.muli %convert_element_type3A_348, %mul3A_357 : vector<16xi32>
        %add3A_359 = arith.addi %mul3A_358, %iota3A : vector<16xi32>
        %mul3A_360 = arith.constant 1.280000e+02 : f32
        %mul3A_361 = vector.broadcast %mul3A_360 : f32 to vector<16xf32>
        %mul3A_362 = arith.mulf %get3A_134, %mul3A_361 : vector<16xf32>
        %add3A_363 = arith.constant 1.280000e+02 : f32
        %add3A_364 = vector.broadcast %add3A_363 : f32 to vector<16xf32>
        %add3A_365 = arith.addf %mul3A_362, %add3A_364 : vector<16xf32>
        %convert_element_type3A_366 = arith.fptosi %add3A_365 : vector<16xf32> to vector<16xi32>
        %ge3A_367 = arith.constant -1.000000e+00 : f32
        %ge3A_368 = vector.broadcast %ge3A_367 : f32 to vector<16xf32>
        %ge3A_369 = arith.cmpf oge, %get3A_134, %ge3A_368 : vector<16xf32>
        %le3A_370 = arith.constant 1.000000e+00 : f32
        %le3A_371 = vector.broadcast %le3A_370 : f32 to vector<16xf32>
        %le3A_372 = arith.cmpf ole, %get3A_134, %le3A_371 : vector<16xf32>
        %and3A_373 = arith.andi %ge3A_369, %le3A_372 : vector<16xi1>
        %mul3A_374 = arith.constant 16 : i32
        %mul3A_375 = vector.broadcast %mul3A_374 : i32 to vector<16xi32>
        %mul3A_376 = arith.muli %convert_element_type3A_366, %mul3A_375 : vector<16xi32>
        %add3A_377 = arith.addi %mul3A_376, %iota3A : vector<16xi32>
        %mul3A_378 = arith.constant 1.280000e+02 : f32
        %mul3A_379 = vector.broadcast %mul3A_378 : f32 to vector<16xf32>
        %mul3A_380 = arith.mulf %get3A_138, %mul3A_379 : vector<16xf32>
        %add3A_381 = arith.constant 1.280000e+02 : f32
        %add3A_382 = vector.broadcast %add3A_381 : f32 to vector<16xf32>
        %add3A_383 = arith.addf %mul3A_380, %add3A_382 : vector<16xf32>
        %convert_element_type3A_384 = arith.fptosi %add3A_383 : vector<16xf32> to vector<16xi32>
        %ge3A_385 = arith.constant -1.000000e+00 : f32
        %ge3A_386 = vector.broadcast %ge3A_385 : f32 to vector<16xf32>
        %ge3A_387 = arith.cmpf oge, %get3A_138, %ge3A_386 : vector<16xf32>
        %le3A_388 = arith.constant 1.000000e+00 : f32
        %le3A_389 = vector.broadcast %le3A_388 : f32 to vector<16xf32>
        %le3A_390 = arith.cmpf ole, %get3A_138, %le3A_389 : vector<16xf32>
        %and3A_391 = arith.andi %ge3A_387, %le3A_390 : vector<16xi1>
        %mul3A_392 = arith.constant 16 : i32
        %mul3A_393 = vector.broadcast %mul3A_392 : i32 to vector<16xi32>
        %mul3A_394 = arith.muli %convert_element_type3A_384, %mul3A_393 : vector<16xi32>
        %add3A_395 = arith.addi %mul3A_394, %iota3A : vector<16xi32>
        %mul3A_396 = arith.constant 1.280000e+02 : f32
        %mul3A_397 = vector.broadcast %mul3A_396 : f32 to vector<16xf32>
        %mul3A_398 = arith.mulf %get3A_142, %mul3A_397 : vector<16xf32>
        %add3A_399 = arith.constant 1.280000e+02 : f32
        %add3A_400 = vector.broadcast %add3A_399 : f32 to vector<16xf32>
        %add3A_401 = arith.addf %mul3A_398, %add3A_400 : vector<16xf32>
        %convert_element_type3A_402 = arith.fptosi %add3A_401 : vector<16xf32> to vector<16xi32>
        %ge3A_403 = arith.constant -1.000000e+00 : f32
        %ge3A_404 = vector.broadcast %ge3A_403 : f32 to vector<16xf32>
        %ge3A_405 = arith.cmpf oge, %get3A_142, %ge3A_404 : vector<16xf32>
        %le3A_406 = arith.constant 1.000000e+00 : f32
        %le3A_407 = vector.broadcast %le3A_406 : f32 to vector<16xf32>
        %le3A_408 = arith.cmpf ole, %get3A_142, %le3A_407 : vector<16xf32>
        %and3A_409 = arith.andi %ge3A_405, %le3A_408 : vector<16xi1>
        %mul3A_410 = arith.constant 16 : i32
        %mul3A_411 = vector.broadcast %mul3A_410 : i32 to vector<16xi32>
        %mul3A_412 = arith.muli %convert_element_type3A_402, %mul3A_411 : vector<16xi32>
        %add3A_413 = arith.addi %mul3A_412, %iota3A : vector<16xi32>
        %mul3A_414 = arith.constant 1.280000e+02 : f32
        %mul3A_415 = vector.broadcast %mul3A_414 : f32 to vector<16xf32>
        %mul3A_416 = arith.mulf %get3A_146, %mul3A_415 : vector<16xf32>
        %add3A_417 = arith.constant 1.280000e+02 : f32
        %add3A_418 = vector.broadcast %add3A_417 : f32 to vector<16xf32>
        %add3A_419 = arith.addf %mul3A_416, %add3A_418 : vector<16xf32>
        %convert_element_type3A_420 = arith.fptosi %add3A_419 : vector<16xf32> to vector<16xi32>
        %ge3A_421 = arith.constant -1.000000e+00 : f32
        %ge3A_422 = vector.broadcast %ge3A_421 : f32 to vector<16xf32>
        %ge3A_423 = arith.cmpf oge, %get3A_146, %ge3A_422 : vector<16xf32>
        %le3A_424 = arith.constant 1.000000e+00 : f32
        %le3A_425 = vector.broadcast %le3A_424 : f32 to vector<16xf32>
        %le3A_426 = arith.cmpf ole, %get3A_146, %le3A_425 : vector<16xf32>
        %and3A_427 = arith.andi %ge3A_423, %le3A_426 : vector<16xi1>
        %mul3A_428 = arith.constant 16 : i32
        %mul3A_429 = vector.broadcast %mul3A_428 : i32 to vector<16xi32>
        %mul3A_430 = arith.muli %convert_element_type3A_420, %mul3A_429 : vector<16xi32>
        %add3A_431 = arith.addi %mul3A_430, %iota3A : vector<16xi32>
        tpu.vector_store_idx %arg8[%add3A_161], %broadcast_in_dim3A_1 masked %and3A {add = true} : memref<4224xf32, #tpu.memory_space<vmem>>[vector<16xi32>], vector<16xf32>, vector<16xi1>
        tpu.vector_store_idx %arg8[%add3A_179], %broadcast_in_dim3A_1 masked %and3A_175 {add = true} : memref<4224xf32, #tpu.memory_space<vmem>>[vector<16xi32>], vector<16xf32>, vector<16xi1>
        tpu.vector_store_idx %arg8[%add3A_197], %broadcast_in_dim3A_1 masked %and3A_193 {add = true} : memref<4224xf32, #tpu.memory_space<vmem>>[vector<16xi32>], vector<16xf32>, vector<16xi1>
        tpu.vector_store_idx %arg8[%add3A_215], %broadcast_in_dim3A_1 masked %and3A_211 {add = true} : memref<4224xf32, #tpu.memory_space<vmem>>[vector<16xi32>], vector<16xf32>, vector<16xi1>
        tpu.vector_store_idx %arg8[%add3A_233], %broadcast_in_dim3A_1 masked %and3A_229 {add = true} : memref<4224xf32, #tpu.memory_space<vmem>>[vector<16xi32>], vector<16xf32>, vector<16xi1>
        tpu.vector_store_idx %arg8[%add3A_251], %broadcast_in_dim3A_1 masked %and3A_247 {add = true} : memref<4224xf32, #tpu.memory_space<vmem>>[vector<16xi32>], vector<16xf32>, vector<16xi1>
        tpu.vector_store_idx %arg8[%add3A_269], %broadcast_in_dim3A_1 masked %and3A_265 {add = true} : memref<4224xf32, #tpu.memory_space<vmem>>[vector<16xi32>], vector<16xf32>, vector<16xi1>
        tpu.vector_store_idx %arg8[%add3A_287], %broadcast_in_dim3A_1 masked %and3A_283 {add = true} : memref<4224xf32, #tpu.memory_space<vmem>>[vector<16xi32>], vector<16xf32>, vector<16xi1>
        tpu.vector_store_idx %arg8[%add3A_305], %broadcast_in_dim3A_1 masked %and3A_301 {add = true} : memref<4224xf32, #tpu.memory_space<vmem>>[vector<16xi32>], vector<16xf32>, vector<16xi1>
        tpu.vector_store_idx %arg8[%add3A_323], %broadcast_in_dim3A_1 masked %and3A_319 {add = true} : memref<4224xf32, #tpu.memory_space<vmem>>[vector<16xi32>], vector<16xf32>, vector<16xi1>
        tpu.vector_store_idx %arg8[%add3A_341], %broadcast_in_dim3A_1 masked %and3A_337 {add = true} : memref<4224xf32, #tpu.memory_space<vmem>>[vector<16xi32>], vector<16xf32>, vector<16xi1>
        tpu.vector_store_idx %arg8[%add3A_359], %broadcast_in_dim3A_1 masked %and3A_355 {add = true} : memref<4224xf32, #tpu.memory_space<vmem>>[vector<16xi32>], vector<16xf32>, vector<16xi1>
        tpu.vector_store_idx %arg8[%add3A_377], %broadcast_in_dim3A_1 masked %and3A_373 {add = true} : memref<4224xf32, #tpu.memory_space<vmem>>[vector<16xi32>], vector<16xf32>, vector<16xi1>
        tpu.vector_store_idx %arg8[%add3A_395], %broadcast_in_dim3A_1 masked %and3A_391 {add = true} : memref<4224xf32, #tpu.memory_space<vmem>>[vector<16xi32>], vector<16xf32>, vector<16xi1>
        tpu.vector_store_idx %arg8[%add3A_413], %broadcast_in_dim3A_1 masked %and3A_409 {add = true} : memref<4224xf32, #tpu.memory_space<vmem>>[vector<16xi32>], vector<16xf32>, vector<16xi1>
        tpu.vector_store_idx %arg8[%add3A_431], %broadcast_in_dim3A_1 masked %and3A_427 {add = true} : memref<4224xf32, #tpu.memory_space<vmem>>[vector<16xi32>], vector<16xf32>, vector<16xi1>
      }
      %scan3A_71 = arith.constant 128 : i32
      %add3A_72 = arith.constant 1 : i32
      %add3A_73 = arith.addi %add3A_46, %add3A_72 : i32
      %add3A_74 = arith.constant 2 : i32
      %add3A_75 = arith.addi %add3A_73, %add3A_74 : i32
      %lt3A_76 = arith.constant 24 : i32
      %lt3A_77 = arith.cmpi slt, %add3A_75, %lt3A_76 : i32
      %convert_element_type3A_78 = arith.extui %lt3A_77 : i1 to i32
      %cond3A_79 = arith.constant 0 : i32
      %cond3A_80 = arith.cmpi ne, %convert_element_type3A_78, %cond3A_79 : i32
      scf.if %cond3A_80 {
        %mul3A_81 = arith.constant 3 : i32
        %mul3A_82 = arith.muli %add3A, %mul3A_81 : i32
        %mul3A_83 = arith.constant 262144 : i32
        %mul3A_84 = arith.muli %mul3A_82, %mul3A_83 : i32
        %mul3A_85 = arith.constant 32768 : i32
        %mul3A_86 = arith.muli %add3A_75, %mul3A_85 : i32
        %add3A_87 = arith.addi %mul3A_84, %mul3A_86 : i32
        %dma_start3A_88 = tpu.memref_slice %arg2[%add3A_87] : memref<25165824xf32, #tpu.memory_space<hbm>> -> memref<32768xf32, #tpu.memory_space<hbm>>
        %dma_start3A_89 = tpu.memref_slice %arg2[%add3A_87] : memref<25165824xf32, #tpu.memory_space<hbm>> -> memref<32768xf32, #tpu.memory_space<hbm>>
        tpu.enqueue_dma source(%dma_start3A_89 : memref<32768xf32, #tpu.memory_space<hbm>>) target(%arg5 : memref<32768xf32, #tpu.memory_space<vmem>>) target_semaphore(%arg10 : memref<!tpu.dma_semaphore, #tpu.memory_space<semaphore_mem>>)
      } else {
      }
    }
    %scan3A_41 = arith.constant 4 : i32
    "tpu.region"() ({
      %run_scoped3A = tpu.sem_alloc : memref<!tpu.dma_semaphore, #tpu.memory_space<semaphore_mem>>
      %dma_start3A_42 = arith.constant 0 : i32
      %dma_start3A_43 = tpu.memref_slice %arg3[%add3A, %dma_start3A_42] : memref<32x12672xf32, #tpu.memory_space<hbm>> -> memref<1x4224xf32, #tpu.memory_space<hbm>>
      %dma_start3A_44 = tpu.memref_squeeze %dma_start3A_43 : memref<1x4224xf32, #tpu.memory_space<hbm>> -> memref<4224xf32, #tpu.memory_space<hbm>>
      %dma_start3A_45 = arith.constant 0 : i32
      %dma_start3A_46 = tpu.memref_slice %arg3[%add3A, %dma_start3A_45] : memref<32x12672xf32, #tpu.memory_space<hbm>> -> memref<1x4224xf32, #tpu.memory_space<hbm>>
      %dma_start3A_47 = tpu.memref_squeeze %dma_start3A_46 : memref<1x4224xf32, #tpu.memory_space<hbm>> -> memref<4224xf32, #tpu.memory_space<hbm>>
      tpu.enqueue_dma source(%arg6 : memref<4224xf32, #tpu.memory_space<vmem>>) target(%dma_start3A_47 : memref<4224xf32, #tpu.memory_space<hbm>>) target_semaphore(%run_scoped3A : memref<!tpu.dma_semaphore, #tpu.memory_space<semaphore_mem>>)
      %dma_wait3A = arith.constant 0 : i32
      %dma_wait3A_48 = tpu.memref_slice %arg3[%add3A, %dma_wait3A] : memref<32x12672xf32, #tpu.memory_space<hbm>> -> memref<1x4224xf32, #tpu.memory_space<hbm>>
      %dma_wait3A_49 = tpu.memref_squeeze %dma_wait3A_48 : memref<1x4224xf32, #tpu.memory_space<hbm>> -> memref<4224xf32, #tpu.memory_space<hbm>>
      %dma_wait3A_50 = arith.constant 0 : i32
      %dma_wait3A_51 = tpu.memref_slice %arg3[%add3A, %dma_wait3A_50] : memref<32x12672xf32, #tpu.memory_space<hbm>> -> memref<1x4224xf32, #tpu.memory_space<hbm>>
      %dma_wait3A_52 = tpu.memref_squeeze %dma_wait3A_51 : memref<1x4224xf32, #tpu.memory_space<hbm>> -> memref<4224xf32, #tpu.memory_space<hbm>>
      tpu.wait_dma2 semaphore(%run_scoped3A : memref<!tpu.dma_semaphore, #tpu.memory_space<semaphore_mem>>) src(%arg6 : memref<4224xf32, #tpu.memory_space<vmem>>) dst(%dma_wait3A_52 : memref<4224xf32, #tpu.memory_space<hbm>>)
      tpu.yield
    }) : () -> ()
    "tpu.region"() ({
      %run_scoped3A = tpu.sem_alloc : memref<!tpu.dma_semaphore, #tpu.memory_space<semaphore_mem>>
      %dma_start3A_42 = arith.constant 4224 : i32
      %dma_start3A_43 = tpu.memref_slice %arg3[%add3A, %dma_start3A_42] : memref<32x12672xf32, #tpu.memory_space<hbm>> -> memref<1x4224xf32, #tpu.memory_space<hbm>>
      %dma_start3A_44 = tpu.memref_squeeze %dma_start3A_43 : memref<1x4224xf32, #tpu.memory_space<hbm>> -> memref<4224xf32, #tpu.memory_space<hbm>>
      %dma_start3A_45 = arith.constant 4224 : i32
      %dma_start3A_46 = tpu.memref_slice %arg3[%add3A, %dma_start3A_45] : memref<32x12672xf32, #tpu.memory_space<hbm>> -> memref<1x4224xf32, #tpu.memory_space<hbm>>
      %dma_start3A_47 = tpu.memref_squeeze %dma_start3A_46 : memref<1x4224xf32, #tpu.memory_space<hbm>> -> memref<4224xf32, #tpu.memory_space<hbm>>
      tpu.enqueue_dma source(%arg7 : memref<4224xf32, #tpu.memory_space<vmem>>) target(%dma_start3A_47 : memref<4224xf32, #tpu.memory_space<hbm>>) target_semaphore(%run_scoped3A : memref<!tpu.dma_semaphore, #tpu.memory_space<semaphore_mem>>)
      %dma_wait3A = arith.constant 4224 : i32
      %dma_wait3A_48 = tpu.memref_slice %arg3[%add3A, %dma_wait3A] : memref<32x12672xf32, #tpu.memory_space<hbm>> -> memref<1x4224xf32, #tpu.memory_space<hbm>>
      %dma_wait3A_49 = tpu.memref_squeeze %dma_wait3A_48 : memref<1x4224xf32, #tpu.memory_space<hbm>> -> memref<4224xf32, #tpu.memory_space<hbm>>
      %dma_wait3A_50 = arith.constant 4224 : i32
      %dma_wait3A_51 = tpu.memref_slice %arg3[%add3A, %dma_wait3A_50] : memref<32x12672xf32, #tpu.memory_space<hbm>> -> memref<1x4224xf32, #tpu.memory_space<hbm>>
      %dma_wait3A_52 = tpu.memref_squeeze %dma_wait3A_51 : memref<1x4224xf32, #tpu.memory_space<hbm>> -> memref<4224xf32, #tpu.memory_space<hbm>>
      tpu.wait_dma2 semaphore(%run_scoped3A : memref<!tpu.dma_semaphore, #tpu.memory_space<semaphore_mem>>) src(%arg7 : memref<4224xf32, #tpu.memory_space<vmem>>) dst(%dma_wait3A_52 : memref<4224xf32, #tpu.memory_space<hbm>>)
      tpu.yield
    }) : () -> ()
    "tpu.region"() ({
      %run_scoped3A = tpu.sem_alloc : memref<!tpu.dma_semaphore, #tpu.memory_space<semaphore_mem>>
      %dma_start3A_42 = arith.constant 8448 : i32
      %dma_start3A_43 = tpu.memref_slice %arg3[%add3A, %dma_start3A_42] : memref<32x12672xf32, #tpu.memory_space<hbm>> -> memref<1x4224xf32, #tpu.memory_space<hbm>>
      %dma_start3A_44 = tpu.memref_squeeze %dma_start3A_43 : memref<1x4224xf32, #tpu.memory_space<hbm>> -> memref<4224xf32, #tpu.memory_space<hbm>>
      %dma_start3A_45 = arith.constant 8448 : i32
      %dma_start3A_46 = tpu.memref_slice %arg3[%add3A, %dma_start3A_45] : memref<32x12672xf32, #tpu.memory_space<hbm>> -> memref<1x4224xf32, #tpu.memory_space<hbm>>
      %dma_start3A_47 = tpu.memref_squeeze %dma_start3A_46 : memref<1x4224xf32, #tpu.memory_space<hbm>> -> memref<4224xf32, #tpu.memory_space<hbm>>
      tpu.enqueue_dma source(%arg8 : memref<4224xf32, #tpu.memory_space<vmem>>) target(%dma_start3A_47 : memref<4224xf32, #tpu.memory_space<hbm>>) target_semaphore(%run_scoped3A : memref<!tpu.dma_semaphore, #tpu.memory_space<semaphore_mem>>)
      %dma_wait3A = arith.constant 8448 : i32
      %dma_wait3A_48 = tpu.memref_slice %arg3[%add3A, %dma_wait3A] : memref<32x12672xf32, #tpu.memory_space<hbm>> -> memref<1x4224xf32, #tpu.memory_space<hbm>>
      %dma_wait3A_49 = tpu.memref_squeeze %dma_wait3A_48 : memref<1x4224xf32, #tpu.memory_space<hbm>> -> memref<4224xf32, #tpu.memory_space<hbm>>
      %dma_wait3A_50 = arith.constant 8448 : i32
      %dma_wait3A_51 = tpu.memref_slice %arg3[%add3A, %dma_wait3A_50] : memref<32x12672xf32, #tpu.memory_space<hbm>> -> memref<1x4224xf32, #tpu.memory_space<hbm>>
      %dma_wait3A_52 = tpu.memref_squeeze %dma_wait3A_51 : memref<1x4224xf32, #tpu.memory_space<hbm>> -> memref<4224xf32, #tpu.memory_space<hbm>>
      tpu.wait_dma2 semaphore(%run_scoped3A : memref<!tpu.dma_semaphore, #tpu.memory_space<semaphore_mem>>) src(%arg8 : memref<4224xf32, #tpu.memory_space<vmem>>) dst(%dma_wait3A_52 : memref<4224xf32, #tpu.memory_space<hbm>>)
      tpu.yield
    }) : () -> ()
    return
  }
}

</mosaic_0001>

<sc_bundles>
// kernel: _sc_hist.3.cloned.1.call-start
scs
__scs_entry_jumppad:
0x0: {  	(pc) =	sbr.rel $0x88, $3  }
0x1: {  	(tag) =	ssettag $0x0;
	lr =	simm.s32 $0x1  }
0x2: {  	[smem:$0x3FA0] =	sst lr;
	_ =	strace $0xD0000000  }
0x3: {  	_ = 	snop  }
0x4: {  	_ = 	snop  }
0x5: {  	_ = 	snop  }
0x6: {  	_ = 	snop  }
0x7: {  	_ = 	snop  }
__scs_overlays_trampoline_lowered:
0x8: {  	[smem:$0x3FAF] =	sst s0  }
0x9: {  	[smem:$0x3FB0] =	sst s1  }
0xa: {  	[smem:$0x3FB1] =	sst s2  }
0xb: {  	[smem:$0x3FB2] =	sst s3  }
0xc: {  	[smem:$0x3FB3] =	sst s4  }
0xd: {  	[smem:$0x3FB4] =	sst s5  }
0xe: {  	[smem:$0x3FB5] =	sst s6  }
0xf: {  	[smem:$0x3FB6] =	sst s7  }
0x10: {  	[smem:$0x3FB7] =	sst s8  }
0x11: {  	[smem:$0x3FB8] =	sst s9;
	s0 =	simm.s32 @!p0 $0x0  }
0x12: {  	s1 =	sld [smem:$0x3F9E];
	s0 =	simm.s32 @p0 $0x1  }
0x13: {  	[smem:$0x3FB9] =	sst s0;
	s0 =	simm.s32 @!p1 $0x0  }
0x14: {  	s2 =	sld [smem:$0x3F9D];
	s0 =	simm.s32 @p1 $0x1  }
0x15: {  	[smem:$0x3FBA] =	sst s0;
	s0 =	simm.s32 @!p2 $0x0  }
0x16: {  	s3 =	sld [smem:$0x3FDB];
	s0 =	simm.s32 @p2 $0x1  }
0x17: {  	s4 =	simm.s32 $0x1BF5;
	[smem:$0x3FBC] =	sst s0  }
0x18: {  	s0 =	sld [smem:$0x3F9F];
	_ =	swait.ge [sflag:s4], $0x0  }
0x19: {  	s7 =	sld [smem:$0x3FA0]  }
0x1a: {  	s8 =	sadd.s32 $0xFFFFE003, lr  }
0x1b: {  	s9 =	sadd.s32 $0xFFFFFEF7, lr;
	s5 =	simm.s32 $0xFFFFFFFF;
	p2 =	slt.u32 s8, $0xFFFFF086  }
0x1c: {  	p1 =	slt.u32 s9, $0xF7A;
	s5 =	simm.s32 @!p2 $0x0  }
0x1d: {  	s5 =	simm.s32 @p1 $0x1;
	p0 =	seq.s32 s7, s2  }
0x1e: {  	s7 =	smul.u32 @!p0 $0xF7A, s2;
	p2 =	seq.s32 @!p0 s5, $0x0  }
0x1f: {  	s9 =	smul.u32 $0xF7A, s1;
	s8 =	simm.s32 @!p0 $0x1BF5;
	p2 =	por !p2, p0  }
0x20: {  	[sflag:s8] =	ssyncset.s32 @!p0 $0xFFFFF086;
	s6 =	sadd.s32 @!p0 s3, s7;
	s7 =	simm.s32 @!p0 $0x108  }
0x21: {  	s3 =	sadd.s32 s3, s9;
	s6 =	sadd.s32 @!p0 $0x88, s6;
	s7 =	simm.s32 @p2 $0x1082  }
0x22: {  	[simem:s7], [sflag:s8] =	dma.local @!p0 [hbm:s6], $0xF7A  }
0x23: {  	s9 =	sor.u32 $0xD0000000, s2;
	s6 =	simm.s32 $0x108;
	_ =	swait.ge @!p0 [sflag:s8], $0x0  }
0x24: {  	s3 =	sadd.s32 $0x88, s3;
	s6 =	simm.s32 @!p1 $0x1082;
	[sflag:s4] =	ssyncset.s32 $0xFFFFF086  }
0x25: {  	[simem:s6], [sflag:s4] =	dma.local [hbm:s3], $0xF7A  }
0x26: {  	[smem:$0x3FA0] =	sst s1;
	(tag) =	ssettag s2;
	_ =	strace s9  }
0x27: {  	s1 =	sld [smem:$0x3FB0]  }
0x28: {  	s2 =	sld [smem:$0x3FB1]  }
0x29: {  	s4 =	sld [smem:$0x3FB3]  }
0x2a: {  	p0 =	seq.s32 s5, $0x0;
	s5 =	sld [smem:$0x3FB4]  }
0x2b: {  	s6 =	sld [smem:$0x3FB5]  }
0x2c: {  	s7 =	sld [smem:$0x3FB6]  }
0x2d: {  	s3 =	simm.s32 $0x108;
	s8 =	sld [smem:$0x3FB7]  }
0x2e: {  	s3 =	simm.s32 @!p0 $0x1082;
	s9 =	sld [smem:$0x3FB8]  }
0x2f: {  	lr =	sadd.s32 s0, s3;
	s0 =	sld [smem:$0x3FAF]  }
0x30: {  	s3 =	sld [smem:$0x3FB2]  }
0x31: {  	[smem:$0x3FBB] =	sst s10  }
0x32: {  	s10 =	sld [smem:$0x3FB9];
	_ =	sdelay $0x3  }
0x33: {  	p0 =	seq.s32 s10, $0x1;
	s10 =	sld [smem:$0x3FBB];
	_ =	sdelay $0x3  }
0x34: {  	[smem:$0x3FBB] =	sst s10  }
0x35: {  	s10 =	sld [smem:$0x3FBA];
	_ =	sdelay $0x3  }
0x36: {  	p1 =	seq.s32 s10, $0x1;
	s10 =	sld [smem:$0x3FBB];
	_ =	sdelay $0x3  }
0x37: {  	[smem:$0x3FBB] =	sst s10  }
0x38: {  	s10 =	sld [smem:$0x3FBC]  }
0x39: {  	_ = 	snop;
	(pc) =	sbr.ind lr, $3  }
0x3a: {  	_ = 	snop  }
0x3b: {  	_ = 	snop  }
0x3c: {  	p2 =	seq.s32 s10, $0x1;
	s10 =	sld [smem:$0x3FBB]  }
0x3d: {  	_ =	shalt  }
0x3e: {  	_ =	shalt  }
0x3f: {  	_ =	shalt  }
0x40: {  	_ =	shalt  }
0x41: {  	_ =	shalt  }
0x42: {  	_ =	shalt  }
0x43: {  	_ =	shalt  }
0x44: {  	_ =	shalt  }
0x45: {  	_ =	shalt  }
0x46: {  	_ =	shalt  }
0x47: {  	_ =	shalt  }
0x48: {  	_ =	shalt  }
0x49: {  	_ =	shalt  }
0x4a: {  	_ =	shalt  }
0x4b: {  	_ =	shalt  }
0x4c: {  	_ =	shalt  }
0x4d: {  	_ =	shalt  }
0x4e: {  	_ =	shalt  }
0x4f: {  	_ =	shalt  }
0x50: {  	_ =	shalt  }
0x51: {  	_ =	shalt  }
0x52: {  	_ =	shalt  }
0x53: {  	_ =	shalt  }
0x54: {  	_ =	shalt  }
0x55: {  	_ =	shalt  }
0x56: {  	_ =	shalt  }
0x57: {  	_ =	shalt  }
0x58: {  	_ =	shalt  }
0x59: {  	_ =	shalt  }
0x5a: {  	_ =	shalt  }
0x5b: {  	_ =	shalt  }
0x5c: {  	_ =	shalt  }
0x5d: {  	_ =	shalt  }
0x5e: {  	_ =	shalt  }
0x5f: {  	_ =	shalt  }
0x60: {  	_ =	shalt  }
0x61: {  	_ =	shalt  }
0x62: {  	_ =	shalt  }
0x63: {  	_ =	shalt  }
0x64: {  	_ =	shalt  }
0x65: {  	_ =	shalt  }
0x66: {  	_ =	shalt  }
0x67: {  	_ =	shalt  }
0x68: {  	_ =	shalt  }
0x69: {  	_ =	shalt  }
0x6a: {  	_ =	shalt  }
0x6b: {  	_ =	shalt  }
0x6c: {  	_ =	shalt  }
0x6d: {  	_ =	shalt  }
0x6e: {  	_ =	shalt  }
0x6f: {  	_ =	shalt  }
0x70: {  	_ =	shalt  }
0x71: {  	_ =	shalt  }
0x72: {  	_ =	shalt  }
0x73: {  	_ =	shalt  }
0x74: {  	_ =	shalt  }
0x75: {  	_ =	shalt  }
0x76: {  	_ =	shalt  }
0x77: {  	_ =	shalt  }
0x78: {  	_ =	shalt  }
0x79: {  	_ =	shalt  }
0x7a: {  	_ =	shalt  }
0x7b: {  	_ =	shalt  }
0x7c: {  	_ =	shalt  }
0x7d: {  	_ =	shalt  }
0x7e: {  	_ =	shalt  }
0x7f: {  	_ =	shalt  }
0x80: {  	_ =	shalt  }
0x81: {  	_ =	shalt  }
0x82: {  	_ =	shalt  }
0x83: {  	_ =	shalt  }
0x84: {  	_ =	shalt  }
0x85: {  	_ =	shalt  }
0x86: {  	_ =	shalt  }
0x87: {  	_ =	shalt  }
.Lfunc_end0:
.L_simem_size_0:
called_computation_lowered:
.L_overlay_start_0:
0x88: {  	s2 =	sld [smem:$0x3FD9]  }
0x89: {  	s3 =	sld [smem:$0x3FFE];
	_ =	sdelay $0x1  }
0x8a: {  	s1 =	srdreg.scid  }
0x8b: {  	s0 =	sand.u32 $0x1, s1  }
0x8c: {  	s18 =	sshll.u32 s0, $0xA;
	s2 =	sadd.s32 s3, s2  }
0x8d: {  	s2 =	sadd.s32 s2, s18  }
0x8e: {  	[smem:$0x3FC7] =	sst s2  }
0x8f: {  	_ = 	snop  }
0x90: {  	s2 =	sld [smem:$0x3FC9]  }
0x91: {  	s19 =	sld [smem:$0x3FD0];
	(tm) =	ssettm $0x1  }
0x92: {  	s4 =	sld [smem:$0x3FFB];
	_ =	sdelay $0x3  }
0x93: {  	_ =	strace s4  }
0x94: {  	s4 =	sld [smem:$0x3FFC];
	_ =	sdelay $0x3  }
0x95: {  	_ =	strace s4  }
0x96: {  	s4 =	sld [smem:$0x3FFD];
	_ =	sdelay $0x3  }
0x97: {  	_ =	strace s4  }
0x98: {  	_ =	strace $0x8FFFFFFF  }
0x99: {  	s20 =	sld [smem:$0x3FDB];
	_ =	sdelay $0x1  }
0x9a: {  	s5 =	simm.s32 $_scs_section_size  }
0x9b: {  	s6 =	simm.s32 $_size__tile_overlayer_lowered;
	s7 =	simm.s32 $_tile_overlayer_lowered  }
0x9c: {  	s23 =	simm.s32 $0x1BFF;
	s22 =	sshll.u32 s7, $0x1;
	s4 =	sadd.s32 s5, s20  }
0x9d: {  	s8 =	simm.s32 $0x0;
	s21 =	sshll.u32 s6, $0x1;
	s6 =	sadd.s32 s22, s4  }
0x9e: {  	[timem:s8], [sflag:s23] =	dma.local [hbm:s6], s21  }
0x9f: {  	_ =	swait.ge [sflag:s23], s21  }
0xa0: {  	s5 =	ssub.s32 $0x0, s21;
	[sflag:s23] =	ssyncset.done $0x0  }
0xa1: {  	[sflag:s23] =	ssyncadd.s32 s5;
	_ =	sdelay $0x1  }
0xa2: {  	s24 =	simm.s32 $0x1B8B  }
0xa3: {  	_ =	swait.ge [sflag:s24], $0x1  }
0xa4: {  	[sflag:s24] =	ssyncset.done $0x0  }
0xa5: {  	s25 =	simm.s32 $0x1B8E;
	[sflag:s24] =	ssyncadd.s32 $0xFFFFFFFF  }
0xa6: {  	s26 =	simm.s32 $execute0_lowered;
	[smem:$0x3FD2] =	sst s25  }
0xa7: {  	s5 =	sshll.u32 s26, $0x1;
	_ =	strace $0x80000046;
	[dreg:$0x1] =	wrdreg $0xFFFFFFFF  }
0xa8: {  	s28 =	simm.s32 $_size_execute0_lowered;
	s4 =	sadd.s32 s4, s5;
	[dreg:$0x0] =	wrdreg $0x0  }
0xa9: {  	s5 =	sshll.u32 s28, $0x1;
	[dreg:$0x2] =	wrdreg s4  }
0xaa: {  	[dreg:$0x3] =	wrdreg s5  }
0xab: {  	[dreg:$0x4] =	wrdreg $0xC0  }
0xac: {  	_ =	task [dreg:s8], $0x5FFFF  }
0xad: {  	[dreg:$0x1] =	wrdreg $0xFFFFFFFF  }
0xae: {  	[dreg:$0x0] =	wrdreg $0x60  }
0xaf: {  	[dreg:$0x2] =	wrdreg s2  }
0xb0: {  	[dreg:$0x3] =	wrdreg s19  }
0xb1: {  	[dreg:$0x4] =	wrdreg $0x9  }
0xb2: {  	_ =	task.clear_ibuf [dreg:s8], $0x5FFFF;
	_ =	strace $0x90000046  }
0xb3: {  	s29 =	simm.s32 $0x9;
	_ =	strace $0x80000048  }
0xb4: {  	_ =	swait.ge [sflag:s29], $0x1  }
0xb5: {  	[sflag:s29] =	ssyncadd.s32 $0xFFFFFFFF  }
0xb6: {  	_ =	strace $0x90000048  }
0xb7: {  	_ =	sfence  }
0xb8: {  	s30 =	sld [smem:$0x0];
	_ =	sdelay $0x2  }
0xb9: {  	s31 =	sshll.u32 s1, $0xD;
	s1 =	sshrl.u32 s1, $0x2  }
0xba: {  	s3 =	sand.u32 $0x4000, s31;
	s1 =	sadd.s32 s1, s30  }
0xbb: {  	s0 =	sor.u32 s3, s0;
	s1 =	sshll.u32 s1, $0x11  }
0xbc: {  	s0 =	sor.u32 s1, s0  }
0xbd: {  	s0 =	sadd.s32 $0x8F2B, s0  }
0xbe: {  	[sflag:s0] =	ssyncadd.remote.s32 $0x1  }
0xbf: {  	_ =	sfence.sel $0xFFFF  }
0xc0: {  	[dreg:$0x0] =	wrdreg $0xFFFFFFFF;
	(pc) =	sbr.abs _section_cstart, $3  }
0xc1: {  	[dreg:$0x1] =	wrdreg $0xFFFFFFFF  }
0xc2: {  	_ =	task.clear_ibuf [dreg:s8], $0x2FFFF;
	_ =	strace $0x9FFFFFFF  }
0xc3: {  	(tm) =	ssettm $0x7FFFFFFF  }
tec
execute0_lowered:
.L_overlay_start_1:
0x0: {  	(tag) =	ssettag $0x1  }
0x1: {  	s1 =	srdreg.scid  }
0x2: {  	s0 =	stileid.u32;
	s2 =	rddreg [dreg:$0x0]  }
0x3: {  	s14 =	rddreg [dreg:$0x1];
	s3 =	simm.s32 $0x0;
	s18 =	simm.s32 $0x10000  }
0x4: {  	s19 =	simm.s32 $0x2;
	s20 =	simm.s32 $0x11080;
	s21 =	simm.s32 $0x12100  }
0x5: {  	s22 =	simm.s32 $0x80;
	s23 =	simm.s32 $0x400;
	s24 =	simm.s32 $0x3  }
0x6: {  	s25 =	simm.s32 $0x0;
	s4 =	sand.u32 $0x1, s1;
	s1 =	rddreg [dreg:$0x2]  }
0x7: {  	s29 =	sshll.u32 s0, $0x1;
	[smem:$0x7FF] =	sst s3;
	s30 =	sshrl.u32 s0, $0x2  }
0x8: {  	s6 =	sor.u32 s4, s29;
	s4 =	ssub.s32 $0x2, s4;
	_ =	strace $0x80000047  }
0x9: {  	s11 =	smul.u32 $0xC0000, s6;
	s5 =	sshrl.u32 s4, $0x1;
	s8 =	sshll.u32 s6, $0x7  }
0xa: {  	s10 =	smul.u32 $0x18C00, s30;
	s15 =	ssub.s32 s4, s5;
	s12 =	sand.u32 $0x380, s8  }
0xb: {  	s7 =	sshrl.u32 s11, $0x3;
	s6 =	sor.u32 $0x10000, s11;
	s8 =	sadd.s32 $0x50000, s11  }
0xc: {  	s9 =	sadd.s32 $0x58000, s11;
	s12 =	sor.u32 s10, s12;
	s10 =	sadd.s32 $0x90000, s11  }
0xd: {  	s15 =	smax.u32 s15, $0x1;
	s4 =	sadd.s32 s2, s7;
	s7 =	sor.u32 $0x18000, s11  }
0xe: {  	s11 =	sadd.s32 $0x98000, s11;
	s13 =	sadd.s32 $0x8400, s12;
	s16 =	sshrl.u32 s12, $0x3  }
0xf: {  	s17 =	sadd.s32 $0x10800, s12;
	s5 =	sadd.s32 $0x1000, s4;
	s13 =	sshrl.u32 s13, $0x3  }
0x10: {  	s12 =	sadd.s32 s14, s16;
	s31 =	sshrl.u32 s17, $0x3;
	s16 =	simm.s32 $0x8000  }
0x11: {  	v0 =	vimm.f32 $0.0e+00;
	v1 =	vimm.f32 $1.000000000e+00;
	v2 =	vlaneseq.u32;
	s17 =	simm.s32 $0x1;
	s13 =	sadd.s32 s14, s13;
	s14 =	sadd.s32 s14, s31  }
.LBB2_1:
0x12: {  	s26 =	simm.s32 $0x40;
	s28 =	simm.s32 $0x0  }
.LBB2_2:
0x13: {  	p0 =	sne.s32 s26, $0x41C0;
	[tilespmem:s28+$0x12100] =	vst v0;
	s29 =	smov.u32 s26;
	s26 =	sadd.s32 $0x40, s26  }
.Ltmp0:
0x14: {  	[tilespmem:s28+$0x10000] =	vst v0;
	(pc) =	sbr.rel @p0 .LBB2_2-.Ltmp0, $2  }
0x15: {  	[tilespmem:s28+$0x11080] =	vst v0;
	_ =	sdelay $0x2  }
0x16: {  	s28 =	sshra.s32 s29, $0x2  }
0x17: {  	[tilespmem:s28+$0x12100] =	vst v0  }
0x18: {  	[tilespmem:s28+$0x10000] =	vst v0  }
0x19: {  	[tilespmem:s28+$0x11080] =	vst v0;
	s26 =	simm.s32 $0x0  }
0x1a: {  	[tilespmem:s26], [sflag:$0x1] =	stream.linear.gather [hbm4b:s4+s26], $0x8000, $0x38;
	[tilespmem:$0x13180] =	vst v63  }
0x1b: {  	_ = 	snop  }
0x1c: {  	[tilespmem:s16], [sflag:$0x2] =	stream.linear.gather [hbm4b:s5+s26], $0x8000, $0x38;
	[tilespmem:$0x13180] =	vst v63  }
.LBB2_4:
0x1d: {  	_ =	swait.ge [sflag:s17], $0x8000  }
0x1e: {  	[sflag:s17] =	ssyncset.done $0x0  }
0x1f: {  	s28 =	simm.s32 $0x0;
	[sflag:s17] =	ssyncadd.s32 $0xFFFF8000  }
0x20: {  	v3 =	vld [tilespmem:s28+$0x0]  }
0x21: {  	v4 =	vld [tilespmem:s28+$0x10]  }
0x22: {  	v8 =	vld [tilespmem:s28+$0x40]  }
0x23: {  	v9 =	vld [tilespmem:s28+$0x50]  }
0x24: {  	v12 =	vld [tilespmem:s28+$0x60];
	_ =	sdelay $0x1  }
0x25: {  	v17 =	vld [tilespmem:s28+$0x70]  }
0x26: {  	v7 =	vmul.f32 $1.280000000e+02, v3;
	v3 =	vand.u32 $0x7FFFFFFF, v3  }
0x27: {  	v5 =	vld [tilespmem:s28+$0x20];
	v14 =	vand.u32 $0x7FFFFFFF, v8;
	v15 =	vand.u32 $0x7FFFFFFF, v9;
	v9 =	vmul.f32 $1.280000000e+02, v9  }
0x28: {  	v6 =	vld [tilespmem:s28+$0x30];
	v21 =	vand.u32 $0x7FFFFFFF, v12;
	vm8 =	vle.f32 v3, $1.000000000e+00;
	v3 =	vmul.f32 $1.280000000e+02, v4  }
0x29: {  	v4 =	vand.u32 $0x7FFFFFFF, v4;
	vm2 =	vle.f32 v15, $1.000000000e+00;
	vm3 =	vle.f32 v14, $1.000000000e+00  }
0x2a: {  	v14 =	vmul.f32 $1.280000000e+02, v12;
	vm5 =	vle.f32 v21, $1.000000000e+00;
	v21 =	vmul.f32 $1.280000000e+02, v17  }
0x2b: {  	v17 =	vand.u32 $0x7FFFFFFF, v17;
	v7 =	vadd.f32 $1.280000000e+02, v7;
	vm1 =	vle.f32 v4, $1.000000000e+00  }
0x2c: {  	v10 =	vld [tilespmem:s28+$0xF0];
	v4 =	vmul.f32 $1.280000000e+02, v5;
	v9 =	vadd.f32 $1.280000000e+02, v9;
	vm6 =	vle.f32 v17, $1.000000000e+00  }
0x2d: {  	v11 =	vadd.f32 $1.280000000e+02, v3;
	v3 =	vmul.f32 $1.280000000e+02, v6;
	v6 =	vand.u32 $0x7FFFFFFF, v6  }
0x2e: {  	v14 =	vadd.f32 $1.280000000e+02, v14;
	v7 =	vtrunc.f32 v7;
	v4 =	vadd.f32 $1.280000000e+02, v4  }
0x2f: {  	vm0 =	vle.f32 v6, $1.000000000e+00;
	v6 =	vcvt.f32.s32 v7;
	v7 =	vand.u32 $0x7FFFFFFF, v5  }
0x30: {  	v19 =	vld [tilespmem:s28+$0xC0];
	v13 =	vadd.f32 $1.280000000e+02, v3;
	v11 =	vtrunc.f32 v11;
	v14 =	vtrunc.f32 v14  }
0x31: {  	v5 =	vld [tilespmem:s28+$0xD0];
	v16 =	vtrunc.f32 v4;
	v4 =	vand.u32 $0x7FFFFFFF, v10;
	v14 =	vcvt.f32.s32 v14  }
0x32: {  	v3 =	vld [tilespmem:s28+$0xE0];
	v25 =	vcvt.f32.s32 v11;
	v6 =	vshll.u32 v6, $0x4;
	v13 =	vtrunc.f32 v13  }
0x33: {  	v18 =	vld [tilespmem:s28+$0xB0];
	v22 =	vor.u32 v2, v6;
	v6 =	vmul.f32 $1.280000000e+02, v10;
	v10 =	vcvt.f32.s32 v16  }
0x34: {  	v23 =	vld [tilespmem:s28+$0x90];
	vm4 =	vle.f32 v7, $1.000000000e+00;
	v16 =	vmul.f32 $1.280000000e+02, v8;
	v8 =	vtrunc.f32 v9  }
0x35: {  	v24 =	vld [tilespmem:s28+$0x80];
	v11 =	vshll.u32 v14, $0x4;
	v17 =	vshll.u32 v25, $0x4;
	v9 =	vcvt.f32.s32 v8  }
0x36: {  	v8 =	vand.u32 $0x7FFFFFFF, v19;
	v11 =	vor.u32 v2, v11;
	v20 =	vmul.f32 $1.280000000e+02, v5  }
0x37: {  	v7 =	vmul.f32 $1.280000000e+02, v3;
	v6 =	vadd.f32 $1.280000000e+02, v6;
	v15 =	vshll.u32 v10, $0x4  }
0x38: {  	v10 =	vand.u32 $0x7FFFFFFF, v18;
	v12 =	vadd.f32 $1.280000000e+02, v20;
	v20 =	vcvt.f32.s32 v13  }
0x39: {  	v26 =	vld [tilespmem:s28+$0xA0];
	v16 =	vadd.f32 $1.280000000e+02, v16;
	v13 =	vor.u32 v2, v15;
	v15 =	vmul.f32 $1.280000000e+02, v23  }
0x3a: {  	v9 =	vshll.u32 v9, $0x4;
	v14 =	vshll.u32 v20, $0x4;
	v20 =	vmul.f32 $1.280000000e+02, v24  }
0x3b: {  	v9 =	vor.u32 v2, v9;
	v27 =	vtrunc.f32 v16;
	v16 =	vadd.f32 $1.280000000e+02, v15  }
0x3c: {  	v15 =	vand.u32 $0x7FFFFFFF, v24;
	v24 =	vmul.f32 $1.280000000e+02, v18;
	v20 =	vadd.f32 $1.280000000e+02, v20  }
0x3d: {  	[tilespmem:v22+s18+$0x0] =	vst.idx.add.f32.msk vm8, v1;
	v22 =	vcvt.f32.s32 v27;
	v18 =	vadd.f32 $1.280000000e+02, v21;
	vm7 =	vle.f32 v15, $1.000000000e+00  }
0x3e: {  	v15 =	vmul.f32 $1.280000000e+02, v26;
	v24 =	vadd.f32 $1.280000000e+02, v24;
	v20 =	vtrunc.f32 v20  }
0x3f: {  	v14 =	vor.u32 v2, v14;
	v21 =	vtrunc.f32 v16;
	v25 =	vcvt.f32.s32 v20  }
0x40: {  	v16 =	vand.u32 $0x7FFFFFFF, v26;
	v21 =	vcvt.f32.s32 v21;
	v24 =	vtrunc.f32 v24  }
0x41: {  	s28 =	simm.s32 $0x400;
	v20 =	vmul.f32 $1.280000000e+02, v19;
	v19 =	vand.u32 $0x7FFFFFFF, v23;
	v23 =	vshll.u32 v25, $0x4  }
.LBB2_5:
0x42: {  	p0 =	sne.s32 s28, $0x1FC00;
	v24 =	vcvt.f32.s32 v24;
	v17 =	vor.u32 v2, v17;
	v23 =	vor.u32 v2, v23;
	s29 =	smov.u32 s28;
	s28 =	sadd.s32 $0x400, s28  }
0x43: {  	v18 =	vtrunc.f32 v18;
	v21 =	vshll.u32 v21, $0x4;
	v20 =	vadd.f32 $1.280000000e+02, v20  }
0x44: {  	v22 =	vshll.u32 v22, $0x4;
	v18 =	vcvt.f32.s32 v18;
	v24 =	vshll.u32 v24, $0x4  }
0x45: {  	vm8 =	vle.f32 v19, $1.000000000e+00;
	v15 =	vadd.f32 $1.280000000e+02, v15;
	v19 =	vor.u32 v2, v24  }
0x46: {  	vm9 =	vle.f32 v16, $1.000000000e+00;
	v16 =	vtrunc.f32 v20;
	v20 =	vor.u32 v2, v22  }
0x47: {  	v18 =	vshll.u32 v18, $0x4;
	v16 =	vcvt.f32.s32 v16;
	[tilespmem:v17+s18+$0x0] =	vst.idx.add.f32.msk vm1, v1;
	v17 =	vor.u32 v2, v21  }
0x48: {  	v12 =	vtrunc.f32 v12;
	v7 =	vadd.f32 $1.280000000e+02, v7;
	v15 =	vtrunc.f32 v15;
	[tilespmem:v13+s18+$0x0] =	vst.idx.add.f32.msk vm4, v1  }
0x49: {  	vm1 =	vle.f32 v10, $1.000000000e+00;
	v10 =	vshll.u32 v16, $0x4;
	v13 =	vcvt.f32.s32 v15;
	[tilespmem:v14+s18+$0x0] =	vst.idx.add.f32.msk vm0, v1  }
0x4a: {  	v7 =	vtrunc.f32 v7;
	v10 =	vor.u32 v2, v10;
	v14 =	vor.u32 v2, v18  }
0x4b: {  	v7 =	vcvt.f32.s32 v7;
	vm0 =	vle.f32 v8, $1.000000000e+00;
	v13 =	vshll.u32 v13, $0x4;
	[tilespmem:v20+s18+$0x0] =	vst.idx.add.f32.msk vm3, v1  }
0x4c: {  	v5 =	vand.u32 $0x7FFFFFFF, v5;
	v8 =	vcvt.f32.s32 v12;
	[tilespmem:v9+s18+$0x0] =	vst.idx.add.f32.msk vm2, v1;
	v9 =	vor.u32 v2, v13  }
0x4d: {  	v3 =	vand.u32 $0x7FFFFFFF, v3;
	v6 =	vtrunc.f32 v6;
	v7 =	vshll.u32 v7, $0x4;
	[tilespmem:v11+s18+$0x0] =	vst.idx.add.f32.msk vm5, v1  }
0x4e: {  	v6 =	vcvt.f32.s32 v6;
	v7 =	vor.u32 v2, v7;
	v8 =	vshll.u32 v8, $0x4  }
0x4f: {  	vm3 =	vle.f32 v3, $1.000000000e+00;
	vm2 =	vle.f32 v5, $1.000000000e+00;
	v3 =	vor.u32 v2, v8;
	[tilespmem:v14+s18+$0x0] =	vst.idx.add.f32.msk vm6, v1  }
0x50: {  	vm4 =	vle.f32 v4, $1.000000000e+00;
	v4 =	vshll.u32 v6, $0x4;
	[tilespmem:v23+s18+$0x0] =	vst.idx.add.f32.msk vm7, v1  }
0x51: {  	v4 =	vor.u32 v2, v4;
	[tilespmem:v17+s18+$0x0] =	vst.idx.add.f32.msk vm8, v1  }
0x52: {  	[tilespmem:v9+s18+$0x0] =	vst.idx.add.f32.msk vm9, v1  }
0x53: {  	[tilespmem:v19+s18+$0x0] =	vst.idx.add.f32.msk vm1, v1  }
0x54: {  	[tilespmem:v10+s18+$0x0] =	vst.idx.add.f32.msk vm0, v1  }
0x55: {  	[tilespmem:v3+s18+$0x0] =	vst.idx.add.f32.msk vm2, v1  }
0x56: {  	[tilespmem:v7+s18+$0x0] =	vst.idx.add.f32.msk vm3, v1  }
0x57: {  	s29 =	sshra.s32 s29, $0x2;
	[tilespmem:v4+s18+$0x0] =	vst.idx.add.f32.msk vm4, v1  }
0x58: {  	v3 =	vld [tilespmem:s29+$0x0]  }
0x59: {  	v4 =	vld [tilespmem:s29+$0x10]  }
0x5a: {  	v5 =	vld [tilespmem:s29+$0x20]  }
0x5b: {  	v6 =	vld [tilespmem:s29+$0x30]  }
0x5c: {  	v8 =	vld [tilespmem:s29+$0x40]  }
0x5d: {  	v7 =	vld [tilespmem:s29+$0x50];
	v9 =	vmul.f32 $1.280000000e+02, v3;
	v3 =	vand.u32 $0x7FFFFFFF, v3  }
0x5e: {  	vm5 =	vle.f32 v3, $1.000000000e+00;
	v3 =	vmul.f32 $1.280000000e+02, v4;
	v4 =	vand.u32 $0x7FFFFFFF, v4  }
0x5f: {  	v9 =	vadd.f32 $1.280000000e+02, v9;
	vm1 =	vle.f32 v4, $1.000000000e+00;
	v4 =	vmul.f32 $1.280000000e+02, v5  }
0x60: {  	v10 =	vld [tilespmem:s29+$0xF0];
	v11 =	vadd.f32 $1.280000000e+02, v3;
	v12 =	vmul.f32 $1.280000000e+02, v6;
	v3 =	vand.u32 $0x7FFFFFFF, v6  }
0x61: {  	v13 =	vld [tilespmem:s29+$0x60];
	v6 =	vtrunc.f32 v9;
	v4 =	vadd.f32 $1.280000000e+02, v4;
	vm0 =	vle.f32 v3, $1.000000000e+00  }
0x62: {  	v9 =	vand.u32 $0x7FFFFFFF, v5;
	v3 =	vld [tilespmem:s29+$0xE0];
	v6 =	vcvt.f32.s32 v6;
	v12 =	vadd.f32 $1.280000000e+02, v12  }
0x63: {  	v14 =	vand.u32 $0x7FFFFFFF, v8;
	v11 =	vtrunc.f32 v11;
	v15 =	vand.u32 $0x7FFFFFFF, v7;
	v5 =	vld [tilespmem:s29+$0xD0]  }
0x64: {  	v17 =	vtrunc.f32 v4;
	vm2 =	vle.f32 v15, $1.000000000e+00;
	v16 =	vld [tilespmem:s29+$0x70];
	v6 =	vshll.u32 v6, $0x4  }
0x65: {  	v7 =	vmul.f32 $1.280000000e+02, v7;
	v19 =	vld [tilespmem:s29+$0xC0];
	v4 =	vand.u32 $0x7FFFFFFF, v10;
	v15 =	vor.u32 v2, v6  }
0x66: {  	vm3 =	vle.f32 v14, $1.000000000e+00;
	v18 =	vtrunc.f32 v12;
	v6 =	vmul.f32 $1.280000000e+02, v10;
	v20 =	vld [tilespmem:s29+$0xB0]  }
0x67: {  	vm4 =	vle.f32 v9, $1.000000000e+00;
	v9 =	vadd.f32 $1.280000000e+02, v7;
	v10 =	vcvt.f32.s32 v17;
	v21 =	vld [tilespmem:s29+$0xA0]  }
0x68: {  	v12 =	vmul.f32 $1.280000000e+02, v13;
	v7 =	vmul.f32 $1.280000000e+02, v3;
	v6 =	vadd.f32 $1.280000000e+02, v6;
	v22 =	vld [tilespmem:s29+$0x80]  }
0x69: {  	v17 =	vmul.f32 $1.280000000e+02, v8;
	v8 =	vtrunc.f32 v9;
	v14 =	vshll.u32 v10, $0x4;
	v23 =	vld [tilespmem:s29+$0x90]  }
0x6a: {  	v9 =	vcvt.f32.s32 v8;
	v12 =	vadd.f32 $1.280000000e+02, v12;
	v24 =	vmul.f32 $1.280000000e+02, v5;
	[tilespmem:v15+s18+$0x0] =	vst.idx.add.f32.msk vm5, v1  }
0x6b: {  	v15 =	vand.u32 $0x7FFFFFFF, v13;
	v8 =	vand.u32 $0x7FFFFFFF, v19;
	v10 =	vand.u32 $0x7FFFFFFF, v20  }
0x6c: {  	v9 =	vshll.u32 v9, $0x4;
	v13 =	vtrunc.f32 v12;
	v12 =	vadd.f32 $1.280000000e+02, v24  }
0x6d: {  	v18 =	vcvt.f32.s32 v18;
	v9 =	vor.u32 v2, v9;
	v24 =	vcvt.f32.s32 v13  }
0x6e: {  	v25 =	vcvt.f32.s32 v11;
	v17 =	vadd.f32 $1.280000000e+02, v17;
	v13 =	vor.u32 v2, v14  }
0x6f: {  	vm5 =	vle.f32 v15, $1.000000000e+00;
	v11 =	vshll.u32 v24, $0x4;
	v24 =	vmul.f32 $1.280000000e+02, v16  }
0x70: {  	v14 =	vshll.u32 v18, $0x4;
	v15 =	vmul.f32 $1.280000000e+02, v23;
	v11 =	vor.u32 v2, v11  }
0x71: {  	v14 =	vor.u32 v2, v14;
	v16 =	vand.u32 $0x7FFFFFFF, v16;
	v18 =	vmul.f32 $1.280000000e+02, v22  }
0x72: {  	v26 =	vtrunc.f32 v17;
	vm6 =	vle.f32 v16, $1.000000000e+00;
	v16 =	vadd.f32 $1.280000000e+02, v15  }
0x73: {  	v17 =	vshll.u32 v25, $0x4;
	v25 =	vadd.f32 $1.280000000e+02, v18;
	v15 =	vmul.f32 $1.280000000e+02, v21  }
.Ltmp1:
0x74: {  	v20 =	vmul.f32 $1.280000000e+02, v20;
	v18 =	vadd.f32 $1.280000000e+02, v24;
	v24 =	vtrunc.f32 v16;
	(pc) =	sbr.rel @p0 .LBB2_5-.Ltmp1, $4  }
0x75: {  	v22 =	vand.u32 $0x7FFFFFFF, v22;
	v25 =	vtrunc.f32 v25;
	v16 =	vand.u32 $0x7FFFFFFF, v21  }
0x76: {  	v27 =	vadd.f32 $1.280000000e+02, v20;
	v20 =	vmul.f32 $1.280000000e+02, v19;
	v25 =	vcvt.f32.s32 v25  }
0x77: {  	vm7 =	vle.f32 v22, $1.000000000e+00;
	v19 =	vand.u32 $0x7FFFFFFF, v23;
	v21 =	vcvt.f32.s32 v24  }
0x78: {  	v22 =	vcvt.f32.s32 v26;
	v24 =	vtrunc.f32 v27;
	v23 =	vshll.u32 v25, $0x4  }
0x79: {  	v24 =	vcvt.f32.s32 v24;
	v17 =	vor.u32 v2, v17  }
0x7a: {  	v23 =	vor.u32 v2, v23;
	v18 =	vtrunc.f32 v18;
	v21 =	vshll.u32 v21, $0x4  }
0x7b: {  	v20 =	vadd.f32 $1.280000000e+02, v20;
	vm8 =	vle.f32 v19, $1.000000000e+00;
	v15 =	vadd.f32 $1.280000000e+02, v15  }
0x7c: {  	vm9 =	vle.f32 v16, $1.000000000e+00;
	v7 =	vadd.f32 $1.280000000e+02, v7;
	v22 =	vshll.u32 v22, $0x4  }
0x7d: {  	v12 =	vtrunc.f32 v12;
	v18 =	vcvt.f32.s32 v18;
	v22 =	vor.u32 v2, v22  }
0x7e: {  	v5 =	vand.u32 $0x7FFFFFFF, v5;
	v3 =	vand.u32 $0x7FFFFFFF, v3;
	v6 =	vtrunc.f32 v6  }
0x7f: {  	v6 =	vcvt.f32.s32 v6;
	v15 =	vtrunc.f32 v15;
	v16 =	vshll.u32 v18, $0x4;
	[tilespmem:v17+s18+$0x0] =	vst.idx.add.f32.msk vm1, v1  }
0x80: {  	v20 =	vtrunc.f32 v20;
	[tilespmem:v13+s18+$0x0] =	vst.idx.add.f32.msk vm4, v1;
	v13 =	vcvt.f32.s32 v15;
	v15 =	vor.u32 v2, v16  }
0x81: {  	v24 =	vshll.u32 v24, $0x4;
	v7 =	vtrunc.f32 v7;
	v18 =	vcvt.f32.s32 v20;
	[tilespmem:v14+s18+$0x0] =	vst.idx.add.f32.msk vm0, v1  }
0x82: {  	v17 =	vor.u32 v2, v21;
	vm1 =	vle.f32 v10, $1.000000000e+00;
	v13 =	vshll.u32 v13, $0x4;
	[tilespmem:v22+s18+$0x0] =	vst.idx.add.f32.msk vm3, v1  }
0x83: {  	vm0 =	vle.f32 v8, $1.000000000e+00;
	v8 =	vcvt.f32.s32 v12;
	[tilespmem:v9+s18+$0x0] =	vst.idx.add.f32.msk vm2, v1;
	v9 =	vor.u32 v2, v13  }
0x84: {  	v19 =	vor.u32 v2, v24;
	v7 =	vcvt.f32.s32 v7;
	v10 =	vshll.u32 v18, $0x4;
	[tilespmem:v11+s18+$0x0] =	vst.idx.add.f32.msk vm5, v1  }
0x85: {  	v10 =	vor.u32 v2, v10;
	v8 =	vshll.u32 v8, $0x4;
	vm2 =	vle.f32 v5, $1.000000000e+00;
	[tilespmem:v15+s18+$0x0] =	vst.idx.add.f32.msk vm6, v1  }
0x86: {  	vm3 =	vle.f32 v3, $1.000000000e+00;
	v5 =	vshll.u32 v7, $0x4;
	v3 =	vor.u32 v2, v8;
	[tilespmem:v23+s18+$0x0] =	vst.idx.add.f32.msk vm7, v1  }
0x87: {  	vm4 =	vle.f32 v4, $1.000000000e+00;
	v4 =	vshll.u32 v6, $0x4;
	v5 =	vor.u32 v2, v5;
	[tilespmem:v17+s18+$0x0] =	vst.idx.add.f32.msk vm8, v1  }
0x88: {  	v4 =	vor.u32 v2, v4;
	[tilespmem:v9+s18+$0x0] =	vst.idx.add.f32.msk vm9, v1  }
0x89: {  	[tilespmem:v19+s18+$0x0] =	vst.idx.add.f32.msk vm1, v1  }
0x8a: {  	s28 =	sshll.u32 s26, $0x10;
	[tilespmem:v10+s18+$0x0] =	vst.idx.add.f32.msk vm0, v1  }
0x8b: {  	s29 =	sadd.s32 s28, s6;
	[tilespmem:v3+s18+$0x0] =	vst.idx.add.f32.msk vm2, v1  }
0x8c: {  	s29 =	sshrl.u32 s29, $0x3;
	[tilespmem:v5+s18+$0x0] =	vst.idx.add.f32.msk vm3, v1  }
0x8d: {  	s30 =	simm.s32 $0x0;
	s29 =	sadd.s32 s2, s29;
	[tilespmem:v4+s18+$0x0] =	vst.idx.add.f32.msk vm4, v1  }
0x8e: {  	[tilespmem:s30], [sflag:$0x1] =	stream.linear.gather [hbm4b:s29+s30], $0x8000, $0x38;
	[tilespmem:$0x13180] =	vst v63  }
0x8f: {  	_ =	swait.ge [sflag:s19], $0x8000  }
0x90: {  	[sflag:s19] =	ssyncset.done $0x0  }
0x91: {  	s29 =	simm.s32 $0x0;
	[sflag:s19] =	ssyncadd.s32 $0xFFFF8000  }
0x92: {  	v3 =	vld [tilespmem:s29+$0x8000]  }
0x93: {  	v4 =	vld [tilespmem:s29+$0x8010]  }
0x94: {  	v8 =	vld [tilespmem:s29+$0x8040]  }
0x95: {  	v9 =	vld [tilespmem:s29+$0x8050]  }
0x96: {  	v12 =	vld [tilespmem:s29+$0x8060];
	_ =	sdelay $0x1  }
0x97: {  	v17 =	vld [tilespmem:s29+$0x8070]  }
0x98: {  	v7 =	vmul.f32 $1.280000000e+02, v3;
	v3 =	vand.u32 $0x7FFFFFFF, v3  }
0x99: {  	v5 =	vld [tilespmem:s29+$0x8020];
	v14 =	vand.u32 $0x7FFFFFFF, v8;
	v15 =	vand.u32 $0x7FFFFFFF, v9;
	v9 =	vmul.f32 $1.280000000e+02, v9  }
0x9a: {  	v6 =	vld [tilespmem:s29+$0x8030];
	v21 =	vand.u32 $0x7FFFFFFF, v12;
	vm8 =	vle.f32 v3, $1.000000000e+00;
	v3 =	vmul.f32 $1.280000000e+02, v4  }
0x9b: {  	v4 =	vand.u32 $0x7FFFFFFF, v4;
	vm2 =	vle.f32 v15, $1.000000000e+00;
	vm3 =	vle.f32 v14, $1.000000000e+00  }
0x9c: {  	v14 =	vmul.f32 $1.280000000e+02, v12;
	vm5 =	vle.f32 v21, $1.000000000e+00;
	v21 =	vmul.f32 $1.280000000e+02, v17  }
0x9d: {  	v17 =	vand.u32 $0x7FFFFFFF, v17;
	v7 =	vadd.f32 $1.280000000e+02, v7;
	vm1 =	vle.f32 v4, $1.000000000e+00  }
0x9e: {  	v10 =	vld [tilespmem:s29+$0x80F0];
	v4 =	vmul.f32 $1.280000000e+02, v5;
	v9 =	vadd.f32 $1.280000000e+02, v9;
	vm6 =	vle.f32 v17, $1.000000000e+00  }
0x9f: {  	v11 =	vadd.f32 $1.280000000e+02, v3;
	v3 =	vmul.f32 $1.280000000e+02, v6;
	v6 =	vand.u32 $0x7FFFFFFF, v6  }
0xa0: {  	v14 =	vadd.f32 $1.280000000e+02, v14;
	v7 =	vtrunc.f32 v7;
	v4 =	vadd.f32 $1.280000000e+02, v4  }
0xa1: {  	vm0 =	vle.f32 v6, $1.000000000e+00;
	v6 =	vcvt.f32.s32 v7;
	v7 =	vand.u32 $0x7FFFFFFF, v5  }
0xa2: {  	v19 =	vld [tilespmem:s29+$0x80C0];
	v13 =	vadd.f32 $1.280000000e+02, v3;
	v11 =	vtrunc.f32 v11;
	v14 =	vtrunc.f32 v14  }
0xa3: {  	v5 =	vld [tilespmem:s29+$0x80D0];
	v16 =	vtrunc.f32 v4;
	v4 =	vand.u32 $0x7FFFFFFF, v10;
	v14 =	vcvt.f32.s32 v14  }
0xa4: {  	v3 =	vld [tilespmem:s29+$0x80E0];
	v25 =	vcvt.f32.s32 v11;
	v6 =	vshll.u32 v6, $0x4;
	v13 =	vtrunc.f32 v13  }
0xa5: {  	v18 =	vld [tilespmem:s29+$0x80B0];
	v22 =	vor.u32 v2, v6;
	v6 =	vmul.f32 $1.280000000e+02, v10;
	v10 =	vcvt.f32.s32 v16  }
0xa6: {  	v23 =	vld [tilespmem:s29+$0x8090];
	vm4 =	vle.f32 v7, $1.000000000e+00;
	v16 =	vmul.f32 $1.280000000e+02, v8;
	v8 =	vtrunc.f32 v9  }
0xa7: {  	v24 =	vld [tilespmem:s29+$0x8080];
	v11 =	vshll.u32 v14, $0x4;
	v17 =	vshll.u32 v25, $0x4;
	v9 =	vcvt.f32.s32 v8  }
0xa8: {  	v8 =	vand.u32 $0x7FFFFFFF, v19;
	v11 =	vor.u32 v2, v11;
	v20 =	vmul.f32 $1.280000000e+02, v5  }
0xa9: {  	v7 =	vmul.f32 $1.280000000e+02, v3;
	v6 =	vadd.f32 $1.280000000e+02, v6;
	v15 =	vshll.u32 v10, $0x4  }
0xaa: {  	v10 =	vand.u32 $0x7FFFFFFF, v18;
	v12 =	vadd.f32 $1.280000000e+02, v20;
	v20 =	vcvt.f32.s32 v13  }
0xab: {  	v26 =	vld [tilespmem:s29+$0x80A0];
	v16 =	vadd.f32 $1.280000000e+02, v16;
	v13 =	vor.u32 v2, v15;
	v15 =	vmul.f32 $1.280000000e+02, v23  }
0xac: {  	v9 =	vshll.u32 v9, $0x4;
	v14 =	vshll.u32 v20, $0x4;
	v20 =	vmul.f32 $1.280000000e+02, v24  }
0xad: {  	v9 =	vor.u32 v2, v9;
	v27 =	vtrunc.f32 v16;
	v16 =	vadd.f32 $1.280000000e+02, v15  }
0xae: {  	v15 =	vand.u32 $0x7FFFFFFF, v24;
	v24 =	vmul.f32 $1.280000000e+02, v18;
	v20 =	vadd.f32 $1.280000000e+02, v20  }
0xaf: {  	[tilespmem:v22+s18+$0x0] =	vst.idx.add.f32.msk vm8, v1;
	v22 =	vcvt.f32.s32 v27;
	v18 =	vadd.f32 $1.280000000e+02, v21;
	vm7 =	vle.f32 v15, $1.000000000e+00  }
0xb0: {  	v15 =	vmul.f32 $1.280000000e+02, v26;
	v24 =	vadd.f32 $1.280000000e+02, v24;
	v20 =	vtrunc.f32 v20  }
0xb1: {  	v14 =	vor.u32 v2, v14;
	v21 =	vtrunc.f32 v16;
	v25 =	vcvt.f32.s32 v20  }
0xb2: {  	v16 =	vand.u32 $0x7FFFFFFF, v26;
	v21 =	vcvt.f32.s32 v21;
	v24 =	vtrunc.f32 v24  }
0xb3: {  	s29 =	simm.s32 $0x400;
	v20 =	vmul.f32 $1.280000000e+02, v19;
	v19 =	vand.u32 $0x7FFFFFFF, v23;
	v23 =	vshll.u32 v25, $0x4  }
.LBB2_7:
0xb4: {  	p0 =	sne.s32 s29, $0x1FC00;
	v24 =	vcvt.f32.s32 v24;
	v17 =	vor.u32 v2, v17;
	v23 =	vor.u32 v2, v23;
	s30 =	smov.u32 s29;
	s29 =	sadd.s32 $0x400, s29  }
0xb5: {  	v18 =	vtrunc.f32 v18;
	v21 =	vshll.u32 v21, $0x4;
	v20 =	vadd.f32 $1.280000000e+02, v20  }
0xb6: {  	v22 =	vshll.u32 v22, $0x4;
	v18 =	vcvt.f32.s32 v18;
	v24 =	vshll.u32 v24, $0x4  }
0xb7: {  	vm8 =	vle.f32 v19, $1.000000000e+00;
	v15 =	vadd.f32 $1.280000000e+02, v15;
	v19 =	vor.u32 v2, v24  }
0xb8: {  	vm9 =	vle.f32 v16, $1.000000000e+00;
	v16 =	vtrunc.f32 v20;
	v20 =	vor.u32 v2, v22  }
0xb9: {  	v18 =	vshll.u32 v18, $0x4;
	v16 =	vcvt.f32.s32 v16;
	[tilespmem:v17+s18+$0x0] =	vst.idx.add.f32.msk vm1, v1;
	v17 =	vor.u32 v2, v21  }
0xba: {  	v12 =	vtrunc.f32 v12;
	v7 =	vadd.f32 $1.280000000e+02, v7;
	v15 =	vtrunc.f32 v15;
	[tilespmem:v13+s18+$0x0] =	vst.idx.add.f32.msk vm4, v1  }
0xbb: {  	vm1 =	vle.f32 v10, $1.000000000e+00;
	v10 =	vshll.u32 v16, $0x4;
	v13 =	vcvt.f32.s32 v15;
	[tilespmem:v14+s18+$0x0] =	vst.idx.add.f32.msk vm0, v1  }
0xbc: {  	v7 =	vtrunc.f32 v7;
	v10 =	vor.u32 v2, v10;
	v14 =	vor.u32 v2, v18  }
0xbd: {  	v7 =	vcvt.f32.s32 v7;
	vm0 =	vle.f32 v8, $1.000000000e+00;
	v13 =	vshll.u32 v13, $0x4;
	[tilespmem:v20+s18+$0x0] =	vst.idx.add.f32.msk vm3, v1  }
0xbe: {  	v5 =	vand.u32 $0x7FFFFFFF, v5;
	v8 =	vcvt.f32.s32 v12;
	[tilespmem:v9+s18+$0x0] =	vst.idx.add.f32.msk vm2, v1;
	v9 =	vor.u32 v2, v13  }
0xbf: {  	v3 =	vand.u32 $0x7FFFFFFF, v3;
	v6 =	vtrunc.f32 v6;
	v7 =	vshll.u32 v7, $0x4;
	[tilespmem:v11+s18+$0x0] =	vst.idx.add.f32.msk vm5, v1  }
0xc0: {  	v6 =	vcvt.f32.s32 v6;
	v7 =	vor.u32 v2, v7;
	v8 =	vshll.u32 v8, $0x4  }
0xc1: {  	vm3 =	vle.f32 v3, $1.000000000e+00;
	vm2 =	vle.f32 v5, $1.000000000e+00;
	v3 =	vor.u32 v2, v8;
	[tilespmem:v14+s18+$0x0] =	vst.idx.add.f32.msk vm6, v1  }
0xc2: {  	vm4 =	vle.f32 v4, $1.000000000e+00;
	v4 =	vshll.u32 v6, $0x4;
	[tilespmem:v23+s18+$0x0] =	vst.idx.add.f32.msk vm7, v1  }
0xc3: {  	v4 =	vor.u32 v2, v4;
	[tilespmem:v17+s18+$0x0] =	vst.idx.add.f32.msk vm8, v1  }
0xc4: {  	[tilespmem:v9+s18+$0x0] =	vst.idx.add.f32.msk vm9, v1  }
0xc5: {  	[tilespmem:v19+s18+$0x0] =	vst.idx.add.f32.msk vm1, v1  }
0xc6: {  	[tilespmem:v10+s18+$0x0] =	vst.idx.add.f32.msk vm0, v1  }
0xc7: {  	[tilespmem:v3+s18+$0x0] =	vst.idx.add.f32.msk vm2, v1  }
0xc8: {  	[tilespmem:v7+s18+$0x0] =	vst.idx.add.f32.msk vm3, v1  }
0xc9: {  	s30 =	sshra.s32 s30, $0x2;
	[tilespmem:v4+s18+$0x0] =	vst.idx.add.f32.msk vm4, v1  }
0xca: {  	v3 =	vld [tilespmem:s30+$0x8000]  }
0xcb: {  	v4 =	vld [tilespmem:s30+$0x8010]  }
0xcc: {  	v5 =	vld [tilespmem:s30+$0x8020]  }
0xcd: {  	v6 =	vld [tilespmem:s30+$0x8030]  }
0xce: {  	v8 =	vld [tilespmem:s30+$0x8040]  }
0xcf: {  	v7 =	vld [tilespmem:s30+$0x8050];
	v9 =	vmul.f32 $1.280000000e+02, v3;
	v3 =	vand.u32 $0x7FFFFFFF, v3  }
0xd0: {  	vm5 =	vle.f32 v3, $1.000000000e+00;
	v3 =	vmul.f32 $1.280000000e+02, v4;
	v4 =	vand.u32 $0x7FFFFFFF, v4  }
0xd1: {  	v9 =	vadd.f32 $1.280000000e+02, v9;
	vm1 =	vle.f32 v4, $1.000000000e+00;
	v4 =	vmul.f32 $1.280000000e+02, v5  }
0xd2: {  	v10 =	vld [tilespmem:s30+$0x80F0];
	v11 =	vadd.f32 $1.280000000e+02, v3;
	v12 =	vmul.f32 $1.280000000e+02, v6;
	v3 =	vand.u32 $0x7FFFFFFF, v6  }
0xd3: {  	v13 =	vld [tilespmem:s30+$0x8060];
	v6 =	vtrunc.f32 v9;
	v4 =	vadd.f32 $1.280000000e+02, v4;
	vm0 =	vle.f32 v3, $1.000000000e+00  }
0xd4: {  	v9 =	vand.u32 $0x7FFFFFFF, v5;
	v3 =	vld [tilespmem:s30+$0x80E0];
	v6 =	vcvt.f32.s32 v6;
	v12 =	vadd.f32 $1.280000000e+02, v12  }
0xd5: {  	v14 =	vand.u32 $0x7FFFFFFF, v8;
	v11 =	vtrunc.f32 v11;
	v15 =	vand.u32 $0x7FFFFFFF, v7;
	v5 =	vld [tilespmem:s30+$0x80D0]  }
0xd6: {  	v17 =	vtrunc.f32 v4;
	vm2 =	vle.f32 v15, $1.000000000e+00;
	v16 =	vld [tilespmem:s30+$0x8070];
	v6 =	vshll.u32 v6, $0x4  }
0xd7: {  	v7 =	vmul.f32 $1.280000000e+02, v7;
	v19 =	vld [tilespmem:s30+$0x80C0];
	v4 =	vand.u32 $0x7FFFFFFF, v10;
	v15 =	vor.u32 v2, v6  }
0xd8: {  	vm3 =	vle.f32 v14, $1.000000000e+00;
	v18 =	vtrunc.f32 v12;
	v6 =	vmul.f32 $1.280000000e+02, v10;
	v20 =	vld [tilespmem:s30+$0x80B0]  }
0xd9: {  	vm4 =	vle.f32 v9, $1.000000000e+00;
	v9 =	vadd.f32 $1.280000000e+02, v7;
	v10 =	vcvt.f32.s32 v17;
	v21 =	vld [tilespmem:s30+$0x80A0]  }
0xda: {  	v12 =	vmul.f32 $1.280000000e+02, v13;
	v7 =	vmul.f32 $1.280000000e+02, v3;
	v6 =	vadd.f32 $1.280000000e+02, v6;
	v22 =	vld [tilespmem:s30+$0x8080]  }
0xdb: {  	v17 =	vmul.f32 $1.280000000e+02, v8;
	v8 =	vtrunc.f32 v9;
	v14 =	vshll.u32 v10, $0x4;
	v23 =	vld [tilespmem:s30+$0x8090]  }
0xdc: {  	v9 =	vcvt.f32.s32 v8;
	v12 =	vadd.f32 $1.280000000e+02, v12;
	v24 =	vmul.f32 $1.280000000e+02, v5;
	[tilespmem:v15+s18+$0x0] =	vst.idx.add.f32.msk vm5, v1  }
0xdd: {  	v15 =	vand.u32 $0x7FFFFFFF, v13;
	v8 =	vand.u32 $0x7FFFFFFF, v19;
	v10 =	vand.u32 $0x7FFFFFFF, v20  }
0xde: {  	v9 =	vshll.u32 v9, $0x4;
	v13 =	vtrunc.f32 v12;
	v12 =	vadd.f32 $1.280000000e+02, v24  }
0xdf: {  	v18 =	vcvt.f32.s32 v18;
	v9 =	vor.u32 v2, v9;
	v24 =	vcvt.f32.s32 v13  }
0xe0: {  	v25 =	vcvt.f32.s32 v11;
	v17 =	vadd.f32 $1.280000000e+02, v17;
	v13 =	vor.u32 v2, v14  }
0xe1: {  	vm5 =	vle.f32 v15, $1.000000000e+00;
	v11 =	vshll.u32 v24, $0x4;
	v24 =	vmul.f32 $1.280000000e+02, v16  }
0xe2: {  	v14 =	vshll.u32 v18, $0x4;
	v15 =	vmul.f32 $1.280000000e+02, v23;
	v11 =	vor.u32 v2, v11  }
0xe3: {  	v14 =	vor.u32 v2, v14;
	v16 =	vand.u32 $0x7FFFFFFF, v16;
	v18 =	vmul.f32 $1.280000000e+02, v22  }
0xe4: {  	v26 =	vtrunc.f32 v17;
	vm6 =	vle.f32 v16, $1.000000000e+00;
	v16 =	vadd.f32 $1.280000000e+02, v15  }
0xe5: {  	v17 =	vshll.u32 v25, $0x4;
	v25 =	vadd.f32 $1.280000000e+02, v18;
	v15 =	vmul.f32 $1.280000000e+02, v21  }
.Ltmp2:
0xe6: {  	v20 =	vmul.f32 $1.280000000e+02, v20;
	v18 =	vadd.f32 $1.280000000e+02, v24;
	v24 =	vtrunc.f32 v16;
	(pc) =	sbr.rel @p0 .LBB2_7-.Ltmp2, $4  }
0xe7: {  	v22 =	vand.u32 $0x7FFFFFFF, v22;
	v25 =	vtrunc.f32 v25;
	v16 =	vand.u32 $0x7FFFFFFF, v21  }
0xe8: {  	v27 =	vadd.f32 $1.280000000e+02, v20;
	v20 =	vmul.f32 $1.280000000e+02, v19;
	v25 =	vcvt.f32.s32 v25  }
0xe9: {  	vm7 =	vle.f32 v22, $1.000000000e+00;
	v19 =	vand.u32 $0x7FFFFFFF, v23;
	v21 =	vcvt.f32.s32 v24  }
0xea: {  	v22 =	vcvt.f32.s32 v26;
	v24 =	vtrunc.f32 v27;
	v23 =	vshll.u32 v25, $0x4  }
0xeb: {  	v24 =	vcvt.f32.s32 v24;
	v17 =	vor.u32 v2, v17  }
0xec: {  	v23 =	vor.u32 v2, v23;
	v18 =	vtrunc.f32 v18;
	v21 =	vshll.u32 v21, $0x4  }
0xed: {  	v20 =	vadd.f32 $1.280000000e+02, v20;
	vm8 =	vle.f32 v19, $1.000000000e+00;
	v15 =	vadd.f32 $1.280000000e+02, v15  }
0xee: {  	vm9 =	vle.f32 v16, $1.000000000e+00;
	v7 =	vadd.f32 $1.280000000e+02, v7;
	v22 =	vshll.u32 v22, $0x4  }
0xef: {  	v12 =	vtrunc.f32 v12;
	v18 =	vcvt.f32.s32 v18;
	v22 =	vor.u32 v2, v22  }
0xf0: {  	vm11 =	vle.f32 v10, $1.000000000e+00;
	vm12 =	vle.f32 v8, $1.000000000e+00;
	v5 =	vand.u32 $0x7FFFFFFF, v5  }
0xf1: {  	v3 =	vand.u32 $0x7FFFFFFF, v3;
	v15 =	vtrunc.f32 v15;
	v54 =	vshll.u32 v18, $0x4;
	[tilespmem:v17+s18+$0x0] =	vst.idx.add.f32.msk vm1, v1  }
0xf2: {  	v6 =	vtrunc.f32 v6;
	v57 =	vcvt.f32.s32 v15;
	v58 =	vor.u32 v2, v54;
	[tilespmem:v13+s18+$0x0] =	vst.idx.add.f32.msk vm4, v1  }
0xf3: {  	v56 =	vor.u32 v2, v21;
	v60 =	vcvt.f32.s32 v12;
	v20 =	vtrunc.f32 v20;
	[tilespmem:v14+s18+$0x0] =	vst.idx.add.f32.msk vm0, v1  }
0xf4: {  	v6 =	vcvt.f32.s32 v6;
	v55 =	vcvt.f32.s32 v20;
	v13 =	vshll.u32 v57, $0x4;
	[tilespmem:v22+s18+$0x0] =	vst.idx.add.f32.msk vm3, v1  }
0xf5: {  	v24 =	vshll.u32 v24, $0x4;
	v7 =	vtrunc.f32 v7;
	v61 =	vor.u32 v2, v13;
	[tilespmem:v9+s18+$0x0] =	vst.idx.add.f32.msk vm2, v1  }
0xf6: {  	v53 =	vor.u32 v2, v24;
	v7 =	vcvt.f32.s32 v7;
	v59 =	vshll.u32 v55, $0x4;
	[tilespmem:v11+s18+$0x0] =	vst.idx.add.f32.msk vm5, v1  }
0xf7: {  	vm13 =	vle.f32 v5, $1.000000000e+00;
	v8 =	vshll.u32 v60, $0x4;
	v10 =	vor.u32 v2, v59;
	[tilespmem:v58+s18+$0x0] =	vst.idx.add.f32.msk vm6, v1  }
0xf8: {  	vm14 =	vle.f32 v3, $1.000000000e+00;
	v3 =	vor.u32 v2, v8;
	v62 =	vshll.u32 v7, $0x4;
	[tilespmem:v23+s18+$0x0] =	vst.idx.add.f32.msk vm7, v1  }
0xf9: {  	vm15 =	vle.f32 v4, $1.000000000e+00;
	v63 =	vshll.u32 v6, $0x4;
	v5 =	vor.u32 v2, v62;
	[tilespmem:v56+s18+$0x0] =	vst.idx.add.f32.msk vm8, v1  }
0xfa: {  	s26 =	sadd.s32 $0x1, s26;
	v4 =	vor.u32 v2, v63;
	[tilespmem:v61+s18+$0x0] =	vst.idx.add.f32.msk vm9, v1  }
0xfb: {  	p0 =	sne.s32 s26, $0x4;
	[tilespmem:v53+s18+$0x0] =	vst.idx.add.f32.msk vm11, v1  }
.Ltmp3:
0xfc: {  	[tilespmem:v10+s18+$0x0] =	vst.idx.add.f32.msk vm12, v1;
	(pc) =	sbr.rel @p0 .LBB2_4-.Ltmp3, $4  }
0xfd: {  	s28 =	sadd.s32 s28, s7;
	[tilespmem:v3+s18+$0x0] =	vst.idx.add.f32.msk vm13, v1  }
0xfe: {  	s28 =	sshrl.u32 s28, $0x3;
	[tilespmem:v5+s18+$0x0] =	vst.idx.add.f32.msk vm14, v1  }
0xff: {  	s29 =	sadd.s32 s2, s28;
	s28 =	simm.s32 $0x0;
	[tilespmem:v4+s18+$0x0] =	vst.idx.add.f32.msk vm15, v1  }
0x100: {  	[tilespmem:s16], [sflag:$0x2] =	stream.linear.gather [hbm4b:s29+s28], $0x8000, $0x38;
	[tilespmem:$0x13180] =	vst v63  }
.LBB2_9:
0x101: {  	_ =	swait.ge [sflag:s17], $0x8000  }
0x102: {  	[sflag:s17] =	ssyncset.done $0x0  }
0x103: {  	s26 =	simm.s32 $0x0;
	[sflag:s17] =	ssyncadd.s32 $0xFFFF8000  }
0x104: {  	v3 =	vld [tilespmem:s26+$0x0]  }
0x105: {  	v4 =	vld [tilespmem:s26+$0x10]  }
0x106: {  	v8 =	vld [tilespmem:s26+$0x40]  }
0x107: {  	v9 =	vld [tilespmem:s26+$0x50]  }
0x108: {  	v12 =	vld [tilespmem:s26+$0x60];
	_ =	sdelay $0x1  }
0x109: {  	v17 =	vld [tilespmem:s26+$0x70]  }
0x10a: {  	v7 =	vmul.f32 $1.280000000e+02, v3;
	v3 =	vand.u32 $0x7FFFFFFF, v3  }
0x10b: {  	v5 =	vld [tilespmem:s26+$0x20];
	v14 =	vand.u32 $0x7FFFFFFF, v8;
	v15 =	vand.u32 $0x7FFFFFFF, v9;
	v9 =	vmul.f32 $1.280000000e+02, v9  }
0x10c: {  	v6 =	vld [tilespmem:s26+$0x30];
	v21 =	vand.u32 $0x7FFFFFFF, v12;
	vm8 =	vle.f32 v3, $1.000000000e+00;
	v3 =	vmul.f32 $1.280000000e+02, v4  }
0x10d: {  	v4 =	vand.u32 $0x7FFFFFFF, v4;
	vm2 =	vle.f32 v15, $1.000000000e+00;
	vm3 =	vle.f32 v14, $1.000000000e+00  }
0x10e: {  	v14 =	vmul.f32 $1.280000000e+02, v12;
	vm5 =	vle.f32 v21, $1.000000000e+00;
	v21 =	vmul.f32 $1.280000000e+02, v17  }
0x10f: {  	v17 =	vand.u32 $0x7FFFFFFF, v17;
	v7 =	vadd.f32 $1.280000000e+02, v7;
	vm1 =	vle.f32 v4, $1.000000000e+00  }
0x110: {  	v10 =	vld [tilespmem:s26+$0xF0];
	v4 =	vmul.f32 $1.280000000e+02, v5;
	v9 =	vadd.f32 $1.280000000e+02, v9;
	vm6 =	vle.f32 v17, $1.000000000e+00  }
0x111: {  	v11 =	vadd.f32 $1.280000000e+02, v3;
	v3 =	vmul.f32 $1.280000000e+02, v6;
	v6 =	vand.u32 $0x7FFFFFFF, v6  }
0x112: {  	v14 =	vadd.f32 $1.280000000e+02, v14;
	v7 =	vtrunc.f32 v7;
	v4 =	vadd.f32 $1.280000000e+02, v4  }
0x113: {  	vm0 =	vle.f32 v6, $1.000000000e+00;
	v6 =	vcvt.f32.s32 v7;
	v7 =	vand.u32 $0x7FFFFFFF, v5  }
0x114: {  	v19 =	vld [tilespmem:s26+$0xC0];
	v13 =	vadd.f32 $1.280000000e+02, v3;
	v11 =	vtrunc.f32 v11;
	v14 =	vtrunc.f32 v14  }
0x115: {  	v5 =	vld [tilespmem:s26+$0xD0];
	v16 =	vtrunc.f32 v4;
	v4 =	vand.u32 $0x7FFFFFFF, v10;
	v14 =	vcvt.f32.s32 v14  }
0x116: {  	v3 =	vld [tilespmem:s26+$0xE0];
	v25 =	vcvt.f32.s32 v11;
	v6 =	vshll.u32 v6, $0x4;
	v13 =	vtrunc.f32 v13  }
0x117: {  	v18 =	vld [tilespmem:s26+$0xB0];
	v22 =	vor.u32 v2, v6;
	v6 =	vmul.f32 $1.280000000e+02, v10;
	v10 =	vcvt.f32.s32 v16  }
0x118: {  	v23 =	vld [tilespmem:s26+$0x90];
	vm4 =	vle.f32 v7, $1.000000000e+00;
	v16 =	vmul.f32 $1.280000000e+02, v8;
	v8 =	vtrunc.f32 v9  }
0x119: {  	v24 =	vld [tilespmem:s26+$0x80];
	v11 =	vshll.u32 v14, $0x4;
	v17 =	vshll.u32 v25, $0x4;
	v9 =	vcvt.f32.s32 v8  }
0x11a: {  	v8 =	vand.u32 $0x7FFFFFFF, v19;
	v11 =	vor.u32 v2, v11;
	v20 =	vmul.f32 $1.280000000e+02, v5  }
0x11b: {  	v7 =	vmul.f32 $1.280000000e+02, v3;
	v6 =	vadd.f32 $1.280000000e+02, v6;
	v15 =	vshll.u32 v10, $0x4  }
0x11c: {  	v10 =	vand.u32 $0x7FFFFFFF, v18;
	v12 =	vadd.f32 $1.280000000e+02, v20;
	v20 =	vcvt.f32.s32 v13  }
0x11d: {  	v26 =	vld [tilespmem:s26+$0xA0];
	v16 =	vadd.f32 $1.280000000e+02, v16;
	v13 =	vor.u32 v2, v15;
	v15 =	vmul.f32 $1.280000000e+02, v23  }
0x11e: {  	v9 =	vshll.u32 v9, $0x4;
	v14 =	vshll.u32 v20, $0x4;
	v20 =	vmul.f32 $1.280000000e+02, v24  }
0x11f: {  	v9 =	vor.u32 v2, v9;
	v27 =	vtrunc.f32 v16;
	v16 =	vadd.f32 $1.280000000e+02, v15  }
0x120: {  	v15 =	vand.u32 $0x7FFFFFFF, v24;
	v24 =	vmul.f32 $1.280000000e+02, v18;
	v20 =	vadd.f32 $1.280000000e+02, v20  }
0x121: {  	[tilespmem:v22+s20+$0x0] =	vst.idx.add.f32.msk vm8, v1;
	v22 =	vcvt.f32.s32 v27;
	v18 =	vadd.f32 $1.280000000e+02, v21;
	vm7 =	vle.f32 v15, $1.000000000e+00  }
0x122: {  	v15 =	vmul.f32 $1.280000000e+02, v26;
	v24 =	vadd.f32 $1.280000000e+02, v24;
	v20 =	vtrunc.f32 v20  }
0x123: {  	v14 =	vor.u32 v2, v14;
	v21 =	vtrunc.f32 v16;
	v25 =	vcvt.f32.s32 v20  }
0x124: {  	v16 =	vand.u32 $0x7FFFFFFF, v26;
	v21 =	vcvt.f32.s32 v21;
	v24 =	vtrunc.f32 v24  }
0x125: {  	s26 =	simm.s32 $0x400;
	v20 =	vmul.f32 $1.280000000e+02, v19;
	v19 =	vand.u32 $0x7FFFFFFF, v23;
	v23 =	vshll.u32 v25, $0x4  }
.LBB2_10:
0x126: {  	p0 =	sne.s32 s26, $0x1FC00;
	v24 =	vcvt.f32.s32 v24;
	v17 =	vor.u32 v2, v17;
	v23 =	vor.u32 v2, v23;
	s29 =	smov.u32 s26;
	s26 =	sadd.s32 $0x400, s26  }
0x127: {  	v18 =	vtrunc.f32 v18;
	v21 =	vshll.u32 v21, $0x4;
	v20 =	vadd.f32 $1.280000000e+02, v20  }
0x128: {  	v22 =	vshll.u32 v22, $0x4;
	v18 =	vcvt.f32.s32 v18;
	v24 =	vshll.u32 v24, $0x4  }
0x129: {  	vm8 =	vle.f32 v19, $1.000000000e+00;
	v15 =	vadd.f32 $1.280000000e+02, v15;
	v19 =	vor.u32 v2, v24  }
0x12a: {  	vm9 =	vle.f32 v16, $1.000000000e+00;
	v16 =	vtrunc.f32 v20;
	v20 =	vor.u32 v2, v22  }
0x12b: {  	v18 =	vshll.u32 v18, $0x4;
	v16 =	vcvt.f32.s32 v16;
	[tilespmem:v17+s20+$0x0] =	vst.idx.add.f32.msk vm1, v1;
	v17 =	vor.u32 v2, v21  }
0x12c: {  	v12 =	vtrunc.f32 v12;
	v7 =	vadd.f32 $1.280000000e+02, v7;
	v15 =	vtrunc.f32 v15;
	[tilespmem:v13+s20+$0x0] =	vst.idx.add.f32.msk vm4, v1  }
0x12d: {  	vm1 =	vle.f32 v10, $1.000000000e+00;
	v10 =	vshll.u32 v16, $0x4;
	v13 =	vcvt.f32.s32 v15;
	[tilespmem:v14+s20+$0x0] =	vst.idx.add.f32.msk vm0, v1  }
0x12e: {  	v7 =	vtrunc.f32 v7;
	v10 =	vor.u32 v2, v10;
	v14 =	vor.u32 v2, v18  }
0x12f: {  	v7 =	vcvt.f32.s32 v7;
	vm0 =	vle.f32 v8, $1.000000000e+00;
	v13 =	vshll.u32 v13, $0x4;
	[tilespmem:v20+s20+$0x0] =	vst.idx.add.f32.msk vm3, v1  }
0x130: {  	v5 =	vand.u32 $0x7FFFFFFF, v5;
	v8 =	vcvt.f32.s32 v12;
	[tilespmem:v9+s20+$0x0] =	vst.idx.add.f32.msk vm2, v1;
	v9 =	vor.u32 v2, v13  }
0x131: {  	v3 =	vand.u32 $0x7FFFFFFF, v3;
	v6 =	vtrunc.f32 v6;
	v7 =	vshll.u32 v7, $0x4;
	[tilespmem:v11+s20+$0x0] =	vst.idx.add.f32.msk vm5, v1  }
0x132: {  	v6 =	vcvt.f32.s32 v6;
	v7 =	vor.u32 v2, v7;
	v8 =	vshll.u32 v8, $0x4  }
0x133: {  	vm3 =	vle.f32 v3, $1.000000000e+00;
	vm2 =	vle.f32 v5, $1.000000000e+00;
	v3 =	vor.u32 v2, v8;
	[tilespmem:v14+s20+$0x0] =	vst.idx.add.f32.msk vm6, v1  }
0x134: {  	vm4 =	vle.f32 v4, $1.000000000e+00;
	v4 =	vshll.u32 v6, $0x4;
	[tilespmem:v23+s20+$0x0] =	vst.idx.add.f32.msk vm7, v1  }
0x135: {  	v4 =	vor.u32 v2, v4;
	[tilespmem:v17+s20+$0x0] =	vst.idx.add.f32.msk vm8, v1  }
0x136: {  	[tilespmem:v9+s20+$0x0] =	vst.idx.add.f32.msk vm9, v1  }
0x137: {  	[tilespmem:v19+s20+$0x0] =	vst.idx.add.f32.msk vm1, v1  }
0x138: {  	[tilespmem:v10+s20+$0x0] =	vst.idx.add.f32.msk vm0, v1  }
0x139: {  	[tilespmem:v3+s20+$0x0] =	vst.idx.add.f32.msk vm2, v1  }
0x13a: {  	[tilespmem:v7+s20+$0x0] =	vst.idx.add.f32.msk vm3, v1  }
0x13b: {  	s29 =	sshra.s32 s29, $0x2;
	[tilespmem:v4+s20+$0x0] =	vst.idx.add.f32.msk vm4, v1  }
0x13c: {  	v3 =	vld [tilespmem:s29+$0x0]  }
0x13d: {  	v4 =	vld [tilespmem:s29+$0x10]  }
0x13e: {  	v5 =	vld [tilespmem:s29+$0x20]  }
0x13f: {  	v6 =	vld [tilespmem:s29+$0x30]  }
0x140: {  	v8 =	vld [tilespmem:s29+$0x40]  }
0x141: {  	v7 =	vld [tilespmem:s29+$0x50];
	v9 =	vmul.f32 $1.280000000e+02, v3;
	v3 =	vand.u32 $0x7FFFFFFF, v3  }
0x142: {  	vm5 =	vle.f32 v3, $1.000000000e+00;
	v3 =	vmul.f32 $1.280000000e+02, v4;
	v4 =	vand.u32 $0x7FFFFFFF, v4  }
0x143: {  	v9 =	vadd.f32 $1.280000000e+02, v9;
	vm1 =	vle.f32 v4, $1.000000000e+00;
	v4 =	vmul.f32 $1.280000000e+02, v5  }
0x144: {  	v10 =	vld [tilespmem:s29+$0xF0];
	v11 =	vadd.f32 $1.280000000e+02, v3;
	v12 =	vmul.f32 $1.280000000e+02, v6;
	v3 =	vand.u32 $0x7FFFFFFF, v6  }
0x145: {  	v13 =	vld [tilespmem:s29+$0x60];
	v6 =	vtrunc.f32 v9;
	v4 =	vadd.f32 $1.280000000e+02, v4;
	vm0 =	vle.f32 v3, $1.000000000e+00  }
0x146: {  	v9 =	vand.u32 $0x7FFFFFFF, v5;
	v3 =	vld [tilespmem:s29+$0xE0];
	v6 =	vcvt.f32.s32 v6;
	v12 =	vadd.f32 $1.280000000e+02, v12  }
0x147: {  	v14 =	vand.u32 $0x7FFFFFFF, v8;
	v11 =	vtrunc.f32 v11;
	v15 =	vand.u32 $0x7FFFFFFF, v7;
	v5 =	vld [tilespmem:s29+$0xD0]  }
0x148: {  	v17 =	vtrunc.f32 v4;
	vm2 =	vle.f32 v15, $1.000000000e+00;
	v16 =	vld [tilespmem:s29+$0x70];
	v6 =	vshll.u32 v6, $0x4  }
0x149: {  	v7 =	vmul.f32 $1.280000000e+02, v7;
	v19 =	vld [tilespmem:s29+$0xC0];
	v4 =	vand.u32 $0x7FFFFFFF, v10;
	v15 =	vor.u32 v2, v6  }
0x14a: {  	vm3 =	vle.f32 v14, $1.000000000e+00;
	v18 =	vtrunc.f32 v12;
	v6 =	vmul.f32 $1.280000000e+02, v10;
	v20 =	vld [tilespmem:s29+$0xB0]  }
0x14b: {  	vm4 =	vle.f32 v9, $1.000000000e+00;
	v9 =	vadd.f32 $1.280000000e+02, v7;
	v10 =	vcvt.f32.s32 v17;
	v21 =	vld [tilespmem:s29+$0xA0]  }
0x14c: {  	v12 =	vmul.f32 $1.280000000e+02, v13;
	v7 =	vmul.f32 $1.280000000e+02, v3;
	v6 =	vadd.f32 $1.280000000e+02, v6;
	v22 =	vld [tilespmem:s29+$0x80]  }
0x14d: {  	v17 =	vmul.f32 $1.280000000e+02, v8;
	v8 =	vtrunc.f32 v9;
	v14 =	vshll.u32 v10, $0x4;
	v23 =	vld [tilespmem:s29+$0x90]  }
0x14e: {  	v9 =	vcvt.f32.s32 v8;
	v12 =	vadd.f32 $1.280000000e+02, v12;
	v24 =	vmul.f32 $1.280000000e+02, v5;
	[tilespmem:v15+s20+$0x0] =	vst.idx.add.f32.msk vm5, v1  }
0x14f: {  	v15 =	vand.u32 $0x7FFFFFFF, v13;
	v8 =	vand.u32 $0x7FFFFFFF, v19;
	v10 =	vand.u32 $0x7FFFFFFF, v20  }
0x150: {  	v9 =	vshll.u32 v9, $0x4;
	v13 =	vtrunc.f32 v12;
	v12 =	vadd.f32 $1.280000000e+02, v24  }
0x151: {  	v18 =	vcvt.f32.s32 v18;
	v9 =	vor.u32 v2, v9;
	v24 =	vcvt.f32.s32 v13  }
0x152: {  	v25 =	vcvt.f32.s32 v11;
	v17 =	vadd.f32 $1.280000000e+02, v17;
	v13 =	vor.u32 v2, v14  }
0x153: {  	vm5 =	vle.f32 v15, $1.000000000e+00;
	v11 =	vshll.u32 v24, $0x4;
	v24 =	vmul.f32 $1.280000000e+02, v16  }
0x154: {  	v14 =	vshll.u32 v18, $0x4;
	v15 =	vmul.f32 $1.280000000e+02, v23;
	v11 =	vor.u32 v2, v11  }
0x155: {  	v14 =	vor.u32 v2, v14;
	v16 =	vand.u32 $0x7FFFFFFF, v16;
	v18 =	vmul.f32 $1.280000000e+02, v22  }
0x156: {  	v26 =	vtrunc.f32 v17;
	vm6 =	vle.f32 v16, $1.000000000e+00;
	v16 =	vadd.f32 $1.280000000e+02, v15  }
0x157: {  	v17 =	vshll.u32 v25, $0x4;
	v25 =	vadd.f32 $1.280000000e+02, v18;
	v15 =	vmul.f32 $1.280000000e+02, v21  }
.Ltmp4:
0x158: {  	v20 =	vmul.f32 $1.280000000e+02, v20;
	v18 =	vadd.f32 $1.280000000e+02, v24;
	v24 =	vtrunc.f32 v16;
	(pc) =	sbr.rel @p0 .LBB2_10-.Ltmp4, $4  }
0x159: {  	v22 =	vand.u32 $0x7FFFFFFF, v22;
	v25 =	vtrunc.f32 v25;
	v16 =	vand.u32 $0x7FFFFFFF, v21  }
0x15a: {  	v27 =	vadd.f32 $1.280000000e+02, v20;
	v20 =	vmul.f32 $1.280000000e+02, v19;
	v25 =	vcvt.f32.s32 v25  }
0x15b: {  	vm7 =	vle.f32 v22, $1.000000000e+00;
	v19 =	vand.u32 $0x7FFFFFFF, v23;
	v21 =	vcvt.f32.s32 v24  }
0x15c: {  	v22 =	vcvt.f32.s32 v26;
	v24 =	vtrunc.f32 v27;
	v23 =	vshll.u32 v25, $0x4  }
0x15d: {  	v24 =	vcvt.f32.s32 v24;
	v17 =	vor.u32 v2, v17  }
0x15e: {  	v23 =	vor.u32 v2, v23;
	v18 =	vtrunc.f32 v18;
	v21 =	vshll.u32 v21, $0x4  }
0x15f: {  	v20 =	vadd.f32 $1.280000000e+02, v20;
	vm8 =	vle.f32 v19, $1.000000000e+00;
	v15 =	vadd.f32 $1.280000000e+02, v15  }
0x160: {  	vm9 =	vle.f32 v16, $1.000000000e+00;
	v7 =	vadd.f32 $1.280000000e+02, v7;
	v22 =	vshll.u32 v22, $0x4  }
0x161: {  	v12 =	vtrunc.f32 v12;
	v18 =	vcvt.f32.s32 v18;
	v22 =	vor.u32 v2, v22  }
0x162: {  	v5 =	vand.u32 $0x7FFFFFFF, v5;
	v3 =	vand.u32 $0x7FFFFFFF, v3;
	v6 =	vtrunc.f32 v6  }
0x163: {  	v6 =	vcvt.f32.s32 v6;
	v15 =	vtrunc.f32 v15;
	v16 =	vshll.u32 v18, $0x4;
	[tilespmem:v17+s20+$0x0] =	vst.idx.add.f32.msk vm1, v1  }
0x164: {  	v20 =	vtrunc.f32 v20;
	[tilespmem:v13+s20+$0x0] =	vst.idx.add.f32.msk vm4, v1;
	v13 =	vcvt.f32.s32 v15;
	v15 =	vor.u32 v2, v16  }
0x165: {  	v24 =	vshll.u32 v24, $0x4;
	v7 =	vtrunc.f32 v7;
	v18 =	vcvt.f32.s32 v20;
	[tilespmem:v14+s20+$0x0] =	vst.idx.add.f32.msk vm0, v1  }
0x166: {  	v17 =	vor.u32 v2, v21;
	vm1 =	vle.f32 v10, $1.000000000e+00;
	v13 =	vshll.u32 v13, $0x4;
	[tilespmem:v22+s20+$0x0] =	vst.idx.add.f32.msk vm3, v1  }
0x167: {  	vm0 =	vle.f32 v8, $1.000000000e+00;
	v8 =	vcvt.f32.s32 v12;
	[tilespmem:v9+s20+$0x0] =	vst.idx.add.f32.msk vm2, v1;
	v9 =	vor.u32 v2, v13  }
0x168: {  	v19 =	vor.u32 v2, v24;
	v7 =	vcvt.f32.s32 v7;
	v10 =	vshll.u32 v18, $0x4;
	[tilespmem:v11+s20+$0x0] =	vst.idx.add.f32.msk vm5, v1  }
0x169: {  	v10 =	vor.u32 v2, v10;
	v8 =	vshll.u32 v8, $0x4;
	vm2 =	vle.f32 v5, $1.000000000e+00;
	[tilespmem:v15+s20+$0x0] =	vst.idx.add.f32.msk vm6, v1  }
0x16a: {  	vm3 =	vle.f32 v3, $1.000000000e+00;
	v5 =	vshll.u32 v7, $0x4;
	v3 =	vor.u32 v2, v8;
	[tilespmem:v23+s20+$0x0] =	vst.idx.add.f32.msk vm7, v1  }
0x16b: {  	vm4 =	vle.f32 v4, $1.000000000e+00;
	v4 =	vshll.u32 v6, $0x4;
	v5 =	vor.u32 v2, v5;
	[tilespmem:v17+s20+$0x0] =	vst.idx.add.f32.msk vm8, v1  }
0x16c: {  	v4 =	vor.u32 v2, v4;
	[tilespmem:v9+s20+$0x0] =	vst.idx.add.f32.msk vm9, v1  }
0x16d: {  	[tilespmem:v19+s20+$0x0] =	vst.idx.add.f32.msk vm1, v1  }
0x16e: {  	s26 =	sshll.u32 s28, $0x10;
	[tilespmem:v10+s20+$0x0] =	vst.idx.add.f32.msk vm0, v1  }
0x16f: {  	s29 =	sadd.s32 s26, s8;
	[tilespmem:v3+s20+$0x0] =	vst.idx.add.f32.msk vm2, v1  }
0x170: {  	s29 =	sshrl.u32 s29, $0x3;
	[tilespmem:v5+s20+$0x0] =	vst.idx.add.f32.msk vm3, v1  }
0x171: {  	s30 =	simm.s32 $0x0;
	s29 =	sadd.s32 s2, s29;
	[tilespmem:v4+s20+$0x0] =	vst.idx.add.f32.msk vm4, v1  }
0x172: {  	[tilespmem:s30], [sflag:$0x1] =	stream.linear.gather [hbm4b:s29+s30], $0x8000, $0x38;
	[tilespmem:$0x13180] =	vst v63  }
0x173: {  	_ =	swait.ge [sflag:s19], $0x8000  }
0x174: {  	[sflag:s19] =	ssyncset.done $0x0  }
0x175: {  	s29 =	simm.s32 $0x0;
	[sflag:s19] =	ssyncadd.s32 $0xFFFF8000  }
0x176: {  	v3 =	vld [tilespmem:s29+$0x8000]  }
0x177: {  	v4 =	vld [tilespmem:s29+$0x8010]  }
0x178: {  	v8 =	vld [tilespmem:s29+$0x8040]  }
0x179: {  	v9 =	vld [tilespmem:s29+$0x8050]  }
0x17a: {  	v12 =	vld [tilespmem:s29+$0x8060];
	_ =	sdelay $0x1  }
0x17b: {  	v17 =	vld [tilespmem:s29+$0x8070]  }
0x17c: {  	v7 =	vmul.f32 $1.280000000e+02, v3;
	v3 =	vand.u32 $0x7FFFFFFF, v3  }
0x17d: {  	v5 =	vld [tilespmem:s29+$0x8020];
	v14 =	vand.u32 $0x7FFFFFFF, v8;
	v15 =	vand.u32 $0x7FFFFFFF, v9;
	v9 =	vmul.f32 $1.280000000e+02, v9  }
0x17e: {  	v6 =	vld [tilespmem:s29+$0x8030];
	v21 =	vand.u32 $0x7FFFFFFF, v12;
	vm8 =	vle.f32 v3, $1.000000000e+00;
	v3 =	vmul.f32 $1.280000000e+02, v4  }
0x17f: {  	v4 =	vand.u32 $0x7FFFFFFF, v4;
	vm2 =	vle.f32 v15, $1.000000000e+00;
	vm3 =	vle.f32 v14, $1.000000000e+00  }
0x180: {  	v14 =	vmul.f32 $1.280000000e+02, v12;
	vm5 =	vle.f32 v21, $1.000000000e+00;
	v21 =	vmul.f32 $1.280000000e+02, v17  }
0x181: {  	v17 =	vand.u32 $0x7FFFFFFF, v17;
	v7 =	vadd.f32 $1.280000000e+02, v7;
	vm1 =	vle.f32 v4, $1.000000000e+00  }
0x182: {  	v10 =	vld [tilespmem:s29+$0x80F0];
	v4 =	vmul.f32 $1.280000000e+02, v5;
	v9 =	vadd.f32 $1.280000000e+02, v9;
	vm6 =	vle.f32 v17, $1.000000000e+00  }
0x183: {  	v11 =	vadd.f32 $1.280000000e+02, v3;
	v3 =	vmul.f32 $1.280000000e+02, v6;
	v6 =	vand.u32 $0x7FFFFFFF, v6  }
0x184: {  	v14 =	vadd.f32 $1.280000000e+02, v14;
	v7 =	vtrunc.f32 v7;
	v4 =	vadd.f32 $1.280000000e+02, v4  }
0x185: {  	vm0 =	vle.f32 v6, $1.000000000e+00;
	v6 =	vcvt.f32.s32 v7;
	v7 =	vand.u32 $0x7FFFFFFF, v5  }
0x186: {  	v19 =	vld [tilespmem:s29+$0x80C0];
	v13 =	vadd.f32 $1.280000000e+02, v3;
	v11 =	vtrunc.f32 v11;
	v14 =	vtrunc.f32 v14  }
0x187: {  	v5 =	vld [tilespmem:s29+$0x80D0];
	v16 =	vtrunc.f32 v4;
	v4 =	vand.u32 $0x7FFFFFFF, v10;
	v14 =	vcvt.f32.s32 v14  }
0x188: {  	v3 =	vld [tilespmem:s29+$0x80E0];
	v25 =	vcvt.f32.s32 v11;
	v6 =	vshll.u32 v6, $0x4;
	v13 =	vtrunc.f32 v13  }
0x189: {  	v18 =	vld [tilespmem:s29+$0x80B0];
	v22 =	vor.u32 v2, v6;
	v6 =	vmul.f32 $1.280000000e+02, v10;
	v10 =	vcvt.f32.s32 v16  }
0x18a: {  	v23 =	vld [tilespmem:s29+$0x8090];
	vm4 =	vle.f32 v7, $1.000000000e+00;
	v16 =	vmul.f32 $1.280000000e+02, v8;
	v8 =	vtrunc.f32 v9  }
0x18b: {  	v24 =	vld [tilespmem:s29+$0x8080];
	v11 =	vshll.u32 v14, $0x4;
	v17 =	vshll.u32 v25, $0x4;
	v9 =	vcvt.f32.s32 v8  }
0x18c: {  	v8 =	vand.u32 $0x7FFFFFFF, v19;
	v11 =	vor.u32 v2, v11;
	v20 =	vmul.f32 $1.280000000e+02, v5  }
0x18d: {  	v7 =	vmul.f32 $1.280000000e+02, v3;
	v6 =	vadd.f32 $1.280000000e+02, v6;
	v15 =	vshll.u32 v10, $0x4  }
0x18e: {  	v10 =	vand.u32 $0x7FFFFFFF, v18;
	v12 =	vadd.f32 $1.280000000e+02, v20;
	v20 =	vcvt.f32.s32 v13  }
0x18f: {  	v26 =	vld [tilespmem:s29+$0x80A0];
	v16 =	vadd.f32 $1.280000000e+02, v16;
	v13 =	vor.u32 v2, v15;
	v15 =	vmul.f32 $1.280000000e+02, v23  }
0x190: {  	v9 =	vshll.u32 v9, $0x4;
	v14 =	vshll.u32 v20, $0x4;
	v20 =	vmul.f32 $1.280000000e+02, v24  }
0x191: {  	v9 =	vor.u32 v2, v9;
	v27 =	vtrunc.f32 v16;
	v16 =	vadd.f32 $1.280000000e+02, v15  }
0x192: {  	v15 =	vand.u32 $0x7FFFFFFF, v24;
	v24 =	vmul.f32 $1.280000000e+02, v18;
	v20 =	vadd.f32 $1.280000000e+02, v20  }
0x193: {  	[tilespmem:v22+s20+$0x0] =	vst.idx.add.f32.msk vm8, v1;
	v22 =	vcvt.f32.s32 v27;
	v18 =	vadd.f32 $1.280000000e+02, v21;
	vm7 =	vle.f32 v15, $1.000000000e+00  }
0x194: {  	v15 =	vmul.f32 $1.280000000e+02, v26;
	v24 =	vadd.f32 $1.280000000e+02, v24;
	v20 =	vtrunc.f32 v20  }
0x195: {  	v14 =	vor.u32 v2, v14;
	v21 =	vtrunc.f32 v16;
	v25 =	vcvt.f32.s32 v20  }
0x196: {  	v16 =	vand.u32 $0x7FFFFFFF, v26;
	v21 =	vcvt.f32.s32 v21;
	v24 =	vtrunc.f32 v24  }
0x197: {  	s29 =	simm.s32 $0x400;
	v20 =	vmul.f32 $1.280000000e+02, v19;
	v19 =	vand.u32 $0x7FFFFFFF, v23;
	v23 =	vshll.u32 v25, $0x4  }
.LBB2_12:
0x198: {  	p0 =	sne.s32 s29, $0x1FC00;
	v24 =	vcvt.f32.s32 v24;
	v17 =	vor.u32 v2, v17;
	v23 =	vor.u32 v2, v23;
	s30 =	smov.u32 s29;
	s29 =	sadd.s32 $0x400, s29  }
0x199: {  	v18 =	vtrunc.f32 v18;
	v21 =	vshll.u32 v21, $0x4;
	v20 =	vadd.f32 $1.280000000e+02, v20  }
0x19a: {  	v22 =	vshll.u32 v22, $0x4;
	v18 =	vcvt.f32.s32 v18;
	v24 =	vshll.u32 v24, $0x4  }
0x19b: {  	vm8 =	vle.f32 v19, $1.000000000e+00;
	v15 =	vadd.f32 $1.280000000e+02, v15;
	v19 =	vor.u32 v2, v24  }
0x19c: {  	vm9 =	vle.f32 v16, $1.000000000e+00;
	v16 =	vtrunc.f32 v20;
	v20 =	vor.u32 v2, v22  }
0x19d: {  	v18 =	vshll.u32 v18, $0x4;
	v16 =	vcvt.f32.s32 v16;
	[tilespmem:v17+s20+$0x0] =	vst.idx.add.f32.msk vm1, v1;
	v17 =	vor.u32 v2, v21  }
0x19e: {  	v12 =	vtrunc.f32 v12;
	v7 =	vadd.f32 $1.280000000e+02, v7;
	v15 =	vtrunc.f32 v15;
	[tilespmem:v13+s20+$0x0] =	vst.idx.add.f32.msk vm4, v1  }
0x19f: {  	vm1 =	vle.f32 v10, $1.000000000e+00;
	v10 =	vshll.u32 v16, $0x4;
	v13 =	vcvt.f32.s32 v15;
	[tilespmem:v14+s20+$0x0] =	vst.idx.add.f32.msk vm0, v1  }
0x1a0: {  	v7 =	vtrunc.f32 v7;
	v10 =	vor.u32 v2, v10;
	v14 =	vor.u32 v2, v18  }
0x1a1: {  	v7 =	vcvt.f32.s32 v7;
	vm0 =	vle.f32 v8, $1.000000000e+00;
	v13 =	vshll.u32 v13, $0x4;
	[tilespmem:v20+s20+$0x0] =	vst.idx.add.f32.msk vm3, v1  }
0x1a2: {  	v5 =	vand.u32 $0x7FFFFFFF, v5;
	v8 =	vcvt.f32.s32 v12;
	[tilespmem:v9+s20+$0x0] =	vst.idx.add.f32.msk vm2, v1;
	v9 =	vor.u32 v2, v13  }
0x1a3: {  	v3 =	vand.u32 $0x7FFFFFFF, v3;
	v6 =	vtrunc.f32 v6;
	v7 =	vshll.u32 v7, $0x4;
	[tilespmem:v11+s20+$0x0] =	vst.idx.add.f32.msk vm5, v1  }
0x1a4: {  	v6 =	vcvt.f32.s32 v6;
	v7 =	vor.u32 v2, v7;
	v8 =	vshll.u32 v8, $0x4  }
0x1a5: {  	vm3 =	vle.f32 v3, $1.000000000e+00;
	vm2 =	vle.f32 v5, $1.000000000e+00;
	v3 =	vor.u32 v2, v8;
	[tilespmem:v14+s20+$0x0] =	vst.idx.add.f32.msk vm6, v1  }
0x1a6: {  	vm4 =	vle.f32 v4, $1.000000000e+00;
	v4 =	vshll.u32 v6, $0x4;
	[tilespmem:v23+s20+$0x0] =	vst.idx.add.f32.msk vm7, v1  }
0x1a7: {  	v4 =	vor.u32 v2, v4;
	[tilespmem:v17+s20+$0x0] =	vst.idx.add.f32.msk vm8, v1  }
0x1a8: {  	[tilespmem:v9+s20+$0x0] =	vst.idx.add.f32.msk vm9, v1  }
0x1a9: {  	[tilespmem:v19+s20+$0x0] =	vst.idx.add.f32.msk vm1, v1  }
0x1aa: {  	[tilespmem:v10+s20+$0x0] =	vst.idx.add.f32.msk vm0, v1  }
0x1ab: {  	[tilespmem:v3+s20+$0x0] =	vst.idx.add.f32.msk vm2, v1  }
0x1ac: {  	[tilespmem:v7+s20+$0x0] =	vst.idx.add.f32.msk vm3, v1  }
0x1ad: {  	s30 =	sshra.s32 s30, $0x2;
	[tilespmem:v4+s20+$0x0] =	vst.idx.add.f32.msk vm4, v1  }
0x1ae: {  	v3 =	vld [tilespmem:s30+$0x8000]  }
0x1af: {  	v4 =	vld [tilespmem:s30+$0x8010]  }
0x1b0: {  	v5 =	vld [tilespmem:s30+$0x8020]  }
0x1b1: {  	v6 =	vld [tilespmem:s30+$0x8030]  }
0x1b2: {  	v8 =	vld [tilespmem:s30+$0x8040]  }
0x1b3: {  	v7 =	vld [tilespmem:s30+$0x8050];
	v9 =	vmul.f32 $1.280000000e+02, v3;
	v3 =	vand.u32 $0x7FFFFFFF, v3  }
0x1b4: {  	vm5 =	vle.f32 v3, $1.000000000e+00;
	v3 =	vmul.f32 $1.280000000e+02, v4;
	v4 =	vand.u32 $0x7FFFFFFF, v4  }
0x1b5: {  	v9 =	vadd.f32 $1.280000000e+02, v9;
	vm1 =	vle.f32 v4, $1.000000000e+00;
	v4 =	vmul.f32 $1.280000000e+02, v5  }
0x1b6: {  	v10 =	vld [tilespmem:s30+$0x80F0];
	v11 =	vadd.f32 $1.280000000e+02, v3;
	v12 =	vmul.f32 $1.280000000e+02, v6;
	v3 =	vand.u32 $0x7FFFFFFF, v6  }
0x1b7: {  	v13 =	vld [tilespmem:s30+$0x8060];
	v6 =	vtrunc.f32 v9;
	v4 =	vadd.f32 $1.280000000e+02, v4;
	vm0 =	vle.f32 v3, $1.000000000e+00  }
0x1b8: {  	v9 =	vand.u32 $0x7FFFFFFF, v5;
	v3 =	vld [tilespmem:s30+$0x80E0];
	v6 =	vcvt.f32.s32 v6;
	v12 =	vadd.f32 $1.280000000e+02, v12  }
0x1b9: {  	v14 =	vand.u32 $0x7FFFFFFF, v8;
	v11 =	vtrunc.f32 v11;
	v15 =	vand.u32 $0x7FFFFFFF, v7;
	v5 =	vld [tilespmem:s30+$0x80D0]  }
0x1ba: {  	v17 =	vtrunc.f32 v4;
	vm2 =	vle.f32 v15, $1.000000000e+00;
	v16 =	vld [tilespmem:s30+$0x8070];
	v6 =	vshll.u32 v6, $0x4  }
0x1bb: {  	v7 =	vmul.f32 $1.280000000e+02, v7;
	v19 =	vld [tilespmem:s30+$0x80C0];
	v4 =	vand.u32 $0x7FFFFFFF, v10;
	v15 =	vor.u32 v2, v6  }
0x1bc: {  	vm3 =	vle.f32 v14, $1.000000000e+00;
	v18 =	vtrunc.f32 v12;
	v6 =	vmul.f32 $1.280000000e+02, v10;
	v20 =	vld [tilespmem:s30+$0x80B0]  }
0x1bd: {  	vm4 =	vle.f32 v9, $1.000000000e+00;
	v9 =	vadd.f32 $1.280000000e+02, v7;
	v10 =	vcvt.f32.s32 v17;
	v21 =	vld [tilespmem:s30+$0x80A0]  }
0x1be: {  	v12 =	vmul.f32 $1.280000000e+02, v13;
	v7 =	vmul.f32 $1.280000000e+02, v3;
	v6 =	vadd.f32 $1.280000000e+02, v6;
	v22 =	vld [tilespmem:s30+$0x8080]  }
0x1bf: {  	v17 =	vmul.f32 $1.280000000e+02, v8;
	v8 =	vtrunc.f32 v9;
	v14 =	vshll.u32 v10, $0x4;
	v23 =	vld [tilespmem:s30+$0x8090]  }
0x1c0: {  	v9 =	vcvt.f32.s32 v8;
	v12 =	vadd.f32 $1.280000000e+02, v12;
	v24 =	vmul.f32 $1.280000000e+02, v5;
	[tilespmem:v15+s20+$0x0] =	vst.idx.add.f32.msk vm5, v1  }
0x1c1: {  	v15 =	vand.u32 $0x7FFFFFFF, v13;
	v8 =	vand.u32 $0x7FFFFFFF, v19;
	v10 =	vand.u32 $0x7FFFFFFF, v20  }
0x1c2: {  	v9 =	vshll.u32 v9, $0x4;
	v13 =	vtrunc.f32 v12;
	v12 =	vadd.f32 $1.280000000e+02, v24  }
0x1c3: {  	v18 =	vcvt.f32.s32 v18;
	v9 =	vor.u32 v2, v9;
	v24 =	vcvt.f32.s32 v13  }
0x1c4: {  	v25 =	vcvt.f32.s32 v11;
	v17 =	vadd.f32 $1.280000000e+02, v17;
	v13 =	vor.u32 v2, v14  }
0x1c5: {  	vm5 =	vle.f32 v15, $1.000000000e+00;
	v11 =	vshll.u32 v24, $0x4;
	v24 =	vmul.f32 $1.280000000e+02, v16  }
0x1c6: {  	v14 =	vshll.u32 v18, $0x4;
	v15 =	vmul.f32 $1.280000000e+02, v23;
	v11 =	vor.u32 v2, v11  }
0x1c7: {  	v14 =	vor.u32 v2, v14;
	v16 =	vand.u32 $0x7FFFFFFF, v16;
	v18 =	vmul.f32 $1.280000000e+02, v22  }
0x1c8: {  	v26 =	vtrunc.f32 v17;
	vm6 =	vle.f32 v16, $1.000000000e+00;
	v16 =	vadd.f32 $1.280000000e+02, v15  }
0x1c9: {  	v17 =	vshll.u32 v25, $0x4;
	v25 =	vadd.f32 $1.280000000e+02, v18;
	v15 =	vmul.f32 $1.280000000e+02, v21  }
.Ltmp5:
0x1ca: {  	v20 =	vmul.f32 $1.280000000e+02, v20;
	v18 =	vadd.f32 $1.280000000e+02, v24;
	v24 =	vtrunc.f32 v16;
	(pc) =	sbr.rel @p0 .LBB2_12-.Ltmp5, $4  }
0x1cb: {  	v22 =	vand.u32 $0x7FFFFFFF, v22;
	v25 =	vtrunc.f32 v25;
	v16 =	vand.u32 $0x7FFFFFFF, v21  }
0x1cc: {  	v27 =	vadd.f32 $1.280000000e+02, v20;
	v20 =	vmul.f32 $1.280000000e+02, v19;
	v25 =	vcvt.f32.s32 v25  }
0x1cd: {  	vm7 =	vle.f32 v22, $1.000000000e+00;
	v19 =	vand.u32 $0x7FFFFFFF, v23;
	v21 =	vcvt.f32.s32 v24  }
0x1ce: {  	v22 =	vcvt.f32.s32 v26;
	v24 =	vtrunc.f32 v27;
	v23 =	vshll.u32 v25, $0x4  }
0x1cf: {  	v24 =	vcvt.f32.s32 v24;
	v17 =	vor.u32 v2, v17  }
0x1d0: {  	v23 =	vor.u32 v2, v23;
	v18 =	vtrunc.f32 v18;
	v21 =	vshll.u32 v21, $0x4  }
0x1d1: {  	v20 =	vadd.f32 $1.280000000e+02, v20;
	vm8 =	vle.f32 v19, $1.000000000e+00;
	v15 =	vadd.f32 $1.280000000e+02, v15  }
0x1d2: {  	vm9 =	vle.f32 v16, $1.000000000e+00;
	v7 =	vadd.f32 $1.280000000e+02, v7;
	v22 =	vshll.u32 v22, $0x4  }
0x1d3: {  	v12 =	vtrunc.f32 v12;
	v18 =	vcvt.f32.s32 v18;
	v22 =	vor.u32 v2, v22  }
0x1d4: {  	vm11 =	vle.f32 v10, $1.000000000e+00;
	vm12 =	vle.f32 v8, $1.000000000e+00;
	v5 =	vand.u32 $0x7FFFFFFF, v5  }
0x1d5: {  	v3 =	vand.u32 $0x7FFFFFFF, v3;
	v15 =	vtrunc.f32 v15;
	v54 =	vshll.u32 v18, $0x4;
	[tilespmem:v17+s20+$0x0] =	vst.idx.add.f32.msk vm1, v1  }
0x1d6: {  	v6 =	vtrunc.f32 v6;
	v57 =	vcvt.f32.s32 v15;
	v58 =	vor.u32 v2, v54;
	[tilespmem:v13+s20+$0x0] =	vst.idx.add.f32.msk vm4, v1  }
0x1d7: {  	v56 =	vor.u32 v2, v21;
	v60 =	vcvt.f32.s32 v12;
	v20 =	vtrunc.f32 v20;
	[tilespmem:v14+s20+$0x0] =	vst.idx.add.f32.msk vm0, v1  }
0x1d8: {  	v6 =	vcvt.f32.s32 v6;
	v55 =	vcvt.f32.s32 v20;
	v13 =	vshll.u32 v57, $0x4;
	[tilespmem:v22+s20+$0x0] =	vst.idx.add.f32.msk vm3, v1  }
0x1d9: {  	v24 =	vshll.u32 v24, $0x4;
	v7 =	vtrunc.f32 v7;
	v61 =	vor.u32 v2, v13;
	[tilespmem:v9+s20+$0x0] =	vst.idx.add.f32.msk vm2, v1  }
0x1da: {  	v53 =	vor.u32 v2, v24;
	v7 =	vcvt.f32.s32 v7;
	v59 =	vshll.u32 v55, $0x4;
	[tilespmem:v11+s20+$0x0] =	vst.idx.add.f32.msk vm5, v1  }
0x1db: {  	vm13 =	vle.f32 v5, $1.000000000e+00;
	v8 =	vshll.u32 v60, $0x4;
	v10 =	vor.u32 v2, v59;
	[tilespmem:v58+s20+$0x0] =	vst.idx.add.f32.msk vm6, v1  }
0x1dc: {  	vm14 =	vle.f32 v3, $1.000000000e+00;
	v3 =	vor.u32 v2, v8;
	v62 =	vshll.u32 v7, $0x4;
	[tilespmem:v23+s20+$0x0] =	vst.idx.add.f32.msk vm7, v1  }
0x1dd: {  	vm15 =	vle.f32 v4, $1.000000000e+00;
	v63 =	vshll.u32 v6, $0x4;
	v5 =	vor.u32 v2, v62;
	[tilespmem:v56+s20+$0x0] =	vst.idx.add.f32.msk vm8, v1  }
0x1de: {  	s28 =	sadd.s32 $0x1, s28;
	v4 =	vor.u32 v2, v63;
	[tilespmem:v61+s20+$0x0] =	vst.idx.add.f32.msk vm9, v1  }
0x1df: {  	p0 =	sne.s32 s28, $0x4;
	[tilespmem:v53+s20+$0x0] =	vst.idx.add.f32.msk vm11, v1  }
.Ltmp6:
0x1e0: {  	[tilespmem:v10+s20+$0x0] =	vst.idx.add.f32.msk vm12, v1;
	(pc) =	sbr.rel @p0 .LBB2_9-.Ltmp6, $4  }
.Ltmp7:
0x1e1: {  	s26 =	sadd.s32 s26, s9;
	[tilespmem:v3+s20+$0x0] =	vst.idx.add.f32.msk vm13, v1;
	(pc) =	sbr.rel @!p0 .LBB2_14-.Ltmp7, $4  }
0x1e2: {  	s26 =	sshrl.u32 s26, $0x3;
	[tilespmem:v5+s20+$0x0] =	vst.idx.add.f32.msk vm14, v1  }
0x1e3: {  	s29 =	sadd.s32 s2, s26;
	s26 =	simm.s32 $0x0;
	[tilespmem:v4+s20+$0x0] =	vst.idx.add.f32.msk vm15, v1  }
0x1e4: {  	[tilespmem:s16], [sflag:$0x2] =	stream.linear.gather [hbm4b:s29+s26], $0x8000, $0x38;
	[tilespmem:$0x13180] =	vst v63  }
0x1e5: {  	_ = 	snop  }
.LBB2_19:
0x1e6: {  	s28 =	sadd.s32 s28, s11  }
0x1e7: {  	s28 =	sshrl.u32 s28, $0x3  }
0x1e8: {  	s26 =	sadd.s32 $0x1, s26;
	s28 =	sadd.s32 s2, s28  }
0x1e9: {  	[tilespmem:s16], [sflag:$0x2] =	stream.linear.gather [hbm4b:s28+s3], $0x8000, $0x38;
	[tilespmem:$0x13180] =	vst v63  }
.LBB2_14:
0x1ea: {  	_ =	swait.ge [sflag:s17], $0x8000  }
0x1eb: {  	[sflag:s17] =	ssyncset.done $0x0  }
0x1ec: {  	s28 =	simm.s32 $0x0;
	[sflag:s17] =	ssyncadd.s32 $0xFFFF8000  }
0x1ed: {  	v3 =	vld [tilespmem:s28+$0x0]  }
0x1ee: {  	v4 =	vld [tilespmem:s28+$0x10]  }
0x1ef: {  	v8 =	vld [tilespmem:s28+$0x40]  }
0x1f0: {  	v9 =	vld [tilespmem:s28+$0x50]  }
0x1f1: {  	v12 =	vld [tilespmem:s28+$0x60];
	_ =	sdelay $0x1  }
0x1f2: {  	v17 =	vld [tilespmem:s28+$0x70]  }
0x1f3: {  	v7 =	vmul.f32 $1.280000000e+02, v3;
	v3 =	vand.u32 $0x7FFFFFFF, v3  }
0x1f4: {  	v5 =	vld [tilespmem:s28+$0x20];
	v14 =	vand.u32 $0x7FFFFFFF, v8;
	v15 =	vand.u32 $0x7FFFFFFF, v9;
	v9 =	vmul.f32 $1.280000000e+02, v9  }
0x1f5: {  	v6 =	vld [tilespmem:s28+$0x30];
	v21 =	vand.u32 $0x7FFFFFFF, v12;
	vm8 =	vle.f32 v3, $1.000000000e+00;
	v3 =	vmul.f32 $1.280000000e+02, v4  }
0x1f6: {  	v4 =	vand.u32 $0x7FFFFFFF, v4;
	vm2 =	vle.f32 v15, $1.000000000e+00;
	vm3 =	vle.f32 v14, $1.000000000e+00  }
0x1f7: {  	v14 =	vmul.f32 $1.280000000e+02, v12;
	vm5 =	vle.f32 v21, $1.000000000e+00;
	v21 =	vmul.f32 $1.280000000e+02, v17  }
0x1f8: {  	v17 =	vand.u32 $0x7FFFFFFF, v17;
	v7 =	vadd.f32 $1.280000000e+02, v7;
	vm1 =	vle.f32 v4, $1.000000000e+00  }
0x1f9: {  	v10 =	vld [tilespmem:s28+$0xF0];
	v4 =	vmul.f32 $1.280000000e+02, v5;
	v9 =	vadd.f32 $1.280000000e+02, v9;
	vm6 =	vle.f32 v17, $1.000000000e+00  }
0x1fa: {  	v11 =	vadd.f32 $1.280000000e+02, v3;
	v3 =	vmul.f32 $1.280000000e+02, v6;
	v6 =	vand.u32 $0x7FFFFFFF, v6  }
0x1fb: {  	v14 =	vadd.f32 $1.280000000e+02, v14;
	v7 =	vtrunc.f32 v7;
	v4 =	vadd.f32 $1.280000000e+02, v4  }
0x1fc: {  	vm0 =	vle.f32 v6, $1.000000000e+00;
	v6 =	vcvt.f32.s32 v7;
	v7 =	vand.u32 $0x7FFFFFFF, v5  }
0x1fd: {  	v19 =	vld [tilespmem:s28+$0xC0];
	v13 =	vadd.f32 $1.280000000e+02, v3;
	v11 =	vtrunc.f32 v11;
	v14 =	vtrunc.f32 v14  }
0x1fe: {  	v5 =	vld [tilespmem:s28+$0xD0];
	v16 =	vtrunc.f32 v4;
	v4 =	vand.u32 $0x7FFFFFFF, v10;
	v14 =	vcvt.f32.s32 v14  }
0x1ff: {  	v3 =	vld [tilespmem:s28+$0xE0];
	v25 =	vcvt.f32.s32 v11;
	v6 =	vshll.u32 v6, $0x4;
	v13 =	vtrunc.f32 v13  }
0x200: {  	v18 =	vld [tilespmem:s28+$0xB0];
	v22 =	vor.u32 v2, v6;
	v6 =	vmul.f32 $1.280000000e+02, v10;
	v10 =	vcvt.f32.s32 v16  }
0x201: {  	v23 =	vld [tilespmem:s28+$0x90];
	vm4 =	vle.f32 v7, $1.000000000e+00;
	v16 =	vmul.f32 $1.280000000e+02, v8;
	v8 =	vtrunc.f32 v9  }
0x202: {  	v24 =	vld [tilespmem:s28+$0x80];
	v11 =	vshll.u32 v14, $0x4;
	v17 =	vshll.u32 v25, $0x4;
	v9 =	vcvt.f32.s32 v8  }
0x203: {  	v8 =	vand.u32 $0x7FFFFFFF, v19;
	v11 =	vor.u32 v2, v11;
	v20 =	vmul.f32 $1.280000000e+02, v5  }
0x204: {  	v7 =	vmul.f32 $1.280000000e+02, v3;
	v6 =	vadd.f32 $1.280000000e+02, v6;
	v15 =	vshll.u32 v10, $0x4  }
0x205: {  	v10 =	vand.u32 $0x7FFFFFFF, v18;
	v12 =	vadd.f32 $1.280000000e+02, v20;
	v20 =	vcvt.f32.s32 v13  }
0x206: {  	v26 =	vld [tilespmem:s28+$0xA0];
	v16 =	vadd.f32 $1.280000000e+02, v16;
	v13 =	vor.u32 v2, v15;
	v15 =	vmul.f32 $1.280000000e+02, v23  }
0x207: {  	v9 =	vshll.u32 v9, $0x4;
	v14 =	vshll.u32 v20, $0x4;
	v20 =	vmul.f32 $1.280000000e+02, v24  }
0x208: {  	v9 =	vor.u32 v2, v9;
	v27 =	vtrunc.f32 v16;
	v16 =	vadd.f32 $1.280000000e+02, v15  }
0x209: {  	v15 =	vand.u32 $0x7FFFFFFF, v24;
	v24 =	vmul.f32 $1.280000000e+02, v18;
	v20 =	vadd.f32 $1.280000000e+02, v20  }
0x20a: {  	[tilespmem:v22+s21+$0x0] =	vst.idx.add.f32.msk vm8, v1;
	v22 =	vcvt.f32.s32 v27;
	v18 =	vadd.f32 $1.280000000e+02, v21;
	vm7 =	vle.f32 v15, $1.000000000e+00  }
0x20b: {  	v15 =	vmul.f32 $1.280000000e+02, v26;
	v24 =	vadd.f32 $1.280000000e+02, v24;
	v20 =	vtrunc.f32 v20  }
0x20c: {  	v14 =	vor.u32 v2, v14;
	v21 =	vtrunc.f32 v16;
	v25 =	vcvt.f32.s32 v20  }
0x20d: {  	v16 =	vand.u32 $0x7FFFFFFF, v26;
	v21 =	vcvt.f32.s32 v21;
	v24 =	vtrunc.f32 v24  }
0x20e: {  	s28 =	simm.s32 $0x400;
	v20 =	vmul.f32 $1.280000000e+02, v19;
	v19 =	vand.u32 $0x7FFFFFFF, v23;
	v23 =	vshll.u32 v25, $0x4  }
.LBB2_15:
0x20f: {  	p0 =	sne.s32 s28, $0x1FC00;
	v24 =	vcvt.f32.s32 v24;
	v17 =	vor.u32 v2, v17;
	v23 =	vor.u32 v2, v23;
	s29 =	smov.u32 s28;
	s28 =	sadd.s32 $0x400, s28  }
0x210: {  	v18 =	vtrunc.f32 v18;
	v21 =	vshll.u32 v21, $0x4;
	v20 =	vadd.f32 $1.280000000e+02, v20  }
0x211: {  	v22 =	vshll.u32 v22, $0x4;
	v18 =	vcvt.f32.s32 v18;
	v24 =	vshll.u32 v24, $0x4  }
0x212: {  	vm8 =	vle.f32 v19, $1.000000000e+00;
	v15 =	vadd.f32 $1.280000000e+02, v15;
	v19 =	vor.u32 v2, v24  }
0x213: {  	vm9 =	vle.f32 v16, $1.000000000e+00;
	v16 =	vtrunc.f32 v20;
	v20 =	vor.u32 v2, v22  }
0x214: {  	v18 =	vshll.u32 v18, $0x4;
	v16 =	vcvt.f32.s32 v16;
	[tilespmem:v17+s21+$0x0] =	vst.idx.add.f32.msk vm1, v1;
	v17 =	vor.u32 v2, v21  }
0x215: {  	v12 =	vtrunc.f32 v12;
	v7 =	vadd.f32 $1.280000000e+02, v7;
	v15 =	vtrunc.f32 v15;
	[tilespmem:v13+s21+$0x0] =	vst.idx.add.f32.msk vm4, v1  }
0x216: {  	vm1 =	vle.f32 v10, $1.000000000e+00;
	v10 =	vshll.u32 v16, $0x4;
	v13 =	vcvt.f32.s32 v15;
	[tilespmem:v14+s21+$0x0] =	vst.idx.add.f32.msk vm0, v1  }
0x217: {  	v7 =	vtrunc.f32 v7;
	v10 =	vor.u32 v2, v10;
	v14 =	vor.u32 v2, v18  }
0x218: {  	v7 =	vcvt.f32.s32 v7;
	vm0 =	vle.f32 v8, $1.000000000e+00;
	v13 =	vshll.u32 v13, $0x4;
	[tilespmem:v20+s21+$0x0] =	vst.idx.add.f32.msk vm3, v1  }
0x219: {  	v5 =	vand.u32 $0x7FFFFFFF, v5;
	v8 =	vcvt.f32.s32 v12;
	[tilespmem:v9+s21+$0x0] =	vst.idx.add.f32.msk vm2, v1;
	v9 =	vor.u32 v2, v13  }
0x21a: {  	v3 =	vand.u32 $0x7FFFFFFF, v3;
	v6 =	vtrunc.f32 v6;
	v7 =	vshll.u32 v7, $0x4;
	[tilespmem:v11+s21+$0x0] =	vst.idx.add.f32.msk vm5, v1  }
0x21b: {  	v6 =	vcvt.f32.s32 v6;
	v7 =	vor.u32 v2, v7;
	v8 =	vshll.u32 v8, $0x4  }
0x21c: {  	vm3 =	vle.f32 v3, $1.000000000e+00;
	vm2 =	vle.f32 v5, $1.000000000e+00;
	v3 =	vor.u32 v2, v8;
	[tilespmem:v14+s21+$0x0] =	vst.idx.add.f32.msk vm6, v1  }
0x21d: {  	vm4 =	vle.f32 v4, $1.000000000e+00;
	v4 =	vshll.u32 v6, $0x4;
	[tilespmem:v23+s21+$0x0] =	vst.idx.add.f32.msk vm7, v1  }
0x21e: {  	v4 =	vor.u32 v2, v4;
	[tilespmem:v17+s21+$0x0] =	vst.idx.add.f32.msk vm8, v1  }
0x21f: {  	[tilespmem:v9+s21+$0x0] =	vst.idx.add.f32.msk vm9, v1  }
0x220: {  	[tilespmem:v19+s21+$0x0] =	vst.idx.add.f32.msk vm1, v1  }
0x221: {  	[tilespmem:v10+s21+$0x0] =	vst.idx.add.f32.msk vm0, v1  }
0x222: {  	[tilespmem:v3+s21+$0x0] =	vst.idx.add.f32.msk vm2, v1  }
0x223: {  	[tilespmem:v7+s21+$0x0] =	vst.idx.add.f32.msk vm3, v1  }
0x224: {  	s29 =	sshra.s32 s29, $0x2;
	[tilespmem:v4+s21+$0x0] =	vst.idx.add.f32.msk vm4, v1  }
0x225: {  	v3 =	vld [tilespmem:s29+$0x0]  }
0x226: {  	v4 =	vld [tilespmem:s29+$0x10]  }
0x227: {  	v5 =	vld [tilespmem:s29+$0x20]  }
0x228: {  	v6 =	vld [tilespmem:s29+$0x30]  }
0x229: {  	v8 =	vld [tilespmem:s29+$0x40]  }
0x22a: {  	v7 =	vld [tilespmem:s29+$0x50];
	v9 =	vmul.f32 $1.280000000e+02, v3;
	v3 =	vand.u32 $0x7FFFFFFF, v3  }
0x22b: {  	vm5 =	vle.f32 v3, $1.000000000e+00;
	v3 =	vmul.f32 $1.280000000e+02, v4;
	v4 =	vand.u32 $0x7FFFFFFF, v4  }
0x22c: {  	v9 =	vadd.f32 $1.280000000e+02, v9;
	vm1 =	vle.f32 v4, $1.000000000e+00;
	v4 =	vmul.f32 $1.280000000e+02, v5  }
0x22d: {  	v10 =	vld [tilespmem:s29+$0xF0];
	v11 =	vadd.f32 $1.280000000e+02, v3;
	v12 =	vmul.f32 $1.280000000e+02, v6;
	v3 =	vand.u32 $0x7FFFFFFF, v6  }
0x22e: {  	v13 =	vld [tilespmem:s29+$0x60];
	v6 =	vtrunc.f32 v9;
	v4 =	vadd.f32 $1.280000000e+02, v4;
	vm0 =	vle.f32 v3, $1.000000000e+00  }
0x22f: {  	v9 =	vand.u32 $0x7FFFFFFF, v5;
	v3 =	vld [tilespmem:s29+$0xE0];
	v6 =	vcvt.f32.s32 v6;
	v12 =	vadd.f32 $1.280000000e+02, v12  }
0x230: {  	v14 =	vand.u32 $0x7FFFFFFF, v8;
	v11 =	vtrunc.f32 v11;
	v15 =	vand.u32 $0x7FFFFFFF, v7;
	v5 =	vld [tilespmem:s29+$0xD0]  }
0x231: {  	v17 =	vtrunc.f32 v4;
	vm2 =	vle.f32 v15, $1.000000000e+00;
	v16 =	vld [tilespmem:s29+$0x70];
	v6 =	vshll.u32 v6, $0x4  }
0x232: {  	v7 =	vmul.f32 $1.280000000e+02, v7;
	v19 =	vld [tilespmem:s29+$0xC0];
	v4 =	vand.u32 $0x7FFFFFFF, v10;
	v15 =	vor.u32 v2, v6  }
0x233: {  	vm3 =	vle.f32 v14, $1.000000000e+00;
	v18 =	vtrunc.f32 v12;
	v6 =	vmul.f32 $1.280000000e+02, v10;
	v20 =	vld [tilespmem:s29+$0xB0]  }
0x234: {  	vm4 =	vle.f32 v9, $1.000000000e+00;
	v9 =	vadd.f32 $1.280000000e+02, v7;
	v10 =	vcvt.f32.s32 v17;
	v21 =	vld [tilespmem:s29+$0xA0]  }
0x235: {  	v12 =	vmul.f32 $1.280000000e+02, v13;
	v7 =	vmul.f32 $1.280000000e+02, v3;
	v6 =	vadd.f32 $1.280000000e+02, v6;
	v22 =	vld [tilespmem:s29+$0x80]  }
0x236: {  	v17 =	vmul.f32 $1.280000000e+02, v8;
	v8 =	vtrunc.f32 v9;
	v14 =	vshll.u32 v10, $0x4;
	v23 =	vld [tilespmem:s29+$0x90]  }
0x237: {  	v9 =	vcvt.f32.s32 v8;
	v12 =	vadd.f32 $1.280000000e+02, v12;
	v24 =	vmul.f32 $1.280000000e+02, v5;
	[tilespmem:v15+s21+$0x0] =	vst.idx.add.f32.msk vm5, v1  }
0x238: {  	v15 =	vand.u32 $0x7FFFFFFF, v13;
	v8 =	vand.u32 $0x7FFFFFFF, v19;
	v10 =	vand.u32 $0x7FFFFFFF, v20  }
0x239: {  	v9 =	vshll.u32 v9, $0x4;
	v13 =	vtrunc.f32 v12;
	v12 =	vadd.f32 $1.280000000e+02, v24  }
0x23a: {  	v18 =	vcvt.f32.s32 v18;
	v9 =	vor.u32 v2, v9;
	v24 =	vcvt.f32.s32 v13  }
0x23b: {  	v25 =	vcvt.f32.s32 v11;
	v17 =	vadd.f32 $1.280000000e+02, v17;
	v13 =	vor.u32 v2, v14  }
0x23c: {  	vm5 =	vle.f32 v15, $1.000000000e+00;
	v11 =	vshll.u32 v24, $0x4;
	v24 =	vmul.f32 $1.280000000e+02, v16  }
0x23d: {  	v14 =	vshll.u32 v18, $0x4;
	v15 =	vmul.f32 $1.280000000e+02, v23;
	v11 =	vor.u32 v2, v11  }
0x23e: {  	v14 =	vor.u32 v2, v14;
	v16 =	vand.u32 $0x7FFFFFFF, v16;
	v18 =	vmul.f32 $1.280000000e+02, v22  }
0x23f: {  	v26 =	vtrunc.f32 v17;
	vm6 =	vle.f32 v16, $1.000000000e+00;
	v16 =	vadd.f32 $1.280000000e+02, v15  }
0x240: {  	v17 =	vshll.u32 v25, $0x4;
	v25 =	vadd.f32 $1.280000000e+02, v18;
	v15 =	vmul.f32 $1.280000000e+02, v21  }
.Ltmp8:
0x241: {  	v20 =	vmul.f32 $1.280000000e+02, v20;
	v18 =	vadd.f32 $1.280000000e+02, v24;
	v24 =	vtrunc.f32 v16;
	(pc) =	sbr.rel @p0 .LBB2_15-.Ltmp8, $4  }
0x242: {  	v22 =	vand.u32 $0x7FFFFFFF, v22;
	v25 =	vtrunc.f32 v25;
	v16 =	vand.u32 $0x7FFFFFFF, v21  }
0x243: {  	v27 =	vadd.f32 $1.280000000e+02, v20;
	v20 =	vmul.f32 $1.280000000e+02, v19;
	v25 =	vcvt.f32.s32 v25  }
0x244: {  	vm7 =	vle.f32 v22, $1.000000000e+00;
	v19 =	vand.u32 $0x7FFFFFFF, v23;
	v21 =	vcvt.f32.s32 v24  }
0x245: {  	v22 =	vcvt.f32.s32 v26;
	v24 =	vtrunc.f32 v27;
	v23 =	vshll.u32 v25, $0x4  }
0x246: {  	v24 =	vcvt.f32.s32 v24;
	v17 =	vor.u32 v2, v17  }
0x247: {  	v23 =	vor.u32 v2, v23;
	v18 =	vtrunc.f32 v18;
	v21 =	vshll.u32 v21, $0x4  }
0x248: {  	v20 =	vadd.f32 $1.280000000e+02, v20;
	vm8 =	vle.f32 v19, $1.000000000e+00;
	v15 =	vadd.f32 $1.280000000e+02, v15  }
0x249: {  	vm9 =	vle.f32 v16, $1.000000000e+00;
	v7 =	vadd.f32 $1.280000000e+02, v7;
	v22 =	vshll.u32 v22, $0x4  }
0x24a: {  	v12 =	vtrunc.f32 v12;
	v18 =	vcvt.f32.s32 v18;
	v22 =	vor.u32 v2, v22  }
0x24b: {  	v5 =	vand.u32 $0x7FFFFFFF, v5;
	v3 =	vand.u32 $0x7FFFFFFF, v3;
	v6 =	vtrunc.f32 v6  }
0x24c: {  	v6 =	vcvt.f32.s32 v6;
	v15 =	vtrunc.f32 v15;
	v16 =	vshll.u32 v18, $0x4;
	[tilespmem:v17+s21+$0x0] =	vst.idx.add.f32.msk vm1, v1  }
0x24d: {  	v20 =	vtrunc.f32 v20;
	[tilespmem:v13+s21+$0x0] =	vst.idx.add.f32.msk vm4, v1;
	v13 =	vcvt.f32.s32 v15;
	v15 =	vor.u32 v2, v16  }
0x24e: {  	v24 =	vshll.u32 v24, $0x4;
	v7 =	vtrunc.f32 v7;
	v18 =	vcvt.f32.s32 v20;
	[tilespmem:v14+s21+$0x0] =	vst.idx.add.f32.msk vm0, v1  }
0x24f: {  	v17 =	vor.u32 v2, v21;
	vm1 =	vle.f32 v10, $1.000000000e+00;
	v13 =	vshll.u32 v13, $0x4;
	[tilespmem:v22+s21+$0x0] =	vst.idx.add.f32.msk vm3, v1  }
0x250: {  	vm0 =	vle.f32 v8, $1.000000000e+00;
	v8 =	vcvt.f32.s32 v12;
	[tilespmem:v9+s21+$0x0] =	vst.idx.add.f32.msk vm2, v1;
	v9 =	vor.u32 v2, v13  }
0x251: {  	v19 =	vor.u32 v2, v24;
	v7 =	vcvt.f32.s32 v7;
	v10 =	vshll.u32 v18, $0x4;
	[tilespmem:v11+s21+$0x0] =	vst.idx.add.f32.msk vm5, v1  }
0x252: {  	v10 =	vor.u32 v2, v10;
	v8 =	vshll.u32 v8, $0x4;
	vm2 =	vle.f32 v5, $1.000000000e+00;
	[tilespmem:v15+s21+$0x0] =	vst.idx.add.f32.msk vm6, v1  }
0x253: {  	vm3 =	vle.f32 v3, $1.000000000e+00;
	v5 =	vshll.u32 v7, $0x4;
	v3 =	vor.u32 v2, v8;
	[tilespmem:v23+s21+$0x0] =	vst.idx.add.f32.msk vm7, v1  }
0x254: {  	vm4 =	vle.f32 v4, $1.000000000e+00;
	v4 =	vshll.u32 v6, $0x4;
	v5 =	vor.u32 v2, v5;
	[tilespmem:v17+s21+$0x0] =	vst.idx.add.f32.msk vm8, v1  }
0x255: {  	v4 =	vor.u32 v2, v4;
	[tilespmem:v9+s21+$0x0] =	vst.idx.add.f32.msk vm9, v1  }
0x256: {  	[tilespmem:v19+s21+$0x0] =	vst.idx.add.f32.msk vm1, v1  }
0x257: {  	s28 =	sshll.u32 s26, $0x10;
	p0 =	seq.s32 s26, $0x3;
	[tilespmem:v10+s21+$0x0] =	vst.idx.add.f32.msk vm0, v1  }
0x258: {  	s29 =	sadd.s32 @!p0 s28, s10;
	[tilespmem:v3+s21+$0x0] =	vst.idx.add.f32.msk vm2, v1  }
0x259: {  	s29 =	sshrl.u32 @!p0 s29, $0x3;
	[tilespmem:v5+s21+$0x0] =	vst.idx.add.f32.msk vm3, v1  }
0x25a: {  	s30 =	simm.s32 @!p0 $0x0;
	s29 =	sadd.s32 @!p0 s2, s29;
	[tilespmem:v4+s21+$0x0] =	vst.idx.add.f32.msk vm4, v1  }
0x25b: {  	[tilespmem:s30], [sflag:$0x1] =	stream.linear.gather @!p0 [hbm4b:s29+s30], $0x8000, $0x38;
	[tilespmem:$0x13180] =	vst v63  }
0x25c: {  	_ =	swait.ge [sflag:s19], $0x8000  }
0x25d: {  	[sflag:s19] =	ssyncset.done $0x0  }
0x25e: {  	s29 =	simm.s32 $0x0;
	[sflag:s19] =	ssyncadd.s32 $0xFFFF8000  }
0x25f: {  	v3 =	vld [tilespmem:s29+$0x8000]  }
0x260: {  	v4 =	vld [tilespmem:s29+$0x8010]  }
0x261: {  	v8 =	vld [tilespmem:s29+$0x8040]  }
0x262: {  	v9 =	vld [tilespmem:s29+$0x8050]  }
0x263: {  	v12 =	vld [tilespmem:s29+$0x8060];
	_ =	sdelay $0x1  }
0x264: {  	v17 =	vld [tilespmem:s29+$0x8070]  }
0x265: {  	v7 =	vmul.f32 $1.280000000e+02, v3;
	v3 =	vand.u32 $0x7FFFFFFF, v3  }
0x266: {  	v5 =	vld [tilespmem:s29+$0x8020];
	v14 =	vand.u32 $0x7FFFFFFF, v8;
	v15 =	vand.u32 $0x7FFFFFFF, v9;
	v9 =	vmul.f32 $1.280000000e+02, v9  }
0x267: {  	v6 =	vld [tilespmem:s29+$0x8030];
	v21 =	vand.u32 $0x7FFFFFFF, v12;
	vm8 =	vle.f32 v3, $1.000000000e+00;
	v3 =	vmul.f32 $1.280000000e+02, v4  }
0x268: {  	v4 =	vand.u32 $0x7FFFFFFF, v4;
	vm2 =	vle.f32 v15, $1.000000000e+00;
	vm3 =	vle.f32 v14, $1.000000000e+00  }
0x269: {  	v14 =	vmul.f32 $1.280000000e+02, v12;
	vm5 =	vle.f32 v21, $1.000000000e+00;
	v21 =	vmul.f32 $1.280000000e+02, v17  }
0x26a: {  	v17 =	vand.u32 $0x7FFFFFFF, v17;
	v7 =	vadd.f32 $1.280000000e+02, v7;
	vm1 =	vle.f32 v4, $1.000000000e+00  }
0x26b: {  	v10 =	vld [tilespmem:s29+$0x80F0];
	v4 =	vmul.f32 $1.280000000e+02, v5;
	v9 =	vadd.f32 $1.280000000e+02, v9;
	vm6 =	vle.f32 v17, $1.000000000e+00  }
0x26c: {  	v11 =	vadd.f32 $1.280000000e+02, v3;
	v3 =	vmul.f32 $1.280000000e+02, v6;
	v6 =	vand.u32 $0x7FFFFFFF, v6  }
0x26d: {  	v14 =	vadd.f32 $1.280000000e+02, v14;
	v7 =	vtrunc.f32 v7;
	v4 =	vadd.f32 $1.280000000e+02, v4  }
0x26e: {  	vm0 =	vle.f32 v6, $1.000000000e+00;
	v6 =	vcvt.f32.s32 v7;
	v7 =	vand.u32 $0x7FFFFFFF, v5  }
0x26f: {  	v19 =	vld [tilespmem:s29+$0x80C0];
	v13 =	vadd.f32 $1.280000000e+02, v3;
	v11 =	vtrunc.f32 v11;
	v14 =	vtrunc.f32 v14  }
0x270: {  	v5 =	vld [tilespmem:s29+$0x80D0];
	v16 =	vtrunc.f32 v4;
	v4 =	vand.u32 $0x7FFFFFFF, v10;
	v14 =	vcvt.f32.s32 v14  }
0x271: {  	v3 =	vld [tilespmem:s29+$0x80E0];
	v25 =	vcvt.f32.s32 v11;
	v6 =	vshll.u32 v6, $0x4;
	v13 =	vtrunc.f32 v13  }
0x272: {  	v18 =	vld [tilespmem:s29+$0x80B0];
	v22 =	vor.u32 v2, v6;
	v6 =	vmul.f32 $1.280000000e+02, v10;
	v10 =	vcvt.f32.s32 v16  }
0x273: {  	v23 =	vld [tilespmem:s29+$0x8090];
	vm4 =	vle.f32 v7, $1.000000000e+00;
	v16 =	vmul.f32 $1.280000000e+02, v8;
	v8 =	vtrunc.f32 v9  }
0x274: {  	v24 =	vld [tilespmem:s29+$0x8080];
	v11 =	vshll.u32 v14, $0x4;
	v17 =	vshll.u32 v25, $0x4;
	v9 =	vcvt.f32.s32 v8  }
0x275: {  	v8 =	vand.u32 $0x7FFFFFFF, v19;
	v11 =	vor.u32 v2, v11;
	v20 =	vmul.f32 $1.280000000e+02, v5  }
0x276: {  	v7 =	vmul.f32 $1.280000000e+02, v3;
	v6 =	vadd.f32 $1.280000000e+02, v6;
	v15 =	vshll.u32 v10, $0x4  }
0x277: {  	v10 =	vand.u32 $0x7FFFFFFF, v18;
	v12 =	vadd.f32 $1.280000000e+02, v20;
	v20 =	vcvt.f32.s32 v13  }
0x278: {  	v26 =	vld [tilespmem:s29+$0x80A0];
	v16 =	vadd.f32 $1.280000000e+02, v16;
	v13 =	vor.u32 v2, v15;
	v15 =	vmul.f32 $1.280000000e+02, v23  }
0x279: {  	v9 =	vshll.u32 v9, $0x4;
	v14 =	vshll.u32 v20, $0x4;
	v20 =	vmul.f32 $1.280000000e+02, v24  }
0x27a: {  	v9 =	vor.u32 v2, v9;
	v27 =	vtrunc.f32 v16;
	v16 =	vadd.f32 $1.280000000e+02, v15  }
0x27b: {  	v15 =	vand.u32 $0x7FFFFFFF, v24;
	v24 =	vmul.f32 $1.280000000e+02, v18;
	v20 =	vadd.f32 $1.280000000e+02, v20  }
0x27c: {  	[tilespmem:v22+s21+$0x0] =	vst.idx.add.f32.msk vm8, v1;
	v22 =	vcvt.f32.s32 v27;
	v18 =	vadd.f32 $1.280000000e+02, v21;
	vm7 =	vle.f32 v15, $1.000000000e+00  }
0x27d: {  	v15 =	vmul.f32 $1.280000000e+02, v26;
	v24 =	vadd.f32 $1.280000000e+02, v24;
	v20 =	vtrunc.f32 v20  }
0x27e: {  	v14 =	vor.u32 v2, v14;
	v21 =	vtrunc.f32 v16;
	v25 =	vcvt.f32.s32 v20  }
0x27f: {  	v16 =	vand.u32 $0x7FFFFFFF, v26;
	v21 =	vcvt.f32.s32 v21;
	v24 =	vtrunc.f32 v24  }
0x280: {  	s29 =	simm.s32 $0x400;
	v20 =	vmul.f32 $1.280000000e+02, v19;
	v19 =	vand.u32 $0x7FFFFFFF, v23;
	v23 =	vshll.u32 v25, $0x4  }
.LBB2_17:
0x281: {  	p1 =	sne.s32 s29, $0x1FC00;
	v24 =	vcvt.f32.s32 v24;
	v17 =	vor.u32 v2, v17;
	v23 =	vor.u32 v2, v23;
	s30 =	smov.u32 s29;
	s29 =	sadd.s32 $0x400, s29  }
0x282: {  	v18 =	vtrunc.f32 v18;
	v21 =	vshll.u32 v21, $0x4;
	v20 =	vadd.f32 $1.280000000e+02, v20  }
0x283: {  	v22 =	vshll.u32 v22, $0x4;
	v18 =	vcvt.f32.s32 v18;
	v24 =	vshll.u32 v24, $0x4  }
0x284: {  	vm8 =	vle.f32 v19, $1.000000000e+00;
	v15 =	vadd.f32 $1.280000000e+02, v15;
	v19 =	vor.u32 v2, v24  }
0x285: {  	vm9 =	vle.f32 v16, $1.000000000e+00;
	v16 =	vtrunc.f32 v20;
	v20 =	vor.u32 v2, v22  }
0x286: {  	v18 =	vshll.u32 v18, $0x4;
	v16 =	vcvt.f32.s32 v16;
	[tilespmem:v17+s21+$0x0] =	vst.idx.add.f32.msk vm1, v1;
	v17 =	vor.u32 v2, v21  }
0x287: {  	v12 =	vtrunc.f32 v12;
	v7 =	vadd.f32 $1.280000000e+02, v7;
	v15 =	vtrunc.f32 v15;
	[tilespmem:v13+s21+$0x0] =	vst.idx.add.f32.msk vm4, v1  }
0x288: {  	vm1 =	vle.f32 v10, $1.000000000e+00;
	v10 =	vshll.u32 v16, $0x4;
	v13 =	vcvt.f32.s32 v15;
	[tilespmem:v14+s21+$0x0] =	vst.idx.add.f32.msk vm0, v1  }
0x289: {  	v7 =	vtrunc.f32 v7;
	v10 =	vor.u32 v2, v10;
	v14 =	vor.u32 v2, v18  }
0x28a: {  	v7 =	vcvt.f32.s32 v7;
	vm0 =	vle.f32 v8, $1.000000000e+00;
	v13 =	vshll.u32 v13, $0x4;
	[tilespmem:v20+s21+$0x0] =	vst.idx.add.f32.msk vm3, v1  }
0x28b: {  	v5 =	vand.u32 $0x7FFFFFFF, v5;
	v8 =	vcvt.f32.s32 v12;
	[tilespmem:v9+s21+$0x0] =	vst.idx.add.f32.msk vm2, v1;
	v9 =	vor.u32 v2, v13  }
0x28c: {  	v3 =	vand.u32 $0x7FFFFFFF, v3;
	v6 =	vtrunc.f32 v6;
	v7 =	vshll.u32 v7, $0x4;
	[tilespmem:v11+s21+$0x0] =	vst.idx.add.f32.msk vm5, v1  }
0x28d: {  	v6 =	vcvt.f32.s32 v6;
	v7 =	vor.u32 v2, v7;
	v8 =	vshll.u32 v8, $0x4  }
0x28e: {  	vm3 =	vle.f32 v3, $1.000000000e+00;
	vm2 =	vle.f32 v5, $1.000000000e+00;
	v3 =	vor.u32 v2, v8;
	[tilespmem:v14+s21+$0x0] =	vst.idx.add.f32.msk vm6, v1  }
0x28f: {  	vm4 =	vle.f32 v4, $1.000000000e+00;
	v4 =	vshll.u32 v6, $0x4;
	[tilespmem:v23+s21+$0x0] =	vst.idx.add.f32.msk vm7, v1  }
0x290: {  	v4 =	vor.u32 v2, v4;
	[tilespmem:v17+s21+$0x0] =	vst.idx.add.f32.msk vm8, v1  }
0x291: {  	[tilespmem:v9+s21+$0x0] =	vst.idx.add.f32.msk vm9, v1  }
0x292: {  	[tilespmem:v19+s21+$0x0] =	vst.idx.add.f32.msk vm1, v1  }
0x293: {  	[tilespmem:v10+s21+$0x0] =	vst.idx.add.f32.msk vm0, v1  }
0x294: {  	[tilespmem:v3+s21+$0x0] =	vst.idx.add.f32.msk vm2, v1  }
0x295: {  	[tilespmem:v7+s21+$0x0] =	vst.idx.add.f32.msk vm3, v1  }
0x296: {  	s30 =	sshra.s32 s30, $0x2;
	[tilespmem:v4+s21+$0x0] =	vst.idx.add.f32.msk vm4, v1  }
0x297: {  	v3 =	vld [tilespmem:s30+$0x8000]  }
0x298: {  	v4 =	vld [tilespmem:s30+$0x8010]  }
0x299: {  	v5 =	vld [tilespmem:s30+$0x8020]  }
0x29a: {  	v6 =	vld [tilespmem:s30+$0x8030]  }
0x29b: {  	v8 =	vld [tilespmem:s30+$0x8040]  }
0x29c: {  	v7 =	vld [tilespmem:s30+$0x8050];
	v9 =	vmul.f32 $1.280000000e+02, v3;
	v3 =	vand.u32 $0x7FFFFFFF, v3  }
0x29d: {  	vm5 =	vle.f32 v3, $1.000000000e+00;
	v3 =	vmul.f32 $1.280000000e+02, v4;
	v4 =	vand.u32 $0x7FFFFFFF, v4  }
0x29e: {  	v9 =	vadd.f32 $1.280000000e+02, v9;
	vm1 =	vle.f32 v4, $1.000000000e+00;
	v4 =	vmul.f32 $1.280000000e+02, v5  }
0x29f: {  	v10 =	vld [tilespmem:s30+$0x80F0];
	v11 =	vadd.f32 $1.280000000e+02, v3;
	v12 =	vmul.f32 $1.280000000e+02, v6;
	v3 =	vand.u32 $0x7FFFFFFF, v6  }
0x2a0: {  	v13 =	vld [tilespmem:s30+$0x8060];
	v6 =	vtrunc.f32 v9;
	v4 =	vadd.f32 $1.280000000e+02, v4;
	vm0 =	vle.f32 v3, $1.000000000e+00  }
0x2a1: {  	v9 =	vand.u32 $0x7FFFFFFF, v5;
	v3 =	vld [tilespmem:s30+$0x80E0];
	v6 =	vcvt.f32.s32 v6;
	v12 =	vadd.f32 $1.280000000e+02, v12  }
0x2a2: {  	v14 =	vand.u32 $0x7FFFFFFF, v8;
	v11 =	vtrunc.f32 v11;
	v15 =	vand.u32 $0x7FFFFFFF, v7;
	v5 =	vld [tilespmem:s30+$0x80D0]  }
0x2a3: {  	v17 =	vtrunc.f32 v4;
	vm2 =	vle.f32 v15, $1.000000000e+00;
	v16 =	vld [tilespmem:s30+$0x8070];
	v6 =	vshll.u32 v6, $0x4  }
0x2a4: {  	v7 =	vmul.f32 $1.280000000e+02, v7;
	v19 =	vld [tilespmem:s30+$0x80C0];
	v4 =	vand.u32 $0x7FFFFFFF, v10;
	v15 =	vor.u32 v2, v6  }
0x2a5: {  	vm3 =	vle.f32 v14, $1.000000000e+00;
	v18 =	vtrunc.f32 v12;
	v6 =	vmul.f32 $1.280000000e+02, v10;
	v20 =	vld [tilespmem:s30+$0x80B0]  }
0x2a6: {  	vm4 =	vle.f32 v9, $1.000000000e+00;
	v9 =	vadd.f32 $1.280000000e+02, v7;
	v10 =	vcvt.f32.s32 v17;
	v21 =	vld [tilespmem:s30+$0x80A0]  }
0x2a7: {  	v12 =	vmul.f32 $1.280000000e+02, v13;
	v7 =	vmul.f32 $1.280000000e+02, v3;
	v6 =	vadd.f32 $1.280000000e+02, v6;
	v22 =	vld [tilespmem:s30+$0x8080]  }
0x2a8: {  	v17 =	vmul.f32 $1.280000000e+02, v8;
	v8 =	vtrunc.f32 v9;
	v14 =	vshll.u32 v10, $0x4;
	v23 =	vld [tilespmem:s30+$0x8090]  }
0x2a9: {  	v9 =	vcvt.f32.s32 v8;
	v12 =	vadd.f32 $1.280000000e+02, v12;
	v24 =	vmul.f32 $1.280000000e+02, v5;
	[tilespmem:v15+s21+$0x0] =	vst.idx.add.f32.msk vm5, v1  }
0x2aa: {  	v15 =	vand.u32 $0x7FFFFFFF, v13;
	v8 =	vand.u32 $0x7FFFFFFF, v19;
	v10 =	vand.u32 $0x7FFFFFFF, v20  }
0x2ab: {  	v9 =	vshll.u32 v9, $0x4;
	v13 =	vtrunc.f32 v12;
	v12 =	vadd.f32 $1.280000000e+02, v24  }
0x2ac: {  	v18 =	vcvt.f32.s32 v18;
	v9 =	vor.u32 v2, v9;
	v24 =	vcvt.f32.s32 v13  }
0x2ad: {  	v25 =	vcvt.f32.s32 v11;
	v17 =	vadd.f32 $1.280000000e+02, v17;
	v13 =	vor.u32 v2, v14  }
0x2ae: {  	vm5 =	vle.f32 v15, $1.000000000e+00;
	v11 =	vshll.u32 v24, $0x4;
	v24 =	vmul.f32 $1.280000000e+02, v16  }
0x2af: {  	v14 =	vshll.u32 v18, $0x4;
	v15 =	vmul.f32 $1.280000000e+02, v23;
	v11 =	vor.u32 v2, v11  }
0x2b0: {  	v14 =	vor.u32 v2, v14;
	v16 =	vand.u32 $0x7FFFFFFF, v16;
	v18 =	vmul.f32 $1.280000000e+02, v22  }
0x2b1: {  	v26 =	vtrunc.f32 v17;
	vm6 =	vle.f32 v16, $1.000000000e+00;
	v16 =	vadd.f32 $1.280000000e+02, v15  }
0x2b2: {  	v17 =	vshll.u32 v25, $0x4;
	v25 =	vadd.f32 $1.280000000e+02, v18;
	v15 =	vmul.f32 $1.280000000e+02, v21  }
.Ltmp9:
0x2b3: {  	v20 =	vmul.f32 $1.280000000e+02, v20;
	v18 =	vadd.f32 $1.280000000e+02, v24;
	v24 =	vtrunc.f32 v16;
	(pc) =	sbr.rel @p1 .LBB2_17-.Ltmp9, $4  }
0x2b4: {  	v22 =	vand.u32 $0x7FFFFFFF, v22;
	v25 =	vtrunc.f32 v25;
	v16 =	vand.u32 $0x7FFFFFFF, v21  }
0x2b5: {  	v27 =	vadd.f32 $1.280000000e+02, v20;
	v20 =	vmul.f32 $1.280000000e+02, v19;
	v25 =	vcvt.f32.s32 v25  }
0x2b6: {  	vm7 =	vle.f32 v22, $1.000000000e+00;
	v19 =	vand.u32 $0x7FFFFFFF, v23;
	v21 =	vcvt.f32.s32 v24  }
0x2b7: {  	v22 =	vcvt.f32.s32 v26;
	v24 =	vtrunc.f32 v27;
	v23 =	vshll.u32 v25, $0x4  }
0x2b8: {  	v24 =	vcvt.f32.s32 v24;
	v17 =	vor.u32 v2, v17  }
0x2b9: {  	v23 =	vor.u32 v2, v23;
	v18 =	vtrunc.f32 v18;
	v21 =	vshll.u32 v21, $0x4  }
0x2ba: {  	v20 =	vadd.f32 $1.280000000e+02, v20;
	vm8 =	vle.f32 v19, $1.000000000e+00;
	v15 =	vadd.f32 $1.280000000e+02, v15  }
0x2bb: {  	vm9 =	vle.f32 v16, $1.000000000e+00;
	v7 =	vadd.f32 $1.280000000e+02, v7;
	v22 =	vshll.u32 v22, $0x4  }
0x2bc: {  	v12 =	vtrunc.f32 v12;
	v18 =	vcvt.f32.s32 v18;
	v22 =	vor.u32 v2, v22  }
0x2bd: {  	vm11 =	vle.f32 v10, $1.000000000e+00;
	vm12 =	vle.f32 v8, $1.000000000e+00;
	v5 =	vand.u32 $0x7FFFFFFF, v5  }
0x2be: {  	v3 =	vand.u32 $0x7FFFFFFF, v3;
	v15 =	vtrunc.f32 v15;
	v54 =	vshll.u32 v18, $0x4;
	[tilespmem:v17+s21+$0x0] =	vst.idx.add.f32.msk vm1, v1  }
0x2bf: {  	v6 =	vtrunc.f32 v6;
	v57 =	vcvt.f32.s32 v15;
	v58 =	vor.u32 v2, v54;
	[tilespmem:v13+s21+$0x0] =	vst.idx.add.f32.msk vm4, v1  }
0x2c0: {  	v56 =	vor.u32 v2, v21;
	v60 =	vcvt.f32.s32 v12;
	v20 =	vtrunc.f32 v20;
	[tilespmem:v14+s21+$0x0] =	vst.idx.add.f32.msk vm0, v1  }
0x2c1: {  	v6 =	vcvt.f32.s32 v6;
	v55 =	vcvt.f32.s32 v20;
	v13 =	vshll.u32 v57, $0x4;
	[tilespmem:v22+s21+$0x0] =	vst.idx.add.f32.msk vm3, v1  }
0x2c2: {  	v24 =	vshll.u32 v24, $0x4;
	v7 =	vtrunc.f32 v7;
	v61 =	vor.u32 v2, v13;
	[tilespmem:v9+s21+$0x0] =	vst.idx.add.f32.msk vm2, v1  }
0x2c3: {  	v53 =	vor.u32 v2, v24;
	v7 =	vcvt.f32.s32 v7;
	v59 =	vshll.u32 v55, $0x4;
	[tilespmem:v11+s21+$0x0] =	vst.idx.add.f32.msk vm5, v1  }
0x2c4: {  	vm13 =	vle.f32 v5, $1.000000000e+00;
	v8 =	vshll.u32 v60, $0x4;
	v10 =	vor.u32 v2, v59;
	[tilespmem:v58+s21+$0x0] =	vst.idx.add.f32.msk vm6, v1  }
0x2c5: {  	vm14 =	vle.f32 v3, $1.000000000e+00;
	v3 =	vor.u32 v2, v8;
	v62 =	vshll.u32 v7, $0x4;
	[tilespmem:v23+s21+$0x0] =	vst.idx.add.f32.msk vm7, v1  }
0x2c6: {  	vm15 =	vle.f32 v4, $1.000000000e+00;
	v63 =	vshll.u32 v6, $0x4;
	v5 =	vor.u32 v2, v62;
	[tilespmem:v56+s21+$0x0] =	vst.idx.add.f32.msk vm8, v1  }
0x2c7: {  	v4 =	vor.u32 v2, v63;
	[tilespmem:v61+s21+$0x0] =	vst.idx.add.f32.msk vm9, v1  }
.Ltmp10:
0x2c8: {  	[tilespmem:v53+s21+$0x0] =	vst.idx.add.f32.msk vm11, v1;
	(pc) =	sbr.rel @!p0 .LBB2_19-.Ltmp10, $4  }
0x2c9: {  	[tilespmem:v10+s21+$0x0] =	vst.idx.add.f32.msk vm12, v1  }
0x2ca: {  	[tilespmem:v3+s21+$0x0] =	vst.idx.add.f32.msk vm13, v1  }
0x2cb: {  	[tilespmem:v5+s21+$0x0] =	vst.idx.add.f32.msk vm14, v1  }
0x2cc: {  	[tilespmem:v4+s21+$0x0] =	vst.idx.add.f32.msk vm15, v1  }
0x2cd: {  	[hbm4b:s12+s22] =	stream.strided.scatter [tilespmem:s18], [sflag:$0x3], $0x1080, s23, s22, $0x38;
	[tilespmem:$0x13180] =	vst v63  }
0x2ce: {  	_ =	swait.ge [sflag:s24], $0x1080  }
0x2cf: {  	[sflag:s24] =	ssyncset.done $0x0  }
0x2d0: {  	[sflag:s24] =	ssyncadd.s32 $0xFFFFEF80  }
0x2d1: {  	[hbm4b:s13+s22] =	stream.strided.scatter [tilespmem:s20], [sflag:$0x3], $0x1080, s23, s22, $0x38;
	[tilespmem:$0x13180] =	vst v63  }
0x2d2: {  	s25 =	sadd.s32 $0x1, s25;
	_ =	swait.ge [sflag:s24], $0x1080  }
0x2d3: {  	p0 =	sne.s32 s25, s15;
	[sflag:s24] =	ssyncset.done $0x0  }
.Ltmp11:
0x2d4: {  	[sflag:s24] =	ssyncadd.s32 $0xFFFFEF80;
	(pc) =	sbr.rel @p0 .LBB2_1-.Ltmp11, $4  }
0x2d5: {  	[hbm4b:s14+s22] =	stream.strided.scatter [tilespmem:s21], [sflag:$0x3], $0x1080, s23, s22, $0x38;
	[tilespmem:$0x13180] =	vst v63  }
0x2d6: {  	_ =	swait.ge [sflag:s24], $0x1080  }
0x2d7: {  	[sflag:s24] =	ssyncset.done $0x0  }
0x2d8: {  	[sflag:s24] =	ssyncadd.s32 $0xFFFFEF80  }
0x2d9: {  	_ =	sfence.sel $0x180000  }
0x2da: {  	[bflag:$0x0] =	sbarrier.arrive $0xFFFF  }
0x2db: {  	p0 =	sne.s32 s0, $0x0;
	_ =	strace $0x90000047  }
0x2dc: {  	s0 =	sadd.s32 @!p0 $0x100000, s1;
	[bflag:$0x2] =	sbarrier.arrive $0xFFFF  }
0x2dd: {  	[sflag:s0] =	ssyncadd.tile.s32 @!p0 $0x1;
	_ =	shalt  }
.Lfunc_end2:
_tile_overlayer_lowered:
.L_overlay_start_2:
0x2de: {  	(tag) =	ssettag $0x2  }
0x2df: {  	s0 =	rddreg [dreg:$0x0];
	s2 =	stileid.u32  }
0x2e0: {  	s1 =	rddreg [dreg:$0x1];
	p0 =	sne.s32 s2, $0x0  }
0x2e1: {  	s3 =	rddreg [dreg:$0x2];
	[bflag:$0x3] =	sbarrier.arrive $0xFFFF;
	s2 =	simm.s32 @!p0 $0x1C03  }
0x2e2: {  	[timem:s3], [sflag:s2] =	dma.local @!p0 [hbm:s0], s1  }
0x2e3: {  	s0 =	simm.s32 @!p0 $0x3  }
0x2e4: {  	_ =	swait.ge @!p0 [sflag:s0], s1  }
0x2e5: {  	s1 =	ssub.s32 @!p0 $0x0, s1;
	[sflag:s0] =	ssyncset.done @!p0 $0x0  }
0x2e6: {  	[sflag:s0] =	ssyncadd.s32 @!p0 s1  }
0x2e7: {  	[bflag:$0x3] =	sbarrier.arrive $0xFFFF  }
0x2e8: {  	_ =	shalt  }

</sc_bundles>
